<compile_context>
chip_gen: v7x
topology: tpu7x:2x2x1
jax: 0.10.2.dev20260603
libtpu: 0.0.44.dev20260713+nightly
codegen_flags: <defaults>
</compile_context>

<pallas_src>
import dataclasses
import functools

import jax
import jax.numpy as jnp
from jax import lax
from jax.experimental import pallas as pl
from jax.experimental.pallas import tpu as pltpu
from jax.experimental.pallas import tpu_sc as plsc

NC = 2
NS = 16
L = 16

CH = 2048
BCH = 8192


def _sc_compiler_params():
    cp = pltpu.CompilerParams()
    if "needs_layout_passes" in pltpu.CompilerParams.__dataclass_fields__:
        cp = dataclasses.replace(cp, needs_layout_passes=False)
    if "use_tc_tiling_on_sc" in pltpu.CompilerParams.__dataclass_fields__:
        cp = dataclasses.replace(cp, use_tc_tiling_on_sc=False)
    return cp


@functools.partial(jax.jit, static_argnums=(3, 4))
def _sc_build_table_native(map0, map1, subj, RPC0, RPC1):
    M, C, H0, W0 = map0.shape
    H1, W1 = map1.shape[2], map1.shape[3]
    T0, T1 = H0 * W0, H1 * W1
    NW = NC * NS
    n0 = H0 // NW // RPC0
    n1 = H1 // NW // RPC1
    mesh = plsc.VectorSubcoreMesh(core_axis_name="c", subcore_axis_name="s", num_cores=NC, num_subcores=NS)

    @functools.partial(
        pl.kernel,
        out_type=jax.ShapeDtypeStruct(((T0 + T1) // 2, 8), jnp.float32),
        mesh=mesh,
        compiler_params=_sc_compiler_params(),
        scratch_types=[
            [pltpu.VMEM((3, RPC0, W0), jnp.float32) for _ in range(2)],
            [pltpu.VMEM((3, RPC1, W1), jnp.float32) for _ in range(2)],
            [pltpu.VMEM((RPC0 * W0 // 2, 8), jnp.float32) for _ in range(2)],
            pltpu.VMEM((16,), jnp.int32),
            [pltpu.SemaphoreType.DMA for _ in range(4)],
        ],
    )
    def kern(m0_hbm, m1_hbm, subj_hbm, out_hbm, sb0, sb1, obufs, sid_s, sems):
        wid = lax.axis_index("s") * NC + lax.axis_index("c")
        lane = lax.iota(jnp.int32, L)
        pltpu.sync_copy(subj_hbm, sid_s.at[pl.ds(0, 1)])
        sid = sid_s[pl.ds(0, L)][0]

        def run_map(src_hbm, sbufs, W, rpc, n_chunks, out_row_base):
            bch = rpc * W
            row0 = wid * n_chunks * rpc

            def fire_in(g, b):
                for ch in range(3):
                    pltpu.async_copy(
                        src_hbm.at[sid, ch, pl.ds(row0 + g * rpc, rpc), :],
                        sbufs[b].at[ch], sems[b])

            def wait_in(b):
                for ch in range(3):
                    pltpu.make_async_copy(
                        src_hbm.at[0, 0, pl.ds(0, rpc), :],
                        sbufs[b].at[ch], sems[b]).wait()

            def out_dst(g):
                off = (out_row_base + (row0 + g * rpc) * W) // 2
                return out_hbm.at[pl.ds(off, bch // 2)]

            def wait_out(b):
                pltpu.make_async_copy(
                    obufs[b].at[pl.ds(0, bch // 2)], out_dst(0), sems[2 + b]).wait()

            fire_in(0, 0)
            fire_in(1, 1)

            @pl.loop(0, n_chunks, step=2)
            def _(t):
                for b in range(2):
                    g = t + b
                    wait_in(b)

                    @pl.when(g >= 2)
                    def _():
                        wait_out(b)

                    for r in range(rpc):
                        @pl.loop(0, W // L)
                        def _(j):
                            pos = r * W + j * L + lane
                            row = pos >> 1
                            col = (pos & 1) << 2
                            for ch in range(3):
                                v = sbufs[b].at[ch].at[r][pl.ds(j * L, L)]
                                plsc.store_scatter(
                                    obufs[b].at[pl.ds(0, bch // 2)],
                                    [row, col + ch], v)

                    pltpu.async_copy(obufs[b].at[pl.ds(0, bch // 2)],
                                     out_dst(g), sems[2 + b])

                    @pl.when(g + 2 < n_chunks)
                    def _():
                        fire_in(g + 2, b)

            for b in range(2):
                wait_out(b)

        run_map(m0_hbm, sb0, W0, RPC0, n0, 0)
        run_map(m1_hbm, sb1, W1, RPC1, n1, T0)

    return kern(map0, map1, subj)


@functools.partial(jax.jit, static_argnums=(2, 3))
def _sc_build_table(m0sel, m1sel, T0, T1):
    NW = NC * NS
    n0 = T0 // NW // BCH
    n1 = T1 // NW // BCH
    mesh = plsc.VectorSubcoreMesh(core_axis_name="c", subcore_axis_name="s", num_cores=NC, num_subcores=NS)

    @functools.partial(
        pl.kernel,
        out_type=jax.ShapeDtypeStruct(((T0 + T1) // 2, 8), jnp.float32),
        mesh=mesh,
        compiler_params=_sc_compiler_params(),
        scratch_types=[
            [pltpu.VMEM((3, BCH), jnp.float32) for _ in range(2)],
            [pltpu.VMEM((BCH // 2, 8), jnp.float32) for _ in range(2)],
            [pltpu.SemaphoreType.DMA for _ in range(4)],
        ],
    )
    def kern(m0_hbm, m1_hbm, out_hbm, sbufs, obufs, sems):
        wid = lax.axis_index("s") * NC + lax.axis_index("c")
        lane = lax.iota(jnp.int32, L)

        def run_map(src_hbm, plane_words, n_chunks, out_row_base):
            per = n_chunks * BCH
            base = wid * per

            def fire_in(g, b):
                for ch in range(3):
                    pltpu.async_copy(
                        src_hbm.at[pl.ds(base + ch * plane_words + g * BCH, BCH)],
                        sbufs[b].at[ch], sems[b])

            def wait_in(b):
                for ch in range(3):
                    pltpu.make_async_copy(
                        src_hbm.at[pl.ds(0, BCH)], sbufs[b].at[ch], sems[b]).wait()

            def out_dst(g):
                off = (out_row_base + wid * per + g * BCH) // 2
                return out_hbm.at[pl.ds(off, BCH // 2)]

            fire_in(0, 0)
            fire_in(1, 1)

            @pl.loop(0, n_chunks, step=2)
            def _(t):
                for b in range(2):
                    g = t + b
                    wait_in(b)

                    @pl.when(g >= 2)
                    def _():
                        pltpu.make_async_copy(obufs[b], out_dst(0), sems[2 + b]).wait()

                    @pl.loop(0, BCH // L, step=4)
                    def _(j):
                        for u in range(4):
                            pos = (j + u) * L + lane
                            row = pos >> 1
                            col = (pos & 1) << 2
                            for ch in range(3):
                                v = sbufs[b].at[ch][pl.ds((j + u) * L, L)]
                                plsc.store_scatter(obufs[b], [row, col + ch], v)

                    pltpu.async_copy(obufs[b], out_dst(g), sems[2 + b])

                    @pl.when(g + 2 < n_chunks)
                    def _():
                        fire_in(g + 2, b)

            for b in range(2):
                pltpu.make_async_copy(obufs[b], out_dst(0), sems[2 + b]).wait()

        run_map(m0_hbm, T0, n0, 0)
        run_map(m1_hbm, T1, n1, T0)

    return kern(m0sel, m1sel)


@functools.partial(jax.jit, static_argnums=(3, 4, 5, 6))
def _sc_sample(table, uv_flat, idc_flat, H0, W0, H1, W1):
    P = idc_flat.shape[0]
    NW = NC * NS
    per_w = P // NW
    iters = per_w // CH
    base1 = H0 * W0
    mesh = plsc.VectorSubcoreMesh(core_axis_name="c", subcore_axis_name="s", num_cores=NC, num_subcores=NS)

    @functools.partial(
        pl.kernel,
        out_type=jax.ShapeDtypeStruct((3 * P,), jnp.float32),
        mesh=mesh,
        compiler_params=_sc_compiler_params(),
        scratch_types=[
            [pltpu.VMEM((CH * 2,), jnp.float32) for _ in range(2)],
            [pltpu.VMEM((CH,), jnp.int32) for _ in range(2)],
            [pltpu.VMEM((CH // 128, 128), jnp.int32) for _ in range(4)],
            [pltpu.VMEM((CH,), jnp.int32) for _ in range(4)],
            [pltpu.VMEM((CH,), jnp.float32) for _ in range(4)],
            [pltpu.VMEM((CH, 8), jnp.float32) for _ in range(4)],
            [[pltpu.VMEM((CH,), jnp.float32) for _ in range(3)] for _ in range(2)],
            pltpu.SemaphoreType.DMA,
            [pltpu.SemaphoreType.DMA for _ in range(2)],
            [pltpu.SemaphoreType.DMA for _ in range(2)],
        ],
    )
    def kern(t_hbm, uv_hbm, idc_hbm, out_hbm, uv_vs, idc_vs, r_vs, s_vs, w_vs, g_vs,
             o_vs2, sem, sem_in, sem_out):
        wid = lax.axis_index("s") * NC + lax.axis_index("c")
        lane = lax.iota(jnp.int32, L)

        def fire_stage(g, b):
            base = wid * per_w + g * CH
            pltpu.async_copy(uv_hbm.at[pl.ds(base * 2, CH * 2)], uv_vs[b], sem_in[b])
            pltpu.async_copy(idc_hbm.at[pl.ds(base, CH)], idc_vs[b], sem_in[b])

        def wait_stage(b):
            pltpu.make_async_copy(uv_hbm.at[pl.ds(0, CH * 2)], uv_vs[b], sem_in[b]).wait()
            pltpu.make_async_copy(idc_hbm.at[pl.ds(0, CH)], idc_vs[b], sem_in[b]).wait()

        def wait_out(b):
            for ch in range(3):
                pltpu.make_async_copy(
                    o_vs2[b][ch], out_hbm.at[pl.ds(ch * P, CH)], sem_out[b]).wait()

        fire_stage(0, 0)
        fire_stage(1, 1)

        @pl.loop(0, iters, step=2)
        def _(t):
          for b in range(2):
            g = t + b
            uv_v = uv_vs[b]
            idc_v = idc_vs[b]
            o_vs = o_vs2[b]
            base = wid * per_w + g * CH
            wait_stage(b)

            @pl.when(g >= 2)
            def _():
                wait_out(b)

            @pl.loop(0, CH // 128)
            def _(s):
                @pl.loop(0, 128 // L)
                def _(c):
                    off = s * 128 + c * L
                    u = plsc.load_gather(uv_v, [(off + lane) * 2])
                    v = plsc.load_gather(uv_v, [(off + lane) * 2 + 1])
                    m = idc_v[pl.ds(off, L)] == 0
                    halfw = jnp.where(m, (W0 - 1) * 0.5, (W1 - 1) * 0.5)
                    halfh = jnp.where(m, (H0 - 1) * 0.5, (H1 - 1) * 0.5)
                    maxx = jnp.where(m, float(W0 - 1), float(W1 - 1))
                    maxy = jnp.where(m, float(H0 - 1), float(H1 - 1))
                    wi = jnp.where(m, W0, W1)
                    bs = jnp.where(m, 0, base1)
                    x = jnp.clip((u + 1.0) * halfw, 0.0, maxx)
                    y = jnp.clip((v + 1.0) * halfh, 0.0, maxy)
                    xi = x.astype(jnp.int32)
                    yi = y.astype(jnp.int32)
                    wx1 = x - xi.astype(jnp.float32)
                    wy1 = y - yi.astype(jnp.float32)
                    x1 = jnp.minimum(xi + 1, maxx.astype(jnp.int32))
                    y1 = jnp.minimum(yi + 1, maxy.astype(jnp.int32))
                    r0 = bs + yi * wi
                    r1 = bs + y1 * wi
                    cs = pl.ds(c * L, L)
                    ls = pl.ds(off, L)
                    t00 = r0 + xi
                    t01 = r0 + x1
                    t10 = r1 + xi
                    t11 = r1 + x1
                    r_vs[0][s, cs] = t00 >> 1
                    r_vs[1][s, cs] = t01 >> 1
                    r_vs[2][s, cs] = t10 >> 1
                    r_vs[3][s, cs] = t11 >> 1
                    s_vs[0][ls] = (t00 & 1) << 2
                    s_vs[1][ls] = (t01 & 1) << 2
                    s_vs[2][ls] = (t10 & 1) << 2
                    s_vs[3][ls] = (t11 & 1) << 2
                    w_vs[0][ls] = (1.0 - wy1) * (1.0 - wx1)
                    w_vs[1][ls] = (1.0 - wy1) * wx1
                    w_vs[2][ls] = wy1 * (1.0 - wx1)
                    w_vs[3][ls] = wy1 * wx1

                for cn in range(4):
                    pltpu.async_copy(t_hbm.at[r_vs[cn].at[s]],
                                     g_vs[cn].at[pl.ds(s * 128, 128)], sem)

            for cn in range(4):
                for s in range(CH // 128):
                    pltpu.make_async_copy(
                        t_hbm.at[r_vs[cn].at[0]],
                        g_vs[cn].at[pl.ds(s * 128, 128)], sem).wait()

            @pl.loop(0, CH // L)
            def _(j):
                off = j * L
                pix = off + lane
                subs = [s_vs[cn][pl.ds(off, L)] for cn in range(4)]
                ws = [w_vs[cn][pl.ds(off, L)] for cn in range(4)]
                for ch in range(3):
                    acc = plsc.load_gather(g_vs[0], [pix, subs[0] + ch]) * ws[0]
                    for cn in range(1, 4):
                        acc = acc + plsc.load_gather(g_vs[cn], [pix, subs[cn] + ch]) * ws[cn]
                    o_vs[ch][pl.ds(off, L)] = acc

            for ch in range(3):
                pltpu.async_copy(o_vs[ch], out_hbm.at[pl.ds(ch * P + base, CH)],
                                 sem_out[b])

            @pl.when(g + 2 < iters)
            def _():
                fire_stage(g + 2, b)

        for b in range(2):
            wait_out(b)

    return kern(table, uv_flat, idc_flat)


def kernel(uv_coords, uv_idcs, subject_id, map0, map1):
    N, H, W, _ = uv_coords.shape
    M, C, H0, W0 = map0.shape
    H1, W1 = map1.shape[2], map1.shape[3]
    T0, T1 = H0 * W0, H1 * W1
    sid = subject_id[0]
    table = _sc_build_table(map0[sid].reshape(-1), map1[sid].reshape(-1), T0, T1)
    out = _sc_sample(table, uv_coords.reshape(-1), uv_idcs.reshape(-1).astype(jnp.int32),
                     H0, W0, H1, W1)
    return out.reshape(N, C, H, W)

# --- scband reference (transcript-rebuilt; emitter-appended) ---
"""Pipeline reference for scband-multi-subject-multi-texture-32177894982386 (READ-ONLY COPY).

The authoritative reference and input builder live on the scoring server;
editing this copy changes nothing except your own understanding.
"""

import jax, jax.numpy as jnp
import numpy as np


def _grid_sample_border(img, grid):
    # img: [C, Hi, Wi]; grid: [P, 2] in [-1, 1]; bilinear, align_corners=True, padding_mode='border'
    C, Hi, Wi = img.shape
    x = (grid[:, 0] + 1.0) * (Wi - 1) / 2.0
    y = (grid[:, 1] + 1.0) * (Hi - 1) / 2.0
    # border padding: clip coordinates to valid range before interpolation
    x = jnp.clip(x, 0.0, Wi - 1)
    y = jnp.clip(y, 0.0, Hi - 1)
    x0 = jnp.floor(x)
    y0 = jnp.floor(y)
    wx1 = x - x0
    wx0 = 1.0 - wx1
    wy1 = y - y0
    wy0 = 1.0 - wy1
    x0i = jnp.clip(x0.astype(jnp.int32), 0, Wi - 1)
    x1i = jnp.clip(x0i + 1, 0, Wi - 1)
    y0i = jnp.clip(y0.astype(jnp.int32), 0, Hi - 1)
    y1i = jnp.clip(y0i + 1, 0, Hi - 1)
    v00 = img[:, y0i, x0i]  # [C, P]
    v01 = img[:, y0i, x1i]
    v10 = img[:, y1i, x0i]
    v11 = img[:, y1i, x1i]
    out = v00 * (wy0 * wx0) + v01 * (wy0 * wx1) + v10 * (wy1 * wx0) + v11 * (wy1 * wx1)
    return out.T  # [P, C]


def setup_inputs(seed: int = 0) -> dict:
    key = jax.random.key(seed)
    k1, k2, k3, k4, k5 = jax.random.split(key, 5)
    N, H, W = 1, 512, 512
    M, C = 3, 3  # module requires shape[0] == channel count (self.C = shape[0])
    uv_coords = jax.random.uniform(k1, (N, H, W, 2), dtype=jnp.float32, minval=-1.0, maxval=1.0)
    uv_idcs = jax.random.randint(k2, (N, H, W), 0, 2).astype(jnp.int32)
    subject_id = jax.random.randint(k3, (N,), 0, M).astype(jnp.int32)
    map0 = jax.random.normal(k4, (M, C, 2048, 2048), dtype=jnp.float32)
    map1 = jax.random.normal(k5, (M, C, 1024, 1024), dtype=jnp.float32)
    return {"uv_coords": uv_coords, "uv_idcs": uv_idcs, "subject_id": subject_id, "map0": map0, "map1": map1}


def reference(uv_coords, uv_idcs, subject_id, map0, map1):
    maps = [map0, map1]
    N, H, W, _ = uv_coords.shape
    C = map0.shape[1]
    coords = uv_coords.reshape(-1, 2)
    idcs = uv_idcs.reshape(-1)
    ret = jnp.zeros((coords.shape[0], C), dtype=uv_coords.dtype)
    for i, m in enumerate(maps):
        img = m[subject_id[0]]  # N=1: grid batch must equal input batch in torch grid_sample
        sampled = _grid_sample_border(img, coords)  # [P, C]
        mask = (idcs == i)[:, None]
        ret = jnp.where(mask, sampled, ret)
    ret = ret.reshape(N, H, W, C)
    return jnp.transpose(ret, (0, 3, 1, 2))

if __name__ == "__main__":
    import jax
    _d = setup_inputs()
    print(jax.jit(kernel)(*tuple(_d.values())))

</pallas_src>

<mosaic_0001>
#map = affine_map<(d0, d1) -> (0)>
#map1 = affine_map<(d0, d1) -> (0, 0)>
module attributes {stable_mosaic.version = 14 : i64} {
  func.func @kern(%arg0: i32, %arg1: i32, %arg2: memref<12582912xf32, #tpu.memory_space<hbm>>, %arg3: memref<3145728xf32, #tpu.memory_space<hbm>>, %arg4: memref<2621440x8xf32, #tpu.memory_space<hbm>>, %arg5: memref<3x8192xf32, #tpu.memory_space<vmem>>, %arg6: memref<3x8192xf32, #tpu.memory_space<vmem>>, %arg7: memref<4096x8xf32, #tpu.memory_space<vmem>>, %arg8: memref<4096x8xf32, #tpu.memory_space<vmem>>, %arg9: memref<!tpu.dma_semaphore, #tpu.memory_space<semaphore_mem>>, %arg10: memref<!tpu.dma_semaphore, #tpu.memory_space<semaphore_mem>>, %arg11: memref<!tpu.dma_semaphore, #tpu.memory_space<semaphore_mem>>, %arg12: memref<!tpu.dma_semaphore, #tpu.memory_space<semaphore_mem>>) attributes {dimension_semantics = [#tpu.dimension_semantics<core_parallel>, #tpu.dimension_semantics<subcore_parallel>], iteration_bounds = array<i64: 2, 16>, scalar_prefetch = 0 : i64, scratch_operands = 8 : i64, tpu.core_type = #tpu.core_type<sc_vector_subcore>, window_params = [{transform_indices = #map}, {transform_indices = #map}, {transform_indices = #map1}]} {
    %mul3A = arith.constant 2 : i32
    %mul3A_0 = arith.muli %arg1, %mul3A : i32
    %add3A = arith.addi %mul3A_0, %arg0 : i32
    %iota3A = tpu.iota {dimensions = array<i32: 0>} : vector<16xi32>
    %mul3A_1 = arith.constant 131072 : i32
    %mul3A_2 = arith.muli %add3A, %mul3A_1 : i32
    %add3A_3 = arith.constant 0 : i32
    %add3A_4 = arith.addi %mul3A_2, %add3A_3 : i32
    %add3A_5 = arith.constant 0 : i32
    %add3A_6 = arith.addi %add3A_4, %add3A_5 : i32
    %dma_start3A = arith.constant 0 : i32
    %dma_start3A_7 = arith.constant 0 : i32
    %dma_start3A_8 = tpu.memref_slice %arg5[%dma_start3A, %dma_start3A_7] : memref<3x8192xf32, #tpu.memory_space<vmem>> -> memref<1x8192xf32, #tpu.memory_space<vmem>>
    %dma_start3A_9 = tpu.memref_squeeze %dma_start3A_8 : memref<1x8192xf32, #tpu.memory_space<vmem>> -> memref<8192xf32, #tpu.memory_space<vmem>>
    %dma_start3A_10 = tpu.memref_slice %arg2[%add3A_6] : memref<12582912xf32, #tpu.memory_space<hbm>> -> memref<8192xf32, #tpu.memory_space<hbm>>
    %dma_start3A_11 = arith.constant 0 : i32
    %dma_start3A_12 = tpu.memref_slice %arg5[%dma_start3A, %dma_start3A_11] : memref<3x8192xf32, #tpu.memory_space<vmem>> -> memref<1x8192xf32, #tpu.memory_space<vmem>>
    %dma_start3A_13 = tpu.memref_squeeze %dma_start3A_12 : memref<1x8192xf32, #tpu.memory_space<vmem>> -> memref<8192xf32, #tpu.memory_space<vmem>>
    %dma_start3A_14 = tpu.memref_slice %arg2[%add3A_6] : memref<12582912xf32, #tpu.memory_space<hbm>> -> memref<8192xf32, #tpu.memory_space<hbm>>
    tpu.enqueue_dma source(%dma_start3A_14 : memref<8192xf32, #tpu.memory_space<hbm>>) target(%dma_start3A_13 : memref<8192xf32, #tpu.memory_space<vmem>>) target_semaphore(%arg9 : memref<!tpu.dma_semaphore, #tpu.memory_space<semaphore_mem>>)
    %add3A_15 = arith.constant 4194304 : i32
    %add3A_16 = arith.addi %mul3A_2, %add3A_15 : i32
    %add3A_17 = arith.constant 0 : i32
    %add3A_18 = arith.addi %add3A_16, %add3A_17 : i32
    %dma_start3A_19 = arith.constant 1 : i32
    %dma_start3A_20 = arith.constant 0 : i32
    %dma_start3A_21 = tpu.memref_slice %arg5[%dma_start3A_19, %dma_start3A_20] : memref<3x8192xf32, #tpu.memory_space<vmem>> -> memref<1x8192xf32, #tpu.memory_space<vmem>>
    %dma_start3A_22 = tpu.memref_squeeze %dma_start3A_21 : memref<1x8192xf32, #tpu.memory_space<vmem>> -> memref<8192xf32, #tpu.memory_space<vmem>>
    %dma_start3A_23 = tpu.memref_slice %arg2[%add3A_18] : memref<12582912xf32, #tpu.memory_space<hbm>> -> memref<8192xf32, #tpu.memory_space<hbm>>
    %dma_start3A_24 = arith.constant 0 : i32
    %dma_start3A_25 = tpu.memref_slice %arg5[%dma_start3A_19, %dma_start3A_24] : memref<3x8192xf32, #tpu.memory_space<vmem>> -> memref<1x8192xf32, #tpu.memory_space<vmem>>
    %dma_start3A_26 = tpu.memref_squeeze %dma_start3A_25 : memref<1x8192xf32, #tpu.memory_space<vmem>> -> memref<8192xf32, #tpu.memory_space<vmem>>
    %dma_start3A_27 = tpu.memref_slice %arg2[%add3A_18] : memref<12582912xf32, #tpu.memory_space<hbm>> -> memref<8192xf32, #tpu.memory_space<hbm>>
    tpu.enqueue_dma source(%dma_start3A_27 : memref<8192xf32, #tpu.memory_space<hbm>>) target(%dma_start3A_26 : memref<8192xf32, #tpu.memory_space<vmem>>) target_semaphore(%arg9 : memref<!tpu.dma_semaphore, #tpu.memory_space<semaphore_mem>>)
    %add3A_28 = arith.constant 8388608 : i32
    %add3A_29 = arith.addi %mul3A_2, %add3A_28 : i32
    %add3A_30 = arith.constant 0 : i32
    %add3A_31 = arith.addi %add3A_29, %add3A_30 : i32
    %dma_start3A_32 = arith.constant 2 : i32
    %dma_start3A_33 = arith.constant 0 : i32
    %dma_start3A_34 = tpu.memref_slice %arg5[%dma_start3A_32, %dma_start3A_33] : memref<3x8192xf32, #tpu.memory_space<vmem>> -> memref<1x8192xf32, #tpu.memory_space<vmem>>
    %dma_start3A_35 = tpu.memref_squeeze %dma_start3A_34 : memref<1x8192xf32, #tpu.memory_space<vmem>> -> memref<8192xf32, #tpu.memory_space<vmem>>
    %dma_start3A_36 = tpu.memref_slice %arg2[%add3A_31] : memref<12582912xf32, #tpu.memory_space<hbm>> -> memref<8192xf32, #tpu.memory_space<hbm>>
    %dma_start3A_37 = arith.constant 0 : i32
    %dma_start3A_38 = tpu.memref_slice %arg5[%dma_start3A_32, %dma_start3A_37] : memref<3x8192xf32, #tpu.memory_space<vmem>> -> memref<1x8192xf32, #tpu.memory_space<vmem>>
    %dma_start3A_39 = tpu.memref_squeeze %dma_start3A_38 : memref<1x8192xf32, #tpu.memory_space<vmem>> -> memref<8192xf32, #tpu.memory_space<vmem>>
    %dma_start3A_40 = tpu.memref_slice %arg2[%add3A_31] : memref<12582912xf32, #tpu.memory_space<hbm>> -> memref<8192xf32, #tpu.memory_space<hbm>>
    tpu.enqueue_dma source(%dma_start3A_40 : memref<8192xf32, #tpu.memory_space<hbm>>) target(%dma_start3A_39 : memref<8192xf32, #tpu.memory_space<vmem>>) target_semaphore(%arg9 : memref<!tpu.dma_semaphore, #tpu.memory_space<semaphore_mem>>)
    %add3A_41 = arith.constant 0 : i32
    %add3A_42 = arith.addi %mul3A_2, %add3A_41 : i32
    %add3A_43 = arith.constant 8192 : i32
    %add3A_44 = arith.addi %add3A_42, %add3A_43 : i32
    %dma_start3A_45 = arith.constant 0 : i32
    %dma_start3A_46 = arith.constant 0 : i32
    %dma_start3A_47 = tpu.memref_slice %arg6[%dma_start3A_45, %dma_start3A_46] : memref<3x8192xf32, #tpu.memory_space<vmem>> -> memref<1x8192xf32, #tpu.memory_space<vmem>>
    %dma_start3A_48 = tpu.memref_squeeze %dma_start3A_47 : memref<1x8192xf32, #tpu.memory_space<vmem>> -> memref<8192xf32, #tpu.memory_space<vmem>>
    %dma_start3A_49 = tpu.memref_slice %arg2[%add3A_44] : memref<12582912xf32, #tpu.memory_space<hbm>> -> memref<8192xf32, #tpu.memory_space<hbm>>
    %dma_start3A_50 = arith.constant 0 : i32
    %dma_start3A_51 = tpu.memref_slice %arg6[%dma_start3A_45, %dma_start3A_50] : memref<3x8192xf32, #tpu.memory_space<vmem>> -> memref<1x8192xf32, #tpu.memory_space<vmem>>
    %dma_start3A_52 = tpu.memref_squeeze %dma_start3A_51 : memref<1x8192xf32, #tpu.memory_space<vmem>> -> memref<8192xf32, #tpu.memory_space<vmem>>
    %dma_start3A_53 = tpu.memref_slice %arg2[%add3A_44] : memref<12582912xf32, #tpu.memory_space<hbm>> -> memref<8192xf32, #tpu.memory_space<hbm>>
    tpu.enqueue_dma source(%dma_start3A_53 : memref<8192xf32, #tpu.memory_space<hbm>>) target(%dma_start3A_52 : memref<8192xf32, #tpu.memory_space<vmem>>) target_semaphore(%arg10 : memref<!tpu.dma_semaphore, #tpu.memory_space<semaphore_mem>>)
    %add3A_54 = arith.constant 4194304 : i32
    %add3A_55 = arith.addi %mul3A_2, %add3A_54 : i32
    %add3A_56 = arith.constant 8192 : i32
    %add3A_57 = arith.addi %add3A_55, %add3A_56 : i32
    %dma_start3A_58 = arith.constant 1 : i32
    %dma_start3A_59 = arith.constant 0 : i32
    %dma_start3A_60 = tpu.memref_slice %arg6[%dma_start3A_58, %dma_start3A_59] : memref<3x8192xf32, #tpu.memory_space<vmem>> -> memref<1x8192xf32, #tpu.memory_space<vmem>>
    %dma_start3A_61 = tpu.memref_squeeze %dma_start3A_60 : memref<1x8192xf32, #tpu.memory_space<vmem>> -> memref<8192xf32, #tpu.memory_space<vmem>>
    %dma_start3A_62 = tpu.memref_slice %arg2[%add3A_57] : memref<12582912xf32, #tpu.memory_space<hbm>> -> memref<8192xf32, #tpu.memory_space<hbm>>
    %dma_start3A_63 = arith.constant 0 : i32
    %dma_start3A_64 = tpu.memref_slice %arg6[%dma_start3A_58, %dma_start3A_63] : memref<3x8192xf32, #tpu.memory_space<vmem>> -> memref<1x8192xf32, #tpu.memory_space<vmem>>
    %dma_start3A_65 = tpu.memref_squeeze %dma_start3A_64 : memref<1x8192xf32, #tpu.memory_space<vmem>> -> memref<8192xf32, #tpu.memory_space<vmem>>
    %dma_start3A_66 = tpu.memref_slice %arg2[%add3A_57] : memref<12582912xf32, #tpu.memory_space<hbm>> -> memref<8192xf32, #tpu.memory_space<hbm>>
    tpu.enqueue_dma source(%dma_start3A_66 : memref<8192xf32, #tpu.memory_space<hbm>>) target(%dma_start3A_65 : memref<8192xf32, #tpu.memory_space<vmem>>) target_semaphore(%arg10 : memref<!tpu.dma_semaphore, #tpu.memory_space<semaphore_mem>>)
    %add3A_67 = arith.constant 8388608 : i32
    %add3A_68 = arith.addi %mul3A_2, %add3A_67 : i32
    %add3A_69 = arith.constant 8192 : i32
    %add3A_70 = arith.addi %add3A_68, %add3A_69 : i32
    %dma_start3A_71 = arith.constant 2 : i32
    %dma_start3A_72 = arith.constant 0 : i32
    %dma_start3A_73 = tpu.memref_slice %arg6[%dma_start3A_71, %dma_start3A_72] : memref<3x8192xf32, #tpu.memory_space<vmem>> -> memref<1x8192xf32, #tpu.memory_space<vmem>>
    %dma_start3A_74 = tpu.memref_squeeze %dma_start3A_73 : memref<1x8192xf32, #tpu.memory_space<vmem>> -> memref<8192xf32, #tpu.memory_space<vmem>>
    %dma_start3A_75 = tpu.memref_slice %arg2[%add3A_70] : memref<12582912xf32, #tpu.memory_space<hbm>> -> memref<8192xf32, #tpu.memory_space<hbm>>
    %dma_start3A_76 = arith.constant 0 : i32
    %dma_start3A_77 = tpu.memref_slice %arg6[%dma_start3A_71, %dma_start3A_76] : memref<3x8192xf32, #tpu.memory_space<vmem>> -> memref<1x8192xf32, #tpu.memory_space<vmem>>
    %dma_start3A_78 = tpu.memref_squeeze %dma_start3A_77 : memref<1x8192xf32, #tpu.memory_space<vmem>> -> memref<8192xf32, #tpu.memory_space<vmem>>
    %dma_start3A_79 = tpu.memref_slice %arg2[%add3A_70] : memref<12582912xf32, #tpu.memory_space<hbm>> -> memref<8192xf32, #tpu.memory_space<hbm>>
    tpu.enqueue_dma source(%dma_start3A_79 : memref<8192xf32, #tpu.memory_space<hbm>>) target(%dma_start3A_78 : memref<8192xf32, #tpu.memory_space<vmem>>) target_semaphore(%arg10 : memref<!tpu.dma_semaphore, #tpu.memory_space<semaphore_mem>>)
    %scan3A = arith.constant 0 : i32
    %scan3A_80 = arith.constant 8 : i32
    %scan3A_81 = arith.addi %scan3A, %scan3A_80 : i32
    %scan3A_82 = arith.constant 1 : i32
    scf.for %scan3A_296 = %scan3A to %scan3A_81 step %scan3A_82  : i32 {
      %mul3A_297 = arith.constant 2 : i32
      %mul3A_298 = arith.muli %scan3A_296, %mul3A_297 : i32
      %add3A_299 = arith.constant 0 : i32
      %add3A_300 = arith.addi %add3A_299, %mul3A_298 : i32
      %add3A_301 = arith.constant 0 : i32
      %add3A_302 = arith.addi %add3A_300, %add3A_301 : i32
      %dma_wait3A_303 = arith.constant 0 : i32
      %dma_wait3A_304 = arith.constant 0 : i32
      %dma_wait3A_305 = tpu.memref_slice %arg5[%dma_wait3A_303, %dma_wait3A_304] : memref<3x8192xf32, #tpu.memory_space<vmem>> -> memref<1x8192xf32, #tpu.memory_space<vmem>>
      %dma_wait3A_306 = tpu.memref_squeeze %dma_wait3A_305 : memref<1x8192xf32, #tpu.memory_space<vmem>> -> memref<8192xf32, #tpu.memory_space<vmem>>
      %dma_wait3A_307 = arith.constant 0 : i32
      %dma_wait3A_308 = tpu.memref_slice %arg2[%dma_wait3A_307] : memref<12582912xf32, #tpu.memory_space<hbm>> -> memref<8192xf32, #tpu.memory_space<hbm>>
      %dma_wait3A_309 = arith.constant 0 : i32
      %dma_wait3A_310 = tpu.memref_slice %arg5[%dma_wait3A_303, %dma_wait3A_309] : memref<3x8192xf32, #tpu.memory_space<vmem>> -> memref<1x8192xf32, #tpu.memory_space<vmem>>
      %dma_wait3A_311 = tpu.memref_squeeze %dma_wait3A_310 : memref<1x8192xf32, #tpu.memory_space<vmem>> -> memref<8192xf32, #tpu.memory_space<vmem>>
      %dma_wait3A_312 = arith.constant 0 : i32
      %dma_wait3A_313 = tpu.memref_slice %arg2[%dma_wait3A_312] : memref<12582912xf32, #tpu.memory_space<hbm>> -> memref<8192xf32, #tpu.memory_space<hbm>>
      tpu.wait_dma2 semaphore(%arg9 : memref<!tpu.dma_semaphore, #tpu.memory_space<semaphore_mem>>) src(%dma_wait3A_313 : memref<8192xf32, #tpu.memory_space<hbm>>) dst(%dma_wait3A_311 : memref<8192xf32, #tpu.memory_space<vmem>>)
      %dma_wait3A_314 = arith.constant 1 : i32
      %dma_wait3A_315 = arith.constant 0 : i32
      %dma_wait3A_316 = tpu.memref_slice %arg5[%dma_wait3A_314, %dma_wait3A_315] : memref<3x8192xf32, #tpu.memory_space<vmem>> -> memref<1x8192xf32, #tpu.memory_space<vmem>>
      %dma_wait3A_317 = tpu.memref_squeeze %dma_wait3A_316 : memref<1x8192xf32, #tpu.memory_space<vmem>> -> memref<8192xf32, #tpu.memory_space<vmem>>
      %dma_wait3A_318 = arith.constant 0 : i32
      %dma_wait3A_319 = tpu.memref_slice %arg2[%dma_wait3A_318] : memref<12582912xf32, #tpu.memory_space<hbm>> -> memref<8192xf32, #tpu.memory_space<hbm>>
      %dma_wait3A_320 = arith.constant 0 : i32
      %dma_wait3A_321 = tpu.memref_slice %arg5[%dma_wait3A_314, %dma_wait3A_320] : memref<3x8192xf32, #tpu.memory_space<vmem>> -> memref<1x8192xf32, #tpu.memory_space<vmem>>
      %dma_wait3A_322 = tpu.memref_squeeze %dma_wait3A_321 : memref<1x8192xf32, #tpu.memory_space<vmem>> -> memref<8192xf32, #tpu.memory_space<vmem>>
      %dma_wait3A_323 = arith.constant 0 : i32
      %dma_wait3A_324 = tpu.memref_slice %arg2[%dma_wait3A_323] : memref<12582912xf32, #tpu.memory_space<hbm>> -> memref<8192xf32, #tpu.memory_space<hbm>>
      tpu.wait_dma2 semaphore(%arg9 : memref<!tpu.dma_semaphore, #tpu.memory_space<semaphore_mem>>) src(%dma_wait3A_324 : memref<8192xf32, #tpu.memory_space<hbm>>) dst(%dma_wait3A_322 : memref<8192xf32, #tpu.memory_space<vmem>>)
      %dma_wait3A_325 = arith.constant 2 : i32
      %dma_wait3A_326 = arith.constant 0 : i32
      %dma_wait3A_327 = tpu.memref_slice %arg5[%dma_wait3A_325, %dma_wait3A_326] : memref<3x8192xf32, #tpu.memory_space<vmem>> -> memref<1x8192xf32, #tpu.memory_space<vmem>>
      %dma_wait3A_328 = tpu.memref_squeeze %dma_wait3A_327 : memref<1x8192xf32, #tpu.memory_space<vmem>> -> memref<8192xf32, #tpu.memory_space<vmem>>
      %dma_wait3A_329 = arith.constant 0 : i32
      %dma_wait3A_330 = tpu.memref_slice %arg2[%dma_wait3A_329] : memref<12582912xf32, #tpu.memory_space<hbm>> -> memref<8192xf32, #tpu.memory_space<hbm>>
      %dma_wait3A_331 = arith.constant 0 : i32
      %dma_wait3A_332 = tpu.memref_slice %arg5[%dma_wait3A_325, %dma_wait3A_331] : memref<3x8192xf32, #tpu.memory_space<vmem>> -> memref<1x8192xf32, #tpu.memory_space<vmem>>
      %dma_wait3A_333 = tpu.memref_squeeze %dma_wait3A_332 : memref<1x8192xf32, #tpu.memory_space<vmem>> -> memref<8192xf32, #tpu.memory_space<vmem>>
      %dma_wait3A_334 = arith.constant 0 : i32
      %dma_wait3A_335 = tpu.memref_slice %arg2[%dma_wait3A_334] : memref<12582912xf32, #tpu.memory_space<hbm>> -> memref<8192xf32, #tpu.memory_space<hbm>>
      tpu.wait_dma2 semaphore(%arg9 : memref<!tpu.dma_semaphore, #tpu.memory_space<semaphore_mem>>) src(%dma_wait3A_335 : memref<8192xf32, #tpu.memory_space<hbm>>) dst(%dma_wait3A_333 : memref<8192xf32, #tpu.memory_space<vmem>>)
      %ge3A = arith.constant 2 : i32
      %ge3A_336 = arith.cmpi sge, %add3A_302, %ge3A : i32
      %convert_element_type3A = arith.extui %ge3A_336 : i1 to i32
      %cond3A = arith.constant 0 : i32
      %cond3A_337 = arith.cmpi ne, %convert_element_type3A, %cond3A : i32
      scf.if %cond3A_337 {
        %mul3A_471 = arith.constant 131072 : i32
        %mul3A_472 = arith.muli %add3A, %mul3A_471 : i32
        %add3A_473 = arith.constant 0 : i32
        %add3A_474 = arith.addi %add3A_473, %mul3A_472 : i32
        %add3A_475 = arith.constant 0 : i32
        %add3A_476 = arith.addi %add3A_474, %add3A_475 : i32
        %jit3A_477 = arith.constant 2 : i32
        %div3A_478 = arith.divsi %add3A_476, %jit3A_477 : i32
        %sign3A_479 = arith.constant 0 : i32
        %sign3A_480 = arith.cmpi sgt, %add3A_476, %sign3A_479 : i32
        %sign3A_481 = arith.extui %sign3A_480 : i1 to i32
        %sign3A_482 = arith.constant 0 : i32
        %sign3A_483 = arith.cmpi slt, %add3A_476, %sign3A_482 : i32
        %sign3A_484 = arith.extui %sign3A_483 : i1 to i32
        %sign3A_485 = arith.subi %sign3A_481, %sign3A_484 : i32
        %sign3A_486 = arith.constant 0 : i32
        %sign3A_487 = arith.cmpi sgt, %jit3A_477, %sign3A_486 : i32
        %sign3A_488 = arith.extui %sign3A_487 : i1 to i32
        %sign3A_489 = arith.constant 0 : i32
        %sign3A_490 = arith.cmpi slt, %jit3A_477, %sign3A_489 : i32
        %sign3A_491 = arith.extui %sign3A_490 : i1 to i32
        %sign3A_492 = arith.subi %sign3A_488, %sign3A_491 : i32
        %ne3A_493 = arith.cmpi ne, %sign3A_485, %sign3A_492 : i32
        %rem3A_494 = arith.remsi %add3A_476, %jit3A_477 : i32
        %ne3A_495 = arith.constant 0 : i32
        %ne3A_496 = arith.cmpi ne, %rem3A_494, %ne3A_495 : i32
        %and3A_497 = arith.andi %ne3A_493, %ne3A_496 : i1
        %sub3A_498 = arith.constant 1 : i32
        %sub3A_499 = arith.subi %div3A_478, %sub3A_498 : i32
        %select_n3A_500 = arith.select %and3A_497, %sub3A_499, %div3A_478 : i32
        %dma_wait3A_501 = arith.constant 0 : i32
        %dma_wait3A_502 = tpu.memref_slice %arg4[%select_n3A_500, %dma_wait3A_501] : memref<2621440x8xf32, #tpu.memory_space<hbm>> -> memref<4096x8xf32, #tpu.memory_space<hbm>>
        %dma_wait3A_503 = arith.constant 0 : i32
        %dma_wait3A_504 = tpu.memref_slice %arg4[%select_n3A_500, %dma_wait3A_503] : memref<2621440x8xf32, #tpu.memory_space<hbm>> -> memref<4096x8xf32, #tpu.memory_space<hbm>>
        tpu.wait_dma2 semaphore(%arg11 : memref<!tpu.dma_semaphore, #tpu.memory_space<semaphore_mem>>) src(%arg7 : memref<4096x8xf32, #tpu.memory_space<vmem>>) dst(%dma_wait3A_504 : memref<4096x8xf32, #tpu.memory_space<hbm>>)
      } else {
      }
      %scan3A_338 = arith.constant 0 : i32
      %scan3A_339 = arith.constant 128 : i32
      %scan3A_340 = arith.addi %scan3A_338, %scan3A_339 : i32
      %scan3A_341 = arith.constant 1 : i32
      scf.for %scan3A_471 = %scan3A_338 to %scan3A_340 step %scan3A_341  : i32 {
        %mul3A_472 = arith.constant 4 : i32
        %mul3A_473 = arith.muli %scan3A_471, %mul3A_472 : i32
        %add3A_474 = arith.constant 0 : i32
        %add3A_475 = arith.addi %add3A_474, %mul3A_473 : i32
        %add3A_476 = arith.constant 0 : i32
        %add3A_477 = arith.addi %add3A_475, %add3A_476 : i32
        %mul3A_478 = arith.constant 16 : i32
        %mul3A_479 = arith.muli %add3A_477, %mul3A_478 : i32
        %add3A_480 = vector.broadcast %mul3A_479 : i32 to vector<16xi32>
        %add3A_481 = arith.addi %add3A_480, %iota3A : vector<16xi32>
        %shift_right_arithmetic3A = arith.constant 1 : i32
        %shift_right_arithmetic3A_482 = vector.broadcast %shift_right_arithmetic3A : i32 to vector<16xi32>
        %shift_right_arithmetic3A_483 = arith.shrsi %add3A_481, %shift_right_arithmetic3A_482 : vector<16xi32>
        %and3A_484 = arith.constant 1 : i32
        %and3A_485 = vector.broadcast %and3A_484 : i32 to vector<16xi32>
        %and3A_486 = arith.andi %add3A_481, %and3A_485 : vector<16xi32>
        %shift_left3A = arith.constant 2 : i32
        %shift_left3A_487 = vector.broadcast %shift_left3A : i32 to vector<16xi32>
        %shift_left3A_488 = arith.shli %and3A_486, %shift_left3A_487 : vector<16xi32>
        %add3A_489 = arith.constant 0 : i32
        %add3A_490 = arith.addi %add3A_475, %add3A_489 : i32
        %mul3A_491 = arith.constant 16 : i32
        %mul3A_492 = arith.muli %add3A_490, %mul3A_491 : i32
        %get3A = arith.constant 0 : i32
        %get3A_493 = arith.constant 0 : i32
        %get3A_494 = tpu.memref_slice %arg5[%get3A, %get3A_493] : memref<3x8192xf32, #tpu.memory_space<vmem>> -> memref<1x8192xf32, #tpu.memory_space<vmem>>
        %get3A_495 = tpu.memref_squeeze %get3A_494 : memref<1x8192xf32, #tpu.memory_space<vmem>> -> memref<8192xf32, #tpu.memory_space<vmem>>
        %get3A_496 = arith.index_cast %mul3A_492 : i32 to index
        %get3A_497 = tpu.vector_load %get3A_495[%get3A_496] {strides = array<i32>} : memref<8192xf32, #tpu.memory_space<vmem>>, vector<16xf32>,
        %add3A_498 = arith.constant 0 : i32
        %add3A_499 = vector.broadcast %add3A_498 : i32 to vector<16xi32>
        %add3A_500 = arith.addi %shift_left3A_488, %add3A_499 : vector<16xi32>
        tpu.vector_store_idx %arg7[%shift_right_arithmetic3A_483, %add3A_500], %get3A_497 : memref<4096x8xf32, #tpu.memory_space<vmem>>[vector<16xi32>, vector<16xi32>], vector<16xf32>,
        %add3A_501 = arith.constant 0 : i32
        %add3A_502 = arith.addi %add3A_475, %add3A_501 : i32
        %mul3A_503 = arith.constant 16 : i32
        %mul3A_504 = arith.muli %add3A_502, %mul3A_503 : i32
        %get3A_505 = arith.constant 1 : i32
        %get3A_506 = arith.constant 0 : i32
        %get3A_507 = tpu.memref_slice %arg5[%get3A_505, %get3A_506] : memref<3x8192xf32, #tpu.memory_space<vmem>> -> memref<1x8192xf32, #tpu.memory_space<vmem>>
        %get3A_508 = tpu.memref_squeeze %get3A_507 : memref<1x8192xf32, #tpu.memory_space<vmem>> -> memref<8192xf32, #tpu.memory_space<vmem>>
        %get3A_509 = arith.index_cast %mul3A_504 : i32 to index
        %get3A_510 = tpu.vector_load %get3A_508[%get3A_509] {strides = array<i32>} : memref<8192xf32, #tpu.memory_space<vmem>>, vector<16xf32>,
        %add3A_511 = arith.constant 1 : i32
        %add3A_512 = vector.broadcast %add3A_511 : i32 to vector<16xi32>
        %add3A_513 = arith.addi %shift_left3A_488, %add3A_512 : vector<16xi32>
        tpu.vector_store_idx %arg7[%shift_right_arithmetic3A_483, %add3A_513], %get3A_510 : memref<4096x8xf32, #tpu.memory_space<vmem>>[vector<16xi32>, vector<16xi32>], vector<16xf32>,
        %add3A_514 = arith.constant 0 : i32
        %add3A_515 = arith.addi %add3A_475, %add3A_514 : i32
        %mul3A_516 = arith.constant 16 : i32
        %mul3A_517 = arith.muli %add3A_515, %mul3A_516 : i32
        %get3A_518 = arith.constant 2 : i32
        %get3A_519 = arith.constant 0 : i32
        %get3A_520 = tpu.memref_slice %arg5[%get3A_518, %get3A_519] : memref<3x8192xf32, #tpu.memory_space<vmem>> -> memref<1x8192xf32, #tpu.memory_space<vmem>>
        %get3A_521 = tpu.memref_squeeze %get3A_520 : memref<1x8192xf32, #tpu.memory_space<vmem>> -> memref<8192xf32, #tpu.memory_space<vmem>>
        %get3A_522 = arith.index_cast %mul3A_517 : i32 to index
        %get3A_523 = tpu.vector_load %get3A_521[%get3A_522] {strides = array<i32>} : memref<8192xf32, #tpu.memory_space<vmem>>, vector<16xf32>,
        %add3A_524 = arith.constant 2 : i32
        %add3A_525 = vector.broadcast %add3A_524 : i32 to vector<16xi32>
        %add3A_526 = arith.addi %shift_left3A_488, %add3A_525 : vector<16xi32>
        tpu.vector_store_idx %arg7[%shift_right_arithmetic3A_483, %add3A_526], %get3A_523 : memref<4096x8xf32, #tpu.memory_space<vmem>>[vector<16xi32>, vector<16xi32>], vector<16xf32>,
        %add3A_527 = arith.constant 1 : i32
        %add3A_528 = arith.addi %add3A_475, %add3A_527 : i32
        %mul3A_529 = arith.constant 16 : i32
        %mul3A_530 = arith.muli %add3A_528, %mul3A_529 : i32
        %add3A_531 = vector.broadcast %mul3A_530 : i32 to vector<16xi32>
        %add3A_532 = arith.addi %add3A_531, %iota3A : vector<16xi32>
        %shift_right_arithmetic3A_533 = arith.constant 1 : i32
        %shift_right_arithmetic3A_534 = vector.broadcast %shift_right_arithmetic3A_533 : i32 to vector<16xi32>
        %shift_right_arithmetic3A_535 = arith.shrsi %add3A_532, %shift_right_arithmetic3A_534 : vector<16xi32>
        %and3A_536 = arith.constant 1 : i32
        %and3A_537 = vector.broadcast %and3A_536 : i32 to vector<16xi32>
        %and3A_538 = arith.andi %add3A_532, %and3A_537 : vector<16xi32>
        %shift_left3A_539 = arith.constant 2 : i32
        %shift_left3A_540 = vector.broadcast %shift_left3A_539 : i32 to vector<16xi32>
        %shift_left3A_541 = arith.shli %and3A_538, %shift_left3A_540 : vector<16xi32>
        %add3A_542 = arith.constant 1 : i32
        %add3A_543 = arith.addi %add3A_475, %add3A_542 : i32
        %mul3A_544 = arith.constant 16 : i32
        %mul3A_545 = arith.muli %add3A_543, %mul3A_544 : i32
        %get3A_546 = arith.constant 0 : i32
        %get3A_547 = arith.constant 0 : i32
        %get3A_548 = tpu.memref_slice %arg5[%get3A_546, %get3A_547] : memref<3x8192xf32, #tpu.memory_space<vmem>> -> memref<1x8192xf32, #tpu.memory_space<vmem>>
        %get3A_549 = tpu.memref_squeeze %get3A_548 : memref<1x8192xf32, #tpu.memory_space<vmem>> -> memref<8192xf32, #tpu.memory_space<vmem>>
        %get3A_550 = arith.index_cast %mul3A_545 : i32 to index
        %get3A_551 = tpu.vector_load %get3A_549[%get3A_550] {strides = array<i32>} : memref<8192xf32, #tpu.memory_space<vmem>>, vector<16xf32>,
        %add3A_552 = arith.constant 0 : i32
        %add3A_553 = vector.broadcast %add3A_552 : i32 to vector<16xi32>
        %add3A_554 = arith.addi %shift_left3A_541, %add3A_553 : vector<16xi32>
        tpu.vector_store_idx %arg7[%shift_right_arithmetic3A_535, %add3A_554], %get3A_551 : memref<4096x8xf32, #tpu.memory_space<vmem>>[vector<16xi32>, vector<16xi32>], vector<16xf32>,
        %add3A_555 = arith.constant 1 : i32
        %add3A_556 = arith.addi %add3A_475, %add3A_555 : i32
        %mul3A_557 = arith.constant 16 : i32
        %mul3A_558 = arith.muli %add3A_556, %mul3A_557 : i32
        %get3A_559 = arith.constant 1 : i32
        %get3A_560 = arith.constant 0 : i32
        %get3A_561 = tpu.memref_slice %arg5[%get3A_559, %get3A_560] : memref<3x8192xf32, #tpu.memory_space<vmem>> -> memref<1x8192xf32, #tpu.memory_space<vmem>>
        %get3A_562 = tpu.memref_squeeze %get3A_561 : memref<1x8192xf32, #tpu.memory_space<vmem>> -> memref<8192xf32, #tpu.memory_space<vmem>>
        %get3A_563 = arith.index_cast %mul3A_558 : i32 to index
        %get3A_564 = tpu.vector_load %get3A_562[%get3A_563] {strides = array<i32>} : memref<8192xf32, #tpu.memory_space<vmem>>, vector<16xf32>,
        %add3A_565 = arith.constant 1 : i32
        %add3A_566 = vector.broadcast %add3A_565 : i32 to vector<16xi32>
        %add3A_567 = arith.addi %shift_left3A_541, %add3A_566 : vector<16xi32>
        tpu.vector_store_idx %arg7[%shift_right_arithmetic3A_535, %add3A_567], %get3A_564 : memref<4096x8xf32, #tpu.memory_space<vmem>>[vector<16xi32>, vector<16xi32>], vector<16xf32>,
        %add3A_568 = arith.constant 1 : i32
        %add3A_569 = arith.addi %add3A_475, %add3A_568 : i32
        %mul3A_570 = arith.constant 16 : i32
        %mul3A_571 = arith.muli %add3A_569, %mul3A_570 : i32
        %get3A_572 = arith.constant 2 : i32
        %get3A_573 = arith.constant 0 : i32
        %get3A_574 = tpu.memref_slice %arg5[%get3A_572, %get3A_573] : memref<3x8192xf32, #tpu.memory_space<vmem>> -> memref<1x8192xf32, #tpu.memory_space<vmem>>
        %get3A_575 = tpu.memref_squeeze %get3A_574 : memref<1x8192xf32, #tpu.memory_space<vmem>> -> memref<8192xf32, #tpu.memory_space<vmem>>
        %get3A_576 = arith.index_cast %mul3A_571 : i32 to index
        %get3A_577 = tpu.vector_load %get3A_575[%get3A_576] {strides = array<i32>} : memref<8192xf32, #tpu.memory_space<vmem>>, vector<16xf32>,
        %add3A_578 = arith.constant 2 : i32
        %add3A_579 = vector.broadcast %add3A_578 : i32 to vector<16xi32>
        %add3A_580 = arith.addi %shift_left3A_541, %add3A_579 : vector<16xi32>
        tpu.vector_store_idx %arg7[%shift_right_arithmetic3A_535, %add3A_580], %get3A_577 : memref<4096x8xf32, #tpu.memory_space<vmem>>[vector<16xi32>, vector<16xi32>], vector<16xf32>,
        %add3A_581 = arith.constant 2 : i32
        %add3A_582 = arith.addi %add3A_475, %add3A_581 : i32
        %mul3A_583 = arith.constant 16 : i32
        %mul3A_584 = arith.muli %add3A_582, %mul3A_583 : i32
        %add3A_585 = vector.broadcast %mul3A_584 : i32 to vector<16xi32>
        %add3A_586 = arith.addi %add3A_585, %iota3A : vector<16xi32>
        %shift_right_arithmetic3A_587 = arith.constant 1 : i32
        %shift_right_arithmetic3A_588 = vector.broadcast %shift_right_arithmetic3A_587 : i32 to vector<16xi32>
        %shift_right_arithmetic3A_589 = arith.shrsi %add3A_586, %shift_right_arithmetic3A_588 : vector<16xi32>
        %and3A_590 = arith.constant 1 : i32
        %and3A_591 = vector.broadcast %and3A_590 : i32 to vector<16xi32>
        %and3A_592 = arith.andi %add3A_586, %and3A_591 : vector<16xi32>
        %shift_left3A_593 = arith.constant 2 : i32
        %shift_left3A_594 = vector.broadcast %shift_left3A_593 : i32 to vector<16xi32>
        %shift_left3A_595 = arith.shli %and3A_592, %shift_left3A_594 : vector<16xi32>
        %add3A_596 = arith.constant 2 : i32
        %add3A_597 = arith.addi %add3A_475, %add3A_596 : i32
        %mul3A_598 = arith.constant 16 : i32
        %mul3A_599 = arith.muli %add3A_597, %mul3A_598 : i32
        %get3A_600 = arith.constant 0 : i32
        %get3A_601 = arith.constant 0 : i32
        %get3A_602 = tpu.memref_slice %arg5[%get3A_600, %get3A_601] : memref<3x8192xf32, #tpu.memory_space<vmem>> -> memref<1x8192xf32, #tpu.memory_space<vmem>>
        %get3A_603 = tpu.memref_squeeze %get3A_602 : memref<1x8192xf32, #tpu.memory_space<vmem>> -> memref<8192xf32, #tpu.memory_space<vmem>>
        %get3A_604 = arith.index_cast %mul3A_599 : i32 to index
        %get3A_605 = tpu.vector_load %get3A_603[%get3A_604] {strides = array<i32>} : memref<8192xf32, #tpu.memory_space<vmem>>, vector<16xf32>,
        %add3A_606 = arith.constant 0 : i32
        %add3A_607 = vector.broadcast %add3A_606 : i32 to vector<16xi32>
        %add3A_608 = arith.addi %shift_left3A_595, %add3A_607 : vector<16xi32>
        tpu.vector_store_idx %arg7[%shift_right_arithmetic3A_589, %add3A_608], %get3A_605 : memref<4096x8xf32, #tpu.memory_space<vmem>>[vector<16xi32>, vector<16xi32>], vector<16xf32>,
        %add3A_609 = arith.constant 2 : i32
        %add3A_610 = arith.addi %add3A_475, %add3A_609 : i32
        %mul3A_611 = arith.constant 16 : i32
        %mul3A_612 = arith.muli %add3A_610, %mul3A_611 : i32
        %get3A_613 = arith.constant 1 : i32
        %get3A_614 = arith.constant 0 : i32
        %get3A_615 = tpu.memref_slice %arg5[%get3A_613, %get3A_614] : memref<3x8192xf32, #tpu.memory_space<vmem>> -> memref<1x8192xf32, #tpu.memory_space<vmem>>
        %get3A_616 = tpu.memref_squeeze %get3A_615 : memref<1x8192xf32, #tpu.memory_space<vmem>> -> memref<8192xf32, #tpu.memory_space<vmem>>
        %get3A_617 = arith.index_cast %mul3A_612 : i32 to index
        %get3A_618 = tpu.vector_load %get3A_616[%get3A_617] {strides = array<i32>} : memref<8192xf32, #tpu.memory_space<vmem>>, vector<16xf32>,
        %add3A_619 = arith.constant 1 : i32
        %add3A_620 = vector.broadcast %add3A_619 : i32 to vector<16xi32>
        %add3A_621 = arith.addi %shift_left3A_595, %add3A_620 : vector<16xi32>
        tpu.vector_store_idx %arg7[%shift_right_arithmetic3A_589, %add3A_621], %get3A_618 : memref<4096x8xf32, #tpu.memory_space<vmem>>[vector<16xi32>, vector<16xi32>], vector<16xf32>,
        %add3A_622 = arith.constant 2 : i32
        %add3A_623 = arith.addi %add3A_475, %add3A_622 : i32
        %mul3A_624 = arith.constant 16 : i32
        %mul3A_625 = arith.muli %add3A_623, %mul3A_624 : i32
        %get3A_626 = arith.constant 2 : i32
        %get3A_627 = arith.constant 0 : i32
        %get3A_628 = tpu.memref_slice %arg5[%get3A_626, %get3A_627] : memref<3x8192xf32, #tpu.memory_space<vmem>> -> memref<1x8192xf32, #tpu.memory_space<vmem>>
        %get3A_629 = tpu.memref_squeeze %get3A_628 : memref<1x8192xf32, #tpu.memory_space<vmem>> -> memref<8192xf32, #tpu.memory_space<vmem>>
        %get3A_630 = arith.index_cast %mul3A_625 : i32 to index
        %get3A_631 = tpu.vector_load %get3A_629[%get3A_630] {strides = array<i32>} : memref<8192xf32, #tpu.memory_space<vmem>>, vector<16xf32>,
        %add3A_632 = arith.constant 2 : i32
        %add3A_633 = vector.broadcast %add3A_632 : i32 to vector<16xi32>
        %add3A_634 = arith.addi %shift_left3A_595, %add3A_633 : vector<16xi32>
        tpu.vector_store_idx %arg7[%shift_right_arithmetic3A_589, %add3A_634], %get3A_631 : memref<4096x8xf32, #tpu.memory_space<vmem>>[vector<16xi32>, vector<16xi32>], vector<16xf32>,
        %add3A_635 = arith.constant 3 : i32
        %add3A_636 = arith.addi %add3A_475, %add3A_635 : i32
        %mul3A_637 = arith.constant 16 : i32
        %mul3A_638 = arith.muli %add3A_636, %mul3A_637 : i32
        %add3A_639 = vector.broadcast %mul3A_638 : i32 to vector<16xi32>
        %add3A_640 = arith.addi %add3A_639, %iota3A : vector<16xi32>
        %shift_right_arithmetic3A_641 = arith.constant 1 : i32
        %shift_right_arithmetic3A_642 = vector.broadcast %shift_right_arithmetic3A_641 : i32 to vector<16xi32>
        %shift_right_arithmetic3A_643 = arith.shrsi %add3A_640, %shift_right_arithmetic3A_642 : vector<16xi32>
        %and3A_644 = arith.constant 1 : i32
        %and3A_645 = vector.broadcast %and3A_644 : i32 to vector<16xi32>
        %and3A_646 = arith.andi %add3A_640, %and3A_645 : vector<16xi32>
        %shift_left3A_647 = arith.constant 2 : i32
        %shift_left3A_648 = vector.broadcast %shift_left3A_647 : i32 to vector<16xi32>
        %shift_left3A_649 = arith.shli %and3A_646, %shift_left3A_648 : vector<16xi32>
        %add3A_650 = arith.constant 3 : i32
        %add3A_651 = arith.addi %add3A_475, %add3A_650 : i32
        %mul3A_652 = arith.constant 16 : i32
        %mul3A_653 = arith.muli %add3A_651, %mul3A_652 : i32
        %get3A_654 = arith.constant 0 : i32
        %get3A_655 = arith.constant 0 : i32
        %get3A_656 = tpu.memref_slice %arg5[%get3A_654, %get3A_655] : memref<3x8192xf32, #tpu.memory_space<vmem>> -> memref<1x8192xf32, #tpu.memory_space<vmem>>
        %get3A_657 = tpu.memref_squeeze %get3A_656 : memref<1x8192xf32, #tpu.memory_space<vmem>> -> memref<8192xf32, #tpu.memory_space<vmem>>
        %get3A_658 = arith.index_cast %mul3A_653 : i32 to index
        %get3A_659 = tpu.vector_load %get3A_657[%get3A_658] {strides = array<i32>} : memref<8192xf32, #tpu.memory_space<vmem>>, vector<16xf32>,
        %add3A_660 = arith.constant 0 : i32
        %add3A_661 = vector.broadcast %add3A_660 : i32 to vector<16xi32>
        %add3A_662 = arith.addi %shift_left3A_649, %add3A_661 : vector<16xi32>
        tpu.vector_store_idx %arg7[%shift_right_arithmetic3A_643, %add3A_662], %get3A_659 : memref<4096x8xf32, #tpu.memory_space<vmem>>[vector<16xi32>, vector<16xi32>], vector<16xf32>,
        %add3A_663 = arith.constant 3 : i32
        %add3A_664 = arith.addi %add3A_475, %add3A_663 : i32
        %mul3A_665 = arith.constant 16 : i32
        %mul3A_666 = arith.muli %add3A_664, %mul3A_665 : i32
        %get3A_667 = arith.constant 1 : i32
        %get3A_668 = arith.constant 0 : i32
        %get3A_669 = tpu.memref_slice %arg5[%get3A_667, %get3A_668] : memref<3x8192xf32, #tpu.memory_space<vmem>> -> memref<1x8192xf32, #tpu.memory_space<vmem>>
        %get3A_670 = tpu.memref_squeeze %get3A_669 : memref<1x8192xf32, #tpu.memory_space<vmem>> -> memref<8192xf32, #tpu.memory_space<vmem>>
        %get3A_671 = arith.index_cast %mul3A_666 : i32 to index
        %get3A_672 = tpu.vector_load %get3A_670[%get3A_671] {strides = array<i32>} : memref<8192xf32, #tpu.memory_space<vmem>>, vector<16xf32>,
        %add3A_673 = arith.constant 1 : i32
        %add3A_674 = vector.broadcast %add3A_673 : i32 to vector<16xi32>
        %add3A_675 = arith.addi %shift_left3A_649, %add3A_674 : vector<16xi32>
        tpu.vector_store_idx %arg7[%shift_right_arithmetic3A_643, %add3A_675], %get3A_672 : memref<4096x8xf32, #tpu.memory_space<vmem>>[vector<16xi32>, vector<16xi32>], vector<16xf32>,
        %add3A_676 = arith.constant 3 : i32
        %add3A_677 = arith.addi %add3A_475, %add3A_676 : i32
        %mul3A_678 = arith.constant 16 : i32
        %mul3A_679 = arith.muli %add3A_677, %mul3A_678 : i32
        %get3A_680 = arith.constant 2 : i32
        %get3A_681 = arith.constant 0 : i32
        %get3A_682 = tpu.memref_slice %arg5[%get3A_680, %get3A_681] : memref<3x8192xf32, #tpu.memory_space<vmem>> -> memref<1x8192xf32, #tpu.memory_space<vmem>>
        %get3A_683 = tpu.memref_squeeze %get3A_682 : memref<1x8192xf32, #tpu.memory_space<vmem>> -> memref<8192xf32, #tpu.memory_space<vmem>>
        %get3A_684 = arith.index_cast %mul3A_679 : i32 to index
        %get3A_685 = tpu.vector_load %get3A_683[%get3A_684] {strides = array<i32>} : memref<8192xf32, #tpu.memory_space<vmem>>, vector<16xf32>,
        %add3A_686 = arith.constant 2 : i32
        %add3A_687 = vector.broadcast %add3A_686 : i32 to vector<16xi32>
        %add3A_688 = arith.addi %shift_left3A_649, %add3A_687 : vector<16xi32>
        tpu.vector_store_idx %arg7[%shift_right_arithmetic3A_643, %add3A_688], %get3A_685 : memref<4096x8xf32, #tpu.memory_space<vmem>>[vector<16xi32>, vector<16xi32>], vector<16xf32>,
      }
      %scan3A_342 = arith.constant 128 : i32
      %mul3A_343 = arith.constant 131072 : i32
      %mul3A_344 = arith.muli %add3A, %mul3A_343 : i32
      %add3A_345 = arith.constant 0 : i32
      %add3A_346 = arith.addi %add3A_345, %mul3A_344 : i32
      %mul3A_347 = arith.constant 8192 : i32
      %mul3A_348 = arith.muli %add3A_302, %mul3A_347 : i32
      %add3A_349 = arith.addi %add3A_346, %mul3A_348 : i32
      %jit3A_350 = arith.constant 2 : i32
      %div3A_351 = arith.divsi %add3A_349, %jit3A_350 : i32
      %sign3A_352 = arith.constant 0 : i32
      %sign3A_353 = arith.cmpi sgt, %add3A_349, %sign3A_352 : i32
      %sign3A_354 = arith.extui %sign3A_353 : i1 to i32
      %sign3A_355 = arith.constant 0 : i32
      %sign3A_356 = arith.cmpi slt, %add3A_349, %sign3A_355 : i32
      %sign3A_357 = arith.extui %sign3A_356 : i1 to i32
      %sign3A_358 = arith.subi %sign3A_354, %sign3A_357 : i32
      %sign3A_359 = arith.constant 0 : i32
      %sign3A_360 = arith.cmpi sgt, %jit3A_350, %sign3A_359 : i32
      %sign3A_361 = arith.extui %sign3A_360 : i1 to i32
      %sign3A_362 = arith.constant 0 : i32
      %sign3A_363 = arith.cmpi slt, %jit3A_350, %sign3A_362 : i32
      %sign3A_364 = arith.extui %sign3A_363 : i1 to i32
      %sign3A_365 = arith.subi %sign3A_361, %sign3A_364 : i32
      %ne3A_366 = arith.cmpi ne, %sign3A_358, %sign3A_365 : i32
      %rem3A_367 = arith.remsi %add3A_349, %jit3A_350 : i32
      %ne3A_368 = arith.constant 0 : i32
      %ne3A_369 = arith.cmpi ne, %rem3A_367, %ne3A_368 : i32
      %and3A_370 = arith.andi %ne3A_366, %ne3A_369 : i1
      %sub3A_371 = arith.constant 1 : i32
      %sub3A_372 = arith.subi %div3A_351, %sub3A_371 : i32
      %select_n3A_373 = arith.select %and3A_370, %sub3A_372, %div3A_351 : i32
      %dma_start3A_374 = arith.constant 0 : i32
      %dma_start3A_375 = tpu.memref_slice %arg4[%select_n3A_373, %dma_start3A_374] : memref<2621440x8xf32, #tpu.memory_space<hbm>> -> memref<4096x8xf32, #tpu.memory_space<hbm>>
      %dma_start3A_376 = arith.constant 0 : i32
      %dma_start3A_377 = tpu.memref_slice %arg4[%select_n3A_373, %dma_start3A_376] : memref<2621440x8xf32, #tpu.memory_space<hbm>> -> memref<4096x8xf32, #tpu.memory_space<hbm>>
      tpu.enqueue_dma source(%arg7 : memref<4096x8xf32, #tpu.memory_space<vmem>>) target(%dma_start3A_377 : memref<4096x8xf32, #tpu.memory_space<hbm>>) target_semaphore(%arg11 : memref<!tpu.dma_semaphore, #tpu.memory_space<semaphore_mem>>)
      %add3A_378 = arith.constant 2 : i32
      %add3A_379 = arith.addi %add3A_302, %add3A_378 : i32
      %lt3A = arith.constant 16 : i32
      %lt3A_380 = arith.cmpi slt, %add3A_379, %lt3A : i32
      %convert_element_type3A_381 = arith.extui %lt3A_380 : i1 to i32
      %cond3A_382 = arith.constant 0 : i32
      %cond3A_383 = arith.cmpi ne, %convert_element_type3A_381, %cond3A_382 : i32
      scf.if %cond3A_383 {
        %add3A_471 = arith.constant 2 : i32
        %add3A_472 = arith.addi %add3A_302, %add3A_471 : i32
        %add3A_473 = arith.constant 0 : i32
        %add3A_474 = arith.addi %mul3A_2, %add3A_473 : i32
        %mul3A_475 = arith.constant 8192 : i32
        %mul3A_476 = arith.muli %add3A_472, %mul3A_475 : i32
        %add3A_477 = arith.addi %add3A_474, %mul3A_476 : i32
        %dma_start3A_478 = arith.constant 0 : i32
        %dma_start3A_479 = arith.constant 0 : i32
        %dma_start3A_480 = tpu.memref_slice %arg5[%dma_start3A_478, %dma_start3A_479] : memref<3x8192xf32, #tpu.memory_space<vmem>> -> memref<1x8192xf32, #tpu.memory_space<vmem>>
        %dma_start3A_481 = tpu.memref_squeeze %dma_start3A_480 : memref<1x8192xf32, #tpu.memory_space<vmem>> -> memref<8192xf32, #tpu.memory_space<vmem>>
        %dma_start3A_482 = tpu.memref_slice %arg2[%add3A_477] : memref<12582912xf32, #tpu.memory_space<hbm>> -> memref<8192xf32, #tpu.memory_space<hbm>>
        %dma_start3A_483 = arith.constant 0 : i32
        %dma_start3A_484 = tpu.memref_slice %arg5[%dma_start3A_478, %dma_start3A_483] : memref<3x8192xf32, #tpu.memory_space<vmem>> -> memref<1x8192xf32, #tpu.memory_space<vmem>>
        %dma_start3A_485 = tpu.memref_squeeze %dma_start3A_484 : memref<1x8192xf32, #tpu.memory_space<vmem>> -> memref<8192xf32, #tpu.memory_space<vmem>>
        %dma_start3A_486 = tpu.memref_slice %arg2[%add3A_477] : memref<12582912xf32, #tpu.memory_space<hbm>> -> memref<8192xf32, #tpu.memory_space<hbm>>
        tpu.enqueue_dma source(%dma_start3A_486 : memref<8192xf32, #tpu.memory_space<hbm>>) target(%dma_start3A_485 : memref<8192xf32, #tpu.memory_space<vmem>>) target_semaphore(%arg9 : memref<!tpu.dma_semaphore, #tpu.memory_space<semaphore_mem>>)
        %add3A_487 = arith.constant 4194304 : i32
        %add3A_488 = arith.addi %mul3A_2, %add3A_487 : i32
        %mul3A_489 = arith.constant 8192 : i32
        %mul3A_490 = arith.muli %add3A_472, %mul3A_489 : i32
        %add3A_491 = arith.addi %add3A_488, %mul3A_490 : i32
        %dma_start3A_492 = arith.constant 1 : i32
        %dma_start3A_493 = arith.constant 0 : i32
        %dma_start3A_494 = tpu.memref_slice %arg5[%dma_start3A_492, %dma_start3A_493] : memref<3x8192xf32, #tpu.memory_space<vmem>> -> memref<1x8192xf32, #tpu.memory_space<vmem>>
        %dma_start3A_495 = tpu.memref_squeeze %dma_start3A_494 : memref<1x8192xf32, #tpu.memory_space<vmem>> -> memref<8192xf32, #tpu.memory_space<vmem>>
        %dma_start3A_496 = tpu.memref_slice %arg2[%add3A_491] : memref<12582912xf32, #tpu.memory_space<hbm>> -> memref<8192xf32, #tpu.memory_space<hbm>>
        %dma_start3A_497 = arith.constant 0 : i32
        %dma_start3A_498 = tpu.memref_slice %arg5[%dma_start3A_492, %dma_start3A_497] : memref<3x8192xf32, #tpu.memory_space<vmem>> -> memref<1x8192xf32, #tpu.memory_space<vmem>>
        %dma_start3A_499 = tpu.memref_squeeze %dma_start3A_498 : memref<1x8192xf32, #tpu.memory_space<vmem>> -> memref<8192xf32, #tpu.memory_space<vmem>>
        %dma_start3A_500 = tpu.memref_slice %arg2[%add3A_491] : memref<12582912xf32, #tpu.memory_space<hbm>> -> memref<8192xf32, #tpu.memory_space<hbm>>
        tpu.enqueue_dma source(%dma_start3A_500 : memref<8192xf32, #tpu.memory_space<hbm>>) target(%dma_start3A_499 : memref<8192xf32, #tpu.memory_space<vmem>>) target_semaphore(%arg9 : memref<!tpu.dma_semaphore, #tpu.memory_space<semaphore_mem>>)
        %add3A_501 = arith.constant 8388608 : i32
        %add3A_502 = arith.addi %mul3A_2, %add3A_501 : i32
        %mul3A_503 = arith.constant 8192 : i32
        %mul3A_504 = arith.muli %add3A_472, %mul3A_503 : i32
        %add3A_505 = arith.addi %add3A_502, %mul3A_504 : i32
        %dma_start3A_506 = arith.constant 2 : i32
        %dma_start3A_507 = arith.constant 0 : i32
        %dma_start3A_508 = tpu.memref_slice %arg5[%dma_start3A_506, %dma_start3A_507] : memref<3x8192xf32, #tpu.memory_space<vmem>> -> memref<1x8192xf32, #tpu.memory_space<vmem>>
        %dma_start3A_509 = tpu.memref_squeeze %dma_start3A_508 : memref<1x8192xf32, #tpu.memory_space<vmem>> -> memref<8192xf32, #tpu.memory_space<vmem>>
        %dma_start3A_510 = tpu.memref_slice %arg2[%add3A_505] : memref<12582912xf32, #tpu.memory_space<hbm>> -> memref<8192xf32, #tpu.memory_space<hbm>>
        %dma_start3A_511 = arith.constant 0 : i32
        %dma_start3A_512 = tpu.memref_slice %arg5[%dma_start3A_506, %dma_start3A_511] : memref<3x8192xf32, #tpu.memory_space<vmem>> -> memref<1x8192xf32, #tpu.memory_space<vmem>>
        %dma_start3A_513 = tpu.memref_squeeze %dma_start3A_512 : memref<1x8192xf32, #tpu.memory_space<vmem>> -> memref<8192xf32, #tpu.memory_space<vmem>>
        %dma_start3A_514 = tpu.memref_slice %arg2[%add3A_505] : memref<12582912xf32, #tpu.memory_space<hbm>> -> memref<8192xf32, #tpu.memory_space<hbm>>
        tpu.enqueue_dma source(%dma_start3A_514 : memref<8192xf32, #tpu.memory_space<hbm>>) target(%dma_start3A_513 : memref<8192xf32, #tpu.memory_space<vmem>>) target_semaphore(%arg9 : memref<!tpu.dma_semaphore, #tpu.memory_space<semaphore_mem>>)
      } else {
      }
      %add3A_384 = arith.constant 1 : i32
      %add3A_385 = arith.addi %add3A_300, %add3A_384 : i32
      %dma_wait3A_386 = arith.constant 0 : i32
      %dma_wait3A_387 = arith.constant 0 : i32
      %dma_wait3A_388 = tpu.memref_slice %arg6[%dma_wait3A_386, %dma_wait3A_387] : memref<3x8192xf32, #tpu.memory_space<vmem>> -> memref<1x8192xf32, #tpu.memory_space<vmem>>
      %dma_wait3A_389 = tpu.memref_squeeze %dma_wait3A_388 : memref<1x8192xf32, #tpu.memory_space<vmem>> -> memref<8192xf32, #tpu.memory_space<vmem>>
      %dma_wait3A_390 = arith.constant 0 : i32
      %dma_wait3A_391 = tpu.memref_slice %arg2[%dma_wait3A_390] : memref<12582912xf32, #tpu.memory_space<hbm>> -> memref<8192xf32, #tpu.memory_space<hbm>>
      %dma_wait3A_392 = arith.constant 0 : i32
      %dma_wait3A_393 = tpu.memref_slice %arg6[%dma_wait3A_386, %dma_wait3A_392] : memref<3x8192xf32, #tpu.memory_space<vmem>> -> memref<1x8192xf32, #tpu.memory_space<vmem>>
      %dma_wait3A_394 = tpu.memref_squeeze %dma_wait3A_393 : memref<1x8192xf32, #tpu.memory_space<vmem>> -> memref<8192xf32, #tpu.memory_space<vmem>>
      %dma_wait3A_395 = arith.constant 0 : i32
      %dma_wait3A_396 = tpu.memref_slice %arg2[%dma_wait3A_395] : memref<12582912xf32, #tpu.memory_space<hbm>> -> memref<8192xf32, #tpu.memory_space<hbm>>
      tpu.wait_dma2 semaphore(%arg10 : memref<!tpu.dma_semaphore, #tpu.memory_space<semaphore_mem>>) src(%dma_wait3A_396 : memref<8192xf32, #tpu.memory_space<hbm>>) dst(%dma_wait3A_394 : memref<8192xf32, #tpu.memory_space<vmem>>)
      %dma_wait3A_397 = arith.constant 1 : i32
      %dma_wait3A_398 = arith.constant 0 : i32
      %dma_wait3A_399 = tpu.memref_slice %arg6[%dma_wait3A_397, %dma_wait3A_398] : memref<3x8192xf32, #tpu.memory_space<vmem>> -> memref<1x8192xf32, #tpu.memory_space<vmem>>
      %dma_wait3A_400 = tpu.memref_squeeze %dma_wait3A_399 : memref<1x8192xf32, #tpu.memory_space<vmem>> -> memref<8192xf32, #tpu.memory_space<vmem>>
      %dma_wait3A_401 = arith.constant 0 : i32
      %dma_wait3A_402 = tpu.memref_slice %arg2[%dma_wait3A_401] : memref<12582912xf32, #tpu.memory_space<hbm>> -> memref<8192xf32, #tpu.memory_space<hbm>>
      %dma_wait3A_403 = arith.constant 0 : i32
      %dma_wait3A_404 = tpu.memref_slice %arg6[%dma_wait3A_397, %dma_wait3A_403] : memref<3x8192xf32, #tpu.memory_space<vmem>> -> memref<1x8192xf32, #tpu.memory_space<vmem>>
      %dma_wait3A_405 = tpu.memref_squeeze %dma_wait3A_404 : memref<1x8192xf32, #tpu.memory_space<vmem>> -> memref<8192xf32, #tpu.memory_space<vmem>>
      %dma_wait3A_406 = arith.constant 0 : i32
      %dma_wait3A_407 = tpu.memref_slice %arg2[%dma_wait3A_406] : memref<12582912xf32, #tpu.memory_space<hbm>> -> memref<8192xf32, #tpu.memory_space<hbm>>
      tpu.wait_dma2 semaphore(%arg10 : memref<!tpu.dma_semaphore, #tpu.memory_space<semaphore_mem>>) src(%dma_wait3A_407 : memref<8192xf32, #tpu.memory_space<hbm>>) dst(%dma_wait3A_405 : memref<8192xf32, #tpu.memory_space<vmem>>)
      %dma_wait3A_408 = arith.constant 2 : i32
      %dma_wait3A_409 = arith.constant 0 : i32
      %dma_wait3A_410 = tpu.memref_slice %arg6[%dma_wait3A_408, %dma_wait3A_409] : memref<3x8192xf32, #tpu.memory_space<vmem>> -> memref<1x8192xf32, #tpu.memory_space<vmem>>
      %dma_wait3A_411 = tpu.memref_squeeze %dma_wait3A_410 : memref<1x8192xf32, #tpu.memory_space<vmem>> -> memref<8192xf32, #tpu.memory_space<vmem>>
      %dma_wait3A_412 = arith.constant 0 : i32
      %dma_wait3A_413 = tpu.memref_slice %arg2[%dma_wait3A_412] : memref<12582912xf32, #tpu.memory_space<hbm>> -> memref<8192xf32, #tpu.memory_space<hbm>>
      %dma_wait3A_414 = arith.constant 0 : i32
      %dma_wait3A_415 = tpu.memref_slice %arg6[%dma_wait3A_408, %dma_wait3A_414] : memref<3x8192xf32, #tpu.memory_space<vmem>> -> memref<1x8192xf32, #tpu.memory_space<vmem>>
      %dma_wait3A_416 = tpu.memref_squeeze %dma_wait3A_415 : memref<1x8192xf32, #tpu.memory_space<vmem>> -> memref<8192xf32, #tpu.memory_space<vmem>>
      %dma_wait3A_417 = arith.constant 0 : i32
      %dma_wait3A_418 = tpu.memref_slice %arg2[%dma_wait3A_417] : memref<12582912xf32, #tpu.memory_space<hbm>> -> memref<8192xf32, #tpu.memory_space<hbm>>
      tpu.wait_dma2 semaphore(%arg10 : memref<!tpu.dma_semaphore, #tpu.memory_space<semaphore_mem>>) src(%dma_wait3A_418 : memref<8192xf32, #tpu.memory_space<hbm>>) dst(%dma_wait3A_416 : memref<8192xf32, #tpu.memory_space<vmem>>)
      %ge3A_419 = arith.constant 2 : i32
      %ge3A_420 = arith.cmpi sge, %add3A_385, %ge3A_419 : i32
      %convert_element_type3A_421 = arith.extui %ge3A_420 : i1 to i32
      %cond3A_422 = arith.constant 0 : i32
      %cond3A_423 = arith.cmpi ne, %convert_element_type3A_421, %cond3A_422 : i32
      scf.if %cond3A_423 {
        %mul3A_471 = arith.constant 131072 : i32
        %mul3A_472 = arith.muli %add3A, %mul3A_471 : i32
        %add3A_473 = arith.constant 0 : i32
        %add3A_474 = arith.addi %add3A_473, %mul3A_472 : i32
        %add3A_475 = arith.constant 0 : i32
        %add3A_476 = arith.addi %add3A_474, %add3A_475 : i32
        %jit3A_477 = arith.constant 2 : i32
        %div3A_478 = arith.divsi %add3A_476, %jit3A_477 : i32
        %sign3A_479 = arith.constant 0 : i32
        %sign3A_480 = arith.cmpi sgt, %add3A_476, %sign3A_479 : i32
        %sign3A_481 = arith.extui %sign3A_480 : i1 to i32
        %sign3A_482 = arith.constant 0 : i32
        %sign3A_483 = arith.cmpi slt, %add3A_476, %sign3A_482 : i32
        %sign3A_484 = arith.extui %sign3A_483 : i1 to i32
        %sign3A_485 = arith.subi %sign3A_481, %sign3A_484 : i32
        %sign3A_486 = arith.constant 0 : i32
        %sign3A_487 = arith.cmpi sgt, %jit3A_477, %sign3A_486 : i32
        %sign3A_488 = arith.extui %sign3A_487 : i1 to i32
        %sign3A_489 = arith.constant 0 : i32
        %sign3A_490 = arith.cmpi slt, %jit3A_477, %sign3A_489 : i32
        %sign3A_491 = arith.extui %sign3A_490 : i1 to i32
        %sign3A_492 = arith.subi %sign3A_488, %sign3A_491 : i32
        %ne3A_493 = arith.cmpi ne, %sign3A_485, %sign3A_492 : i32
        %rem3A_494 = arith.remsi %add3A_476, %jit3A_477 : i32
        %ne3A_495 = arith.constant 0 : i32
        %ne3A_496 = arith.cmpi ne, %rem3A_494, %ne3A_495 : i32
        %and3A_497 = arith.andi %ne3A_493, %ne3A_496 : i1
        %sub3A_498 = arith.constant 1 : i32
        %sub3A_499 = arith.subi %div3A_478, %sub3A_498 : i32
        %select_n3A_500 = arith.select %and3A_497, %sub3A_499, %div3A_478 : i32
        %dma_wait3A_501 = arith.constant 0 : i32
        %dma_wait3A_502 = tpu.memref_slice %arg4[%select_n3A_500, %dma_wait3A_501] : memref<2621440x8xf32, #tpu.memory_space<hbm>> -> memref<4096x8xf32, #tpu.memory_space<hbm>>
        %dma_wait3A_503 = arith.constant 0 : i32
        %dma_wait3A_504 = tpu.memref_slice %arg4[%select_n3A_500, %dma_wait3A_503] : memref<2621440x8xf32, #tpu.memory_space<hbm>> -> memref<4096x8xf32, #tpu.memory_space<hbm>>
        tpu.wait_dma2 semaphore(%arg12 : memref<!tpu.dma_semaphore, #tpu.memory_space<semaphore_mem>>) src(%arg8 : memref<4096x8xf32, #tpu.memory_space<vmem>>) dst(%dma_wait3A_504 : memref<4096x8xf32, #tpu.memory_space<hbm>>)
      } else {
      }
      %scan3A_424 = arith.constant 0 : i32
      %scan3A_425 = arith.constant 128 : i32
      %scan3A_426 = arith.addi %scan3A_424, %scan3A_425 : i32
      %scan3A_427 = arith.constant 1 : i32
      scf.for %scan3A_471 = %scan3A_424 to %scan3A_426 step %scan3A_427  : i32 {
        %mul3A_472 = arith.constant 4 : i32
        %mul3A_473 = arith.muli %scan3A_471, %mul3A_472 : i32
        %add3A_474 = arith.constant 0 : i32
        %add3A_475 = arith.addi %add3A_474, %mul3A_473 : i32
        %add3A_476 = arith.constant 0 : i32
        %add3A_477 = arith.addi %add3A_475, %add3A_476 : i32
        %mul3A_478 = arith.constant 16 : i32
        %mul3A_479 = arith.muli %add3A_477, %mul3A_478 : i32
        %add3A_480 = vector.broadcast %mul3A_479 : i32 to vector<16xi32>
        %add3A_481 = arith.addi %add3A_480, %iota3A : vector<16xi32>
        %shift_right_arithmetic3A = arith.constant 1 : i32
        %shift_right_arithmetic3A_482 = vector.broadcast %shift_right_arithmetic3A : i32 to vector<16xi32>
        %shift_right_arithmetic3A_483 = arith.shrsi %add3A_481, %shift_right_arithmetic3A_482 : vector<16xi32>
        %and3A_484 = arith.constant 1 : i32
        %and3A_485 = vector.broadcast %and3A_484 : i32 to vector<16xi32>
        %and3A_486 = arith.andi %add3A_481, %and3A_485 : vector<16xi32>
        %shift_left3A = arith.constant 2 : i32
        %shift_left3A_487 = vector.broadcast %shift_left3A : i32 to vector<16xi32>
        %shift_left3A_488 = arith.shli %and3A_486, %shift_left3A_487 : vector<16xi32>
        %add3A_489 = arith.constant 0 : i32
        %add3A_490 = arith.addi %add3A_475, %add3A_489 : i32
        %mul3A_491 = arith.constant 16 : i32
        %mul3A_492 = arith.muli %add3A_490, %mul3A_491 : i32
        %get3A = arith.constant 0 : i32
        %get3A_493 = arith.constant 0 : i32
        %get3A_494 = tpu.memref_slice %arg6[%get3A, %get3A_493] : memref<3x8192xf32, #tpu.memory_space<vmem>> -> memref<1x8192xf32, #tpu.memory_space<vmem>>
        %get3A_495 = tpu.memref_squeeze %get3A_494 : memref<1x8192xf32, #tpu.memory_space<vmem>> -> memref<8192xf32, #tpu.memory_space<vmem>>
        %get3A_496 = arith.index_cast %mul3A_492 : i32 to index
        %get3A_497 = tpu.vector_load %get3A_495[%get3A_496] {strides = array<i32>} : memref<8192xf32, #tpu.memory_space<vmem>>, vector<16xf32>,
        %add3A_498 = arith.constant 0 : i32
        %add3A_499 = vector.broadcast %add3A_498 : i32 to vector<16xi32>
        %add3A_500 = arith.addi %shift_left3A_488, %add3A_499 : vector<16xi32>
        tpu.vector_store_idx %arg8[%shift_right_arithmetic3A_483, %add3A_500], %get3A_497 : memref<4096x8xf32, #tpu.memory_space<vmem>>[vector<16xi32>, vector<16xi32>], vector<16xf32>,
        %add3A_501 = arith.constant 0 : i32
        %add3A_502 = arith.addi %add3A_475, %add3A_501 : i32
        %mul3A_503 = arith.constant 16 : i32
        %mul3A_504 = arith.muli %add3A_502, %mul3A_503 : i32
        %get3A_505 = arith.constant 1 : i32
        %get3A_506 = arith.constant 0 : i32
        %get3A_507 = tpu.memref_slice %arg6[%get3A_505, %get3A_506] : memref<3x8192xf32, #tpu.memory_space<vmem>> -> memref<1x8192xf32, #tpu.memory_space<vmem>>
        %get3A_508 = tpu.memref_squeeze %get3A_507 : memref<1x8192xf32, #tpu.memory_space<vmem>> -> memref<8192xf32, #tpu.memory_space<vmem>>
        %get3A_509 = arith.index_cast %mul3A_504 : i32 to index
        %get3A_510 = tpu.vector_load %get3A_508[%get3A_509] {strides = array<i32>} : memref<8192xf32, #tpu.memory_space<vmem>>, vector<16xf32>,
        %add3A_511 = arith.constant 1 : i32
        %add3A_512 = vector.broadcast %add3A_511 : i32 to vector<16xi32>
        %add3A_513 = arith.addi %shift_left3A_488, %add3A_512 : vector<16xi32>
        tpu.vector_store_idx %arg8[%shift_right_arithmetic3A_483, %add3A_513], %get3A_510 : memref<4096x8xf32, #tpu.memory_space<vmem>>[vector<16xi32>, vector<16xi32>], vector<16xf32>,
        %add3A_514 = arith.constant 0 : i32
        %add3A_515 = arith.addi %add3A_475, %add3A_514 : i32
        %mul3A_516 = arith.constant 16 : i32
        %mul3A_517 = arith.muli %add3A_515, %mul3A_516 : i32
        %get3A_518 = arith.constant 2 : i32
        %get3A_519 = arith.constant 0 : i32
        %get3A_520 = tpu.memref_slice %arg6[%get3A_518, %get3A_519] : memref<3x8192xf32, #tpu.memory_space<vmem>> -> memref<1x8192xf32, #tpu.memory_space<vmem>>
        %get3A_521 = tpu.memref_squeeze %get3A_520 : memref<1x8192xf32, #tpu.memory_space<vmem>> -> memref<8192xf32, #tpu.memory_space<vmem>>
        %get3A_522 = arith.index_cast %mul3A_517 : i32 to index
        %get3A_523 = tpu.vector_load %get3A_521[%get3A_522] {strides = array<i32>} : memref<8192xf32, #tpu.memory_space<vmem>>, vector<16xf32>,
        %add3A_524 = arith.constant 2 : i32
        %add3A_525 = vector.broadcast %add3A_524 : i32 to vector<16xi32>
        %add3A_526 = arith.addi %shift_left3A_488, %add3A_525 : vector<16xi32>
        tpu.vector_store_idx %arg8[%shift_right_arithmetic3A_483, %add3A_526], %get3A_523 : memref<4096x8xf32, #tpu.memory_space<vmem>>[vector<16xi32>, vector<16xi32>], vector<16xf32>,
        %add3A_527 = arith.constant 1 : i32
        %add3A_528 = arith.addi %add3A_475, %add3A_527 : i32
        %mul3A_529 = arith.constant 16 : i32
        %mul3A_530 = arith.muli %add3A_528, %mul3A_529 : i32
        %add3A_531 = vector.broadcast %mul3A_530 : i32 to vector<16xi32>
        %add3A_532 = arith.addi %add3A_531, %iota3A : vector<16xi32>
        %shift_right_arithmetic3A_533 = arith.constant 1 : i32
        %shift_right_arithmetic3A_534 = vector.broadcast %shift_right_arithmetic3A_533 : i32 to vector<16xi32>
        %shift_right_arithmetic3A_535 = arith.shrsi %add3A_532, %shift_right_arithmetic3A_534 : vector<16xi32>
        %and3A_536 = arith.constant 1 : i32
        %and3A_537 = vector.broadcast %and3A_536 : i32 to vector<16xi32>
        %and3A_538 = arith.andi %add3A_532, %and3A_537 : vector<16xi32>
        %shift_left3A_539 = arith.constant 2 : i32
        %shift_left3A_540 = vector.broadcast %shift_left3A_539 : i32 to vector<16xi32>
        %shift_left3A_541 = arith.shli %and3A_538, %shift_left3A_540 : vector<16xi32>
        %add3A_542 = arith.constant 1 : i32
        %add3A_543 = arith.addi %add3A_475, %add3A_542 : i32
        %mul3A_544 = arith.constant 16 : i32
        %mul3A_545 = arith.muli %add3A_543, %mul3A_544 : i32
        %get3A_546 = arith.constant 0 : i32
        %get3A_547 = arith.constant 0 : i32
        %get3A_548 = tpu.memref_slice %arg6[%get3A_546, %get3A_547] : memref<3x8192xf32, #tpu.memory_space<vmem>> -> memref<1x8192xf32, #tpu.memory_space<vmem>>
        %get3A_549 = tpu.memref_squeeze %get3A_548 : memref<1x8192xf32, #tpu.memory_space<vmem>> -> memref<8192xf32, #tpu.memory_space<vmem>>
        %get3A_550 = arith.index_cast %mul3A_545 : i32 to index
        %get3A_551 = tpu.vector_load %get3A_549[%get3A_550] {strides = array<i32>} : memref<8192xf32, #tpu.memory_space<vmem>>, vector<16xf32>,
        %add3A_552 = arith.constant 0 : i32
        %add3A_553 = vector.broadcast %add3A_552 : i32 to vector<16xi32>
        %add3A_554 = arith.addi %shift_left3A_541, %add3A_553 : vector<16xi32>
        tpu.vector_store_idx %arg8[%shift_right_arithmetic3A_535, %add3A_554], %get3A_551 : memref<4096x8xf32, #tpu.memory_space<vmem>>[vector<16xi32>, vector<16xi32>], vector<16xf32>,
        %add3A_555 = arith.constant 1 : i32
        %add3A_556 = arith.addi %add3A_475, %add3A_555 : i32
        %mul3A_557 = arith.constant 16 : i32
        %mul3A_558 = arith.muli %add3A_556, %mul3A_557 : i32
        %get3A_559 = arith.constant 1 : i32
        %get3A_560 = arith.constant 0 : i32
        %get3A_561 = tpu.memref_slice %arg6[%get3A_559, %get3A_560] : memref<3x8192xf32, #tpu.memory_space<vmem>> -> memref<1x8192xf32, #tpu.memory_space<vmem>>
        %get3A_562 = tpu.memref_squeeze %get3A_561 : memref<1x8192xf32, #tpu.memory_space<vmem>> -> memref<8192xf32, #tpu.memory_space<vmem>>
        %get3A_563 = arith.index_cast %mul3A_558 : i32 to index
        %get3A_564 = tpu.vector_load %get3A_562[%get3A_563] {strides = array<i32>} : memref<8192xf32, #tpu.memory_space<vmem>>, vector<16xf32>,
        %add3A_565 = arith.constant 1 : i32
        %add3A_566 = vector.broadcast %add3A_565 : i32 to vector<16xi32>
        %add3A_567 = arith.addi %shift_left3A_541, %add3A_566 : vector<16xi32>
        tpu.vector_store_idx %arg8[%shift_right_arithmetic3A_535, %add3A_567], %get3A_564 : memref<4096x8xf32, #tpu.memory_space<vmem>>[vector<16xi32>, vector<16xi32>], vector<16xf32>,
        %add3A_568 = arith.constant 1 : i32
        %add3A_569 = arith.addi %add3A_475, %add3A_568 : i32
        %mul3A_570 = arith.constant 16 : i32
        %mul3A_571 = arith.muli %add3A_569, %mul3A_570 : i32
        %get3A_572 = arith.constant 2 : i32
        %get3A_573 = arith.constant 0 : i32
        %get3A_574 = tpu.memref_slice %arg6[%get3A_572, %get3A_573] : memref<3x8192xf32, #tpu.memory_space<vmem>> -> memref<1x8192xf32, #tpu.memory_space<vmem>>
        %get3A_575 = tpu.memref_squeeze %get3A_574 : memref<1x8192xf32, #tpu.memory_space<vmem>> -> memref<8192xf32, #tpu.memory_space<vmem>>
        %get3A_576 = arith.index_cast %mul3A_571 : i32 to index
        %get3A_577 = tpu.vector_load %get3A_575[%get3A_576] {strides = array<i32>} : memref<8192xf32, #tpu.memory_space<vmem>>, vector<16xf32>,
        %add3A_578 = arith.constant 2 : i32
        %add3A_579 = vector.broadcast %add3A_578 : i32 to vector<16xi32>
        %add3A_580 = arith.addi %shift_left3A_541, %add3A_579 : vector<16xi32>
        tpu.vector_store_idx %arg8[%shift_right_arithmetic3A_535, %add3A_580], %get3A_577 : memref<4096x8xf32, #tpu.memory_space<vmem>>[vector<16xi32>, vector<16xi32>], vector<16xf32>,
        %add3A_581 = arith.constant 2 : i32
        %add3A_582 = arith.addi %add3A_475, %add3A_581 : i32
        %mul3A_583 = arith.constant 16 : i32
        %mul3A_584 = arith.muli %add3A_582, %mul3A_583 : i32
        %add3A_585 = vector.broadcast %mul3A_584 : i32 to vector<16xi32>
        %add3A_586 = arith.addi %add3A_585, %iota3A : vector<16xi32>
        %shift_right_arithmetic3A_587 = arith.constant 1 : i32
        %shift_right_arithmetic3A_588 = vector.broadcast %shift_right_arithmetic3A_587 : i32 to vector<16xi32>
        %shift_right_arithmetic3A_589 = arith.shrsi %add3A_586, %shift_right_arithmetic3A_588 : vector<16xi32>
        %and3A_590 = arith.constant 1 : i32
        %and3A_591 = vector.broadcast %and3A_590 : i32 to vector<16xi32>
        %and3A_592 = arith.andi %add3A_586, %and3A_591 : vector<16xi32>
        %shift_left3A_593 = arith.constant 2 : i32
        %shift_left3A_594 = vector.broadcast %shift_left3A_593 : i32 to vector<16xi32>
        %shift_left3A_595 = arith.shli %and3A_592, %shift_left3A_594 : vector<16xi32>
        %add3A_596 = arith.constant 2 : i32
        %add3A_597 = arith.addi %add3A_475, %add3A_596 : i32
        %mul3A_598 = arith.constant 16 : i32
        %mul3A_599 = arith.muli %add3A_597, %mul3A_598 : i32
        %get3A_600 = arith.constant 0 : i32
        %get3A_601 = arith.constant 0 : i32
        %get3A_602 = tpu.memref_slice %arg6[%get3A_600, %get3A_601] : memref<3x8192xf32, #tpu.memory_space<vmem>> -> memref<1x8192xf32, #tpu.memory_space<vmem>>
        %get3A_603 = tpu.memref_squeeze %get3A_602 : memref<1x8192xf32, #tpu.memory_space<vmem>> -> memref<8192xf32, #tpu.memory_space<vmem>>
        %get3A_604 = arith.index_cast %mul3A_599 : i32 to index
        %get3A_605 = tpu.vector_load %get3A_603[%get3A_604] {strides = array<i32>} : memref<8192xf32, #tpu.memory_space<vmem>>, vector<16xf32>,
        %add3A_606 = arith.constant 0 : i32
        %add3A_607 = vector.broadcast %add3A_606 : i32 to vector<16xi32>
        %add3A_608 = arith.addi %shift_left3A_595, %add3A_607 : vector<16xi32>
        tpu.vector_store_idx %arg8[%shift_right_arithmetic3A_589, %add3A_608], %get3A_605 : memref<4096x8xf32, #tpu.memory_space<vmem>>[vector<16xi32>, vector<16xi32>], vector<16xf32>,
        %add3A_609 = arith.constant 2 : i32
        %add3A_610 = arith.addi %add3A_475, %add3A_609 : i32
        %mul3A_611 = arith.constant 16 : i32
        %mul3A_612 = arith.muli %add3A_610, %mul3A_611 : i32
        %get3A_613 = arith.constant 1 : i32
        %get3A_614 = arith.constant 0 : i32
        %get3A_615 = tpu.memref_slice %arg6[%get3A_613, %get3A_614] : memref<3x8192xf32, #tpu.memory_space<vmem>> -> memref<1x8192xf32, #tpu.memory_space<vmem>>
        %get3A_616 = tpu.memref_squeeze %get3A_615 : memref<1x8192xf32, #tpu.memory_space<vmem>> -> memref<8192xf32, #tpu.memory_space<vmem>>
        %get3A_617 = arith.index_cast %mul3A_612 : i32 to index
        %get3A_618 = tpu.vector_load %get3A_616[%get3A_617] {strides = array<i32>} : memref<8192xf32, #tpu.memory_space<vmem>>, vector<16xf32>,
        %add3A_619 = arith.constant 1 : i32
        %add3A_620 = vector.broadcast %add3A_619 : i32 to vector<16xi32>
        %add3A_621 = arith.addi %shift_left3A_595, %add3A_620 : vector<16xi32>
        tpu.vector_store_idx %arg8[%shift_right_arithmetic3A_589, %add3A_621], %get3A_618 : memref<4096x8xf32, #tpu.memory_space<vmem>>[vector<16xi32>, vector<16xi32>], vector<16xf32>,
        %add3A_622 = arith.constant 2 : i32
        %add3A_623 = arith.addi %add3A_475, %add3A_622 : i32
        %mul3A_624 = arith.constant 16 : i32
        %mul3A_625 = arith.muli %add3A_623, %mul3A_624 : i32
        %get3A_626 = arith.constant 2 : i32
        %get3A_627 = arith.constant 0 : i32
        %get3A_628 = tpu.memref_slice %arg6[%get3A_626, %get3A_627] : memref<3x8192xf32, #tpu.memory_space<vmem>> -> memref<1x8192xf32, #tpu.memory_space<vmem>>
        %get3A_629 = tpu.memref_squeeze %get3A_628 : memref<1x8192xf32, #tpu.memory_space<vmem>> -> memref<8192xf32, #tpu.memory_space<vmem>>
        %get3A_630 = arith.index_cast %mul3A_625 : i32 to index
        %get3A_631 = tpu.vector_load %get3A_629[%get3A_630] {strides = array<i32>} : memref<8192xf32, #tpu.memory_space<vmem>>, vector<16xf32>,
        %add3A_632 = arith.constant 2 : i32
        %add3A_633 = vector.broadcast %add3A_632 : i32 to vector<16xi32>
        %add3A_634 = arith.addi %shift_left3A_595, %add3A_633 : vector<16xi32>
        tpu.vector_store_idx %arg8[%shift_right_arithmetic3A_589, %add3A_634], %get3A_631 : memref<4096x8xf32, #tpu.memory_space<vmem>>[vector<16xi32>, vector<16xi32>], vector<16xf32>,
        %add3A_635 = arith.constant 3 : i32
        %add3A_636 = arith.addi %add3A_475, %add3A_635 : i32
        %mul3A_637 = arith.constant 16 : i32
        %mul3A_638 = arith.muli %add3A_636, %mul3A_637 : i32
        %add3A_639 = vector.broadcast %mul3A_638 : i32 to vector<16xi32>
        %add3A_640 = arith.addi %add3A_639, %iota3A : vector<16xi32>
        %shift_right_arithmetic3A_641 = arith.constant 1 : i32
        %shift_right_arithmetic3A_642 = vector.broadcast %shift_right_arithmetic3A_641 : i32 to vector<16xi32>
        %shift_right_arithmetic3A_643 = arith.shrsi %add3A_640, %shift_right_arithmetic3A_642 : vector<16xi32>
        %and3A_644 = arith.constant 1 : i32
        %and3A_645 = vector.broadcast %and3A_644 : i32 to vector<16xi32>
        %and3A_646 = arith.andi %add3A_640, %and3A_645 : vector<16xi32>
        %shift_left3A_647 = arith.constant 2 : i32
        %shift_left3A_648 = vector.broadcast %shift_left3A_647 : i32 to vector<16xi32>
        %shift_left3A_649 = arith.shli %and3A_646, %shift_left3A_648 : vector<16xi32>
        %add3A_650 = arith.constant 3 : i32
        %add3A_651 = arith.addi %add3A_475, %add3A_650 : i32
        %mul3A_652 = arith.constant 16 : i32
        %mul3A_653 = arith.muli %add3A_651, %mul3A_652 : i32
        %get3A_654 = arith.constant 0 : i32
        %get3A_655 = arith.constant 0 : i32
        %get3A_656 = tpu.memref_slice %arg6[%get3A_654, %get3A_655] : memref<3x8192xf32, #tpu.memory_space<vmem>> -> memref<1x8192xf32, #tpu.memory_space<vmem>>
        %get3A_657 = tpu.memref_squeeze %get3A_656 : memref<1x8192xf32, #tpu.memory_space<vmem>> -> memref<8192xf32, #tpu.memory_space<vmem>>
        %get3A_658 = arith.index_cast %mul3A_653 : i32 to index
        %get3A_659 = tpu.vector_load %get3A_657[%get3A_658] {strides = array<i32>} : memref<8192xf32, #tpu.memory_space<vmem>>, vector<16xf32>,
        %add3A_660 = arith.constant 0 : i32
        %add3A_661 = vector.broadcast %add3A_660 : i32 to vector<16xi32>
        %add3A_662 = arith.addi %shift_left3A_649, %add3A_661 : vector<16xi32>
        tpu.vector_store_idx %arg8[%shift_right_arithmetic3A_643, %add3A_662], %get3A_659 : memref<4096x8xf32, #tpu.memory_space<vmem>>[vector<16xi32>, vector<16xi32>], vector<16xf32>,
        %add3A_663 = arith.constant 3 : i32
        %add3A_664 = arith.addi %add3A_475, %add3A_663 : i32
        %mul3A_665 = arith.constant 16 : i32
        %mul3A_666 = arith.muli %add3A_664, %mul3A_665 : i32
        %get3A_667 = arith.constant 1 : i32
        %get3A_668 = arith.constant 0 : i32
        %get3A_669 = tpu.memref_slice %arg6[%get3A_667, %get3A_668] : memref<3x8192xf32, #tpu.memory_space<vmem>> -> memref<1x8192xf32, #tpu.memory_space<vmem>>
        %get3A_670 = tpu.memref_squeeze %get3A_669 : memref<1x8192xf32, #tpu.memory_space<vmem>> -> memref<8192xf32, #tpu.memory_space<vmem>>
        %get3A_671 = arith.index_cast %mul3A_666 : i32 to index
        %get3A_672 = tpu.vector_load %get3A_670[%get3A_671] {strides = array<i32>} : memref<8192xf32, #tpu.memory_space<vmem>>, vector<16xf32>,
        %add3A_673 = arith.constant 1 : i32
        %add3A_674 = vector.broadcast %add3A_673 : i32 to vector<16xi32>
        %add3A_675 = arith.addi %shift_left3A_649, %add3A_674 : vector<16xi32>
        tpu.vector_store_idx %arg8[%shift_right_arithmetic3A_643, %add3A_675], %get3A_672 : memref<4096x8xf32, #tpu.memory_space<vmem>>[vector<16xi32>, vector<16xi32>], vector<16xf32>,
        %add3A_676 = arith.constant 3 : i32
        %add3A_677 = arith.addi %add3A_475, %add3A_676 : i32
        %mul3A_678 = arith.constant 16 : i32
        %mul3A_679 = arith.muli %add3A_677, %mul3A_678 : i32
        %get3A_680 = arith.constant 2 : i32
        %get3A_681 = arith.constant 0 : i32
        %get3A_682 = tpu.memref_slice %arg6[%get3A_680, %get3A_681] : memref<3x8192xf32, #tpu.memory_space<vmem>> -> memref<1x8192xf32, #tpu.memory_space<vmem>>
        %get3A_683 = tpu.memref_squeeze %get3A_682 : memref<1x8192xf32, #tpu.memory_space<vmem>> -> memref<8192xf32, #tpu.memory_space<vmem>>
        %get3A_684 = arith.index_cast %mul3A_679 : i32 to index
        %get3A_685 = tpu.vector_load %get3A_683[%get3A_684] {strides = array<i32>} : memref<8192xf32, #tpu.memory_space<vmem>>, vector<16xf32>,
        %add3A_686 = arith.constant 2 : i32
        %add3A_687 = vector.broadcast %add3A_686 : i32 to vector<16xi32>
        %add3A_688 = arith.addi %shift_left3A_649, %add3A_687 : vector<16xi32>
        tpu.vector_store_idx %arg8[%shift_right_arithmetic3A_643, %add3A_688], %get3A_685 : memref<4096x8xf32, #tpu.memory_space<vmem>>[vector<16xi32>, vector<16xi32>], vector<16xf32>,
      }
      %scan3A_428 = arith.constant 128 : i32
      %mul3A_429 = arith.constant 131072 : i32
      %mul3A_430 = arith.muli %add3A, %mul3A_429 : i32
      %add3A_431 = arith.constant 0 : i32
      %add3A_432 = arith.addi %add3A_431, %mul3A_430 : i32
      %mul3A_433 = arith.constant 8192 : i32
      %mul3A_434 = arith.muli %add3A_385, %mul3A_433 : i32
      %add3A_435 = arith.addi %add3A_432, %mul3A_434 : i32
      %jit3A_436 = arith.constant 2 : i32
      %div3A_437 = arith.divsi %add3A_435, %jit3A_436 : i32
      %sign3A_438 = arith.constant 0 : i32
      %sign3A_439 = arith.cmpi sgt, %add3A_435, %sign3A_438 : i32
      %sign3A_440 = arith.extui %sign3A_439 : i1 to i32
      %sign3A_441 = arith.constant 0 : i32
      %sign3A_442 = arith.cmpi slt, %add3A_435, %sign3A_441 : i32
      %sign3A_443 = arith.extui %sign3A_442 : i1 to i32
      %sign3A_444 = arith.subi %sign3A_440, %sign3A_443 : i32
      %sign3A_445 = arith.constant 0 : i32
      %sign3A_446 = arith.cmpi sgt, %jit3A_436, %sign3A_445 : i32
      %sign3A_447 = arith.extui %sign3A_446 : i1 to i32
      %sign3A_448 = arith.constant 0 : i32
      %sign3A_449 = arith.cmpi slt, %jit3A_436, %sign3A_448 : i32
      %sign3A_450 = arith.extui %sign3A_449 : i1 to i32
      %sign3A_451 = arith.subi %sign3A_447, %sign3A_450 : i32
      %ne3A_452 = arith.cmpi ne, %sign3A_444, %sign3A_451 : i32
      %rem3A_453 = arith.remsi %add3A_435, %jit3A_436 : i32
      %ne3A_454 = arith.constant 0 : i32
      %ne3A_455 = arith.cmpi ne, %rem3A_453, %ne3A_454 : i32
      %and3A_456 = arith.andi %ne3A_452, %ne3A_455 : i1
      %sub3A_457 = arith.constant 1 : i32
      %sub3A_458 = arith.subi %div3A_437, %sub3A_457 : i32
      %select_n3A_459 = arith.select %and3A_456, %sub3A_458, %div3A_437 : i32
      %dma_start3A_460 = arith.constant 0 : i32
      %dma_start3A_461 = tpu.memref_slice %arg4[%select_n3A_459, %dma_start3A_460] : memref<2621440x8xf32, #tpu.memory_space<hbm>> -> memref<4096x8xf32, #tpu.memory_space<hbm>>
      %dma_start3A_462 = arith.constant 0 : i32
      %dma_start3A_463 = tpu.memref_slice %arg4[%select_n3A_459, %dma_start3A_462] : memref<2621440x8xf32, #tpu.memory_space<hbm>> -> memref<4096x8xf32, #tpu.memory_space<hbm>>
      tpu.enqueue_dma source(%arg8 : memref<4096x8xf32, #tpu.memory_space<vmem>>) target(%dma_start3A_463 : memref<4096x8xf32, #tpu.memory_space<hbm>>) target_semaphore(%arg12 : memref<!tpu.dma_semaphore, #tpu.memory_space<semaphore_mem>>)
      %add3A_464 = arith.constant 2 : i32
      %add3A_465 = arith.addi %add3A_385, %add3A_464 : i32
      %lt3A_466 = arith.constant 16 : i32
      %lt3A_467 = arith.cmpi slt, %add3A_465, %lt3A_466 : i32
      %convert_element_type3A_468 = arith.extui %lt3A_467 : i1 to i32
      %cond3A_469 = arith.constant 0 : i32
      %cond3A_470 = arith.cmpi ne, %convert_element_type3A_468, %cond3A_469 : i32
      scf.if %cond3A_470 {
        %add3A_471 = arith.constant 2 : i32
        %add3A_472 = arith.addi %add3A_385, %add3A_471 : i32
        %add3A_473 = arith.constant 0 : i32
        %add3A_474 = arith.addi %mul3A_2, %add3A_473 : i32
        %mul3A_475 = arith.constant 8192 : i32
        %mul3A_476 = arith.muli %add3A_472, %mul3A_475 : i32
        %add3A_477 = arith.addi %add3A_474, %mul3A_476 : i32
        %dma_start3A_478 = arith.constant 0 : i32
        %dma_start3A_479 = arith.constant 0 : i32
        %dma_start3A_480 = tpu.memref_slice %arg6[%dma_start3A_478, %dma_start3A_479] : memref<3x8192xf32, #tpu.memory_space<vmem>> -> memref<1x8192xf32, #tpu.memory_space<vmem>>
        %dma_start3A_481 = tpu.memref_squeeze %dma_start3A_480 : memref<1x8192xf32, #tpu.memory_space<vmem>> -> memref<8192xf32, #tpu.memory_space<vmem>>
        %dma_start3A_482 = tpu.memref_slice %arg2[%add3A_477] : memref<12582912xf32, #tpu.memory_space<hbm>> -> memref<8192xf32, #tpu.memory_space<hbm>>
        %dma_start3A_483 = arith.constant 0 : i32
        %dma_start3A_484 = tpu.memref_slice %arg6[%dma_start3A_478, %dma_start3A_483] : memref<3x8192xf32, #tpu.memory_space<vmem>> -> memref<1x8192xf32, #tpu.memory_space<vmem>>
        %dma_start3A_485 = tpu.memref_squeeze %dma_start3A_484 : memref<1x8192xf32, #tpu.memory_space<vmem>> -> memref<8192xf32, #tpu.memory_space<vmem>>
        %dma_start3A_486 = tpu.memref_slice %arg2[%add3A_477] : memref<12582912xf32, #tpu.memory_space<hbm>> -> memref<8192xf32, #tpu.memory_space<hbm>>
        tpu.enqueue_dma source(%dma_start3A_486 : memref<8192xf32, #tpu.memory_space<hbm>>) target(%dma_start3A_485 : memref<8192xf32, #tpu.memory_space<vmem>>) target_semaphore(%arg10 : memref<!tpu.dma_semaphore, #tpu.memory_space<semaphore_mem>>)
        %add3A_487 = arith.constant 4194304 : i32
        %add3A_488 = arith.addi %mul3A_2, %add3A_487 : i32
        %mul3A_489 = arith.constant 8192 : i32
        %mul3A_490 = arith.muli %add3A_472, %mul3A_489 : i32
        %add3A_491 = arith.addi %add3A_488, %mul3A_490 : i32
        %dma_start3A_492 = arith.constant 1 : i32
        %dma_start3A_493 = arith.constant 0 : i32
        %dma_start3A_494 = tpu.memref_slice %arg6[%dma_start3A_492, %dma_start3A_493] : memref<3x8192xf32, #tpu.memory_space<vmem>> -> memref<1x8192xf32, #tpu.memory_space<vmem>>
        %dma_start3A_495 = tpu.memref_squeeze %dma_start3A_494 : memref<1x8192xf32, #tpu.memory_space<vmem>> -> memref<8192xf32, #tpu.memory_space<vmem>>
        %dma_start3A_496 = tpu.memref_slice %arg2[%add3A_491] : memref<12582912xf32, #tpu.memory_space<hbm>> -> memref<8192xf32, #tpu.memory_space<hbm>>
        %dma_start3A_497 = arith.constant 0 : i32
        %dma_start3A_498 = tpu.memref_slice %arg6[%dma_start3A_492, %dma_start3A_497] : memref<3x8192xf32, #tpu.memory_space<vmem>> -> memref<1x8192xf32, #tpu.memory_space<vmem>>
        %dma_start3A_499 = tpu.memref_squeeze %dma_start3A_498 : memref<1x8192xf32, #tpu.memory_space<vmem>> -> memref<8192xf32, #tpu.memory_space<vmem>>
        %dma_start3A_500 = tpu.memref_slice %arg2[%add3A_491] : memref<12582912xf32, #tpu.memory_space<hbm>> -> memref<8192xf32, #tpu.memory_space<hbm>>
        tpu.enqueue_dma source(%dma_start3A_500 : memref<8192xf32, #tpu.memory_space<hbm>>) target(%dma_start3A_499 : memref<8192xf32, #tpu.memory_space<vmem>>) target_semaphore(%arg10 : memref<!tpu.dma_semaphore, #tpu.memory_space<semaphore_mem>>)
        %add3A_501 = arith.constant 8388608 : i32
        %add3A_502 = arith.addi %mul3A_2, %add3A_501 : i32
        %mul3A_503 = arith.constant 8192 : i32
        %mul3A_504 = arith.muli %add3A_472, %mul3A_503 : i32
        %add3A_505 = arith.addi %add3A_502, %mul3A_504 : i32
        %dma_start3A_506 = arith.constant 2 : i32
        %dma_start3A_507 = arith.constant 0 : i32
        %dma_start3A_508 = tpu.memref_slice %arg6[%dma_start3A_506, %dma_start3A_507] : memref<3x8192xf32, #tpu.memory_space<vmem>> -> memref<1x8192xf32, #tpu.memory_space<vmem>>
        %dma_start3A_509 = tpu.memref_squeeze %dma_start3A_508 : memref<1x8192xf32, #tpu.memory_space<vmem>> -> memref<8192xf32, #tpu.memory_space<vmem>>
        %dma_start3A_510 = tpu.memref_slice %arg2[%add3A_505] : memref<12582912xf32, #tpu.memory_space<hbm>> -> memref<8192xf32, #tpu.memory_space<hbm>>
        %dma_start3A_511 = arith.constant 0 : i32
        %dma_start3A_512 = tpu.memref_slice %arg6[%dma_start3A_506, %dma_start3A_511] : memref<3x8192xf32, #tpu.memory_space<vmem>> -> memref<1x8192xf32, #tpu.memory_space<vmem>>
        %dma_start3A_513 = tpu.memref_squeeze %dma_start3A_512 : memref<1x8192xf32, #tpu.memory_space<vmem>> -> memref<8192xf32, #tpu.memory_space<vmem>>
        %dma_start3A_514 = tpu.memref_slice %arg2[%add3A_505] : memref<12582912xf32, #tpu.memory_space<hbm>> -> memref<8192xf32, #tpu.memory_space<hbm>>
        tpu.enqueue_dma source(%dma_start3A_514 : memref<8192xf32, #tpu.memory_space<hbm>>) target(%dma_start3A_513 : memref<8192xf32, #tpu.memory_space<vmem>>) target_semaphore(%arg10 : memref<!tpu.dma_semaphore, #tpu.memory_space<semaphore_mem>>)
      } else {
      }
    }
    %scan3A_83 = arith.constant 8 : i32
    %mul3A_84 = arith.constant 131072 : i32
    %mul3A_85 = arith.muli %add3A, %mul3A_84 : i32
    %add3A_86 = arith.constant 0 : i32
    %add3A_87 = arith.addi %add3A_86, %mul3A_85 : i32
    %add3A_88 = arith.constant 0 : i32
    %add3A_89 = arith.addi %add3A_87, %add3A_88 : i32
    %jit3A = arith.constant 2 : i32
    %div3A = arith.divsi %add3A_89, %jit3A : i32
    %sign3A = arith.constant 0 : i32
    %sign3A_90 = arith.cmpi sgt, %add3A_89, %sign3A : i32
    %sign3A_91 = arith.extui %sign3A_90 : i1 to i32
    %sign3A_92 = arith.constant 0 : i32
    %sign3A_93 = arith.cmpi slt, %add3A_89, %sign3A_92 : i32
    %sign3A_94 = arith.extui %sign3A_93 : i1 to i32
    %sign3A_95 = arith.subi %sign3A_91, %sign3A_94 : i32
    %sign3A_96 = arith.constant 0 : i32
    %sign3A_97 = arith.cmpi sgt, %jit3A, %sign3A_96 : i32
    %sign3A_98 = arith.extui %sign3A_97 : i1 to i32
    %sign3A_99 = arith.constant 0 : i32
    %sign3A_100 = arith.cmpi slt, %jit3A, %sign3A_99 : i32
    %sign3A_101 = arith.extui %sign3A_100 : i1 to i32
    %sign3A_102 = arith.subi %sign3A_98, %sign3A_101 : i32
    %ne3A = arith.cmpi ne, %sign3A_95, %sign3A_102 : i32
    %rem3A = arith.remsi %add3A_89, %jit3A : i32
    %ne3A_103 = arith.constant 0 : i32
    %ne3A_104 = arith.cmpi ne, %rem3A, %ne3A_103 : i32
    %and3A = arith.andi %ne3A, %ne3A_104 : i1
    %sub3A = arith.constant 1 : i32
    %sub3A_105 = arith.subi %div3A, %sub3A : i32
    %select_n3A = arith.select %and3A, %sub3A_105, %div3A : i32
    %dma_wait3A = arith.constant 0 : i32
    %dma_wait3A_106 = tpu.memref_slice %arg4[%select_n3A, %dma_wait3A] : memref<2621440x8xf32, #tpu.memory_space<hbm>> -> memref<4096x8xf32, #tpu.memory_space<hbm>>
    %dma_wait3A_107 = arith.constant 0 : i32
    %dma_wait3A_108 = tpu.memref_slice %arg4[%select_n3A, %dma_wait3A_107] : memref<2621440x8xf32, #tpu.memory_space<hbm>> -> memref<4096x8xf32, #tpu.memory_space<hbm>>
    tpu.wait_dma2 semaphore(%arg11 : memref<!tpu.dma_semaphore, #tpu.memory_space<semaphore_mem>>) src(%arg7 : memref<4096x8xf32, #tpu.memory_space<vmem>>) dst(%dma_wait3A_108 : memref<4096x8xf32, #tpu.memory_space<hbm>>)
    %mul3A_109 = arith.constant 131072 : i32
    %mul3A_110 = arith.muli %add3A, %mul3A_109 : i32
    %add3A_111 = arith.constant 0 : i32
    %add3A_112 = arith.addi %add3A_111, %mul3A_110 : i32
    %add3A_113 = arith.constant 0 : i32
    %add3A_114 = arith.addi %add3A_112, %add3A_113 : i32
    %jit3A_115 = arith.constant 2 : i32
    %div3A_116 = arith.divsi %add3A_114, %jit3A_115 : i32
    %sign3A_117 = arith.constant 0 : i32
    %sign3A_118 = arith.cmpi sgt, %add3A_114, %sign3A_117 : i32
    %sign3A_119 = arith.extui %sign3A_118 : i1 to i32
    %sign3A_120 = arith.constant 0 : i32
    %sign3A_121 = arith.cmpi slt, %add3A_114, %sign3A_120 : i32
    %sign3A_122 = arith.extui %sign3A_121 : i1 to i32
    %sign3A_123 = arith.subi %sign3A_119, %sign3A_122 : i32
    %sign3A_124 = arith.constant 0 : i32
    %sign3A_125 = arith.cmpi sgt, %jit3A_115, %sign3A_124 : i32
    %sign3A_126 = arith.extui %sign3A_125 : i1 to i32
    %sign3A_127 = arith.constant 0 : i32
    %sign3A_128 = arith.cmpi slt, %jit3A_115, %sign3A_127 : i32
    %sign3A_129 = arith.extui %sign3A_128 : i1 to i32
    %sign3A_130 = arith.subi %sign3A_126, %sign3A_129 : i32
    %ne3A_131 = arith.cmpi ne, %sign3A_123, %sign3A_130 : i32
    %rem3A_132 = arith.remsi %add3A_114, %jit3A_115 : i32
    %ne3A_133 = arith.constant 0 : i32
    %ne3A_134 = arith.cmpi ne, %rem3A_132, %ne3A_133 : i32
    %and3A_135 = arith.andi %ne3A_131, %ne3A_134 : i1
    %sub3A_136 = arith.constant 1 : i32
    %sub3A_137 = arith.subi %div3A_116, %sub3A_136 : i32
    %select_n3A_138 = arith.select %and3A_135, %sub3A_137, %div3A_116 : i32
    %dma_wait3A_139 = arith.constant 0 : i32
    %dma_wait3A_140 = tpu.memref_slice %arg4[%select_n3A_138, %dma_wait3A_139] : memref<2621440x8xf32, #tpu.memory_space<hbm>> -> memref<4096x8xf32, #tpu.memory_space<hbm>>
    %dma_wait3A_141 = arith.constant 0 : i32
    %dma_wait3A_142 = tpu.memref_slice %arg4[%select_n3A_138, %dma_wait3A_141] : memref<2621440x8xf32, #tpu.memory_space<hbm>> -> memref<4096x8xf32, #tpu.memory_space<hbm>>
    tpu.wait_dma2 semaphore(%arg12 : memref<!tpu.dma_semaphore, #tpu.memory_space<semaphore_mem>>) src(%arg8 : memref<4096x8xf32, #tpu.memory_space<vmem>>) dst(%dma_wait3A_142 : memref<4096x8xf32, #tpu.memory_space<hbm>>)
    %mul3A_143 = arith.constant 32768 : i32
    %mul3A_144 = arith.muli %add3A, %mul3A_143 : i32
    %add3A_145 = arith.constant 0 : i32
    %add3A_146 = arith.addi %mul3A_144, %add3A_145 : i32
    %add3A_147 = arith.constant 0 : i32
    %add3A_148 = arith.addi %add3A_146, %add3A_147 : i32
    %dma_start3A_149 = arith.constant 0 : i32
    %dma_start3A_150 = arith.constant 0 : i32
    %dma_start3A_151 = tpu.memref_slice %arg5[%dma_start3A_149, %dma_start3A_150] : memref<3x8192xf32, #tpu.memory_space<vmem>> -> memref<1x8192xf32, #tpu.memory_space<vmem>>
    %dma_start3A_152 = tpu.memref_squeeze %dma_start3A_151 : memref<1x8192xf32, #tpu.memory_space<vmem>> -> memref<8192xf32, #tpu.memory_space<vmem>>
    %dma_start3A_153 = tpu.memref_slice %arg3[%add3A_148] : memref<3145728xf32, #tpu.memory_space<hbm>> -> memref<8192xf32, #tpu.memory_space<hbm>>
    %dma_start3A_154 = arith.constant 0 : i32
    %dma_start3A_155 = tpu.memref_slice %arg5[%dma_start3A_149, %dma_start3A_154] : memref<3x8192xf32, #tpu.memory_space<vmem>> -> memref<1x8192xf32, #tpu.memory_space<vmem>>
    %dma_start3A_156 = tpu.memref_squeeze %dma_start3A_155 : memref<1x8192xf32, #tpu.memory_space<vmem>> -> memref<8192xf32, #tpu.memory_space<vmem>>
    %dma_start3A_157 = tpu.memref_slice %arg3[%add3A_148] : memref<3145728xf32, #tpu.memory_space<hbm>> -> memref<8192xf32, #tpu.memory_space<hbm>>
    tpu.enqueue_dma source(%dma_start3A_157 : memref<8192xf32, #tpu.memory_space<hbm>>) target(%dma_start3A_156 : memref<8192xf32, #tpu.memory_space<vmem>>) target_semaphore(%arg9 : memref<!tpu.dma_semaphore, #tpu.memory_space<semaphore_mem>>)
    %add3A_158 = arith.constant 1048576 : i32
    %add3A_159 = arith.addi %mul3A_144, %add3A_158 : i32
    %add3A_160 = arith.constant 0 : i32
    %add3A_161 = arith.addi %add3A_159, %add3A_160 : i32
    %dma_start3A_162 = arith.constant 1 : i32
    %dma_start3A_163 = arith.constant 0 : i32
    %dma_start3A_164 = tpu.memref_slice %arg5[%dma_start3A_162, %dma_start3A_163] : memref<3x8192xf32, #tpu.memory_space<vmem>> -> memref<1x8192xf32, #tpu.memory_space<vmem>>
    %dma_start3A_165 = tpu.memref_squeeze %dma_start3A_164 : memref<1x8192xf32, #tpu.memory_space<vmem>> -> memref<8192xf32, #tpu.memory_space<vmem>>
    %dma_start3A_166 = tpu.memref_slice %arg3[%add3A_161] : memref<3145728xf32, #tpu.memory_space<hbm>> -> memref<8192xf32, #tpu.memory_space<hbm>>
    %dma_start3A_167 = arith.constant 0 : i32
    %dma_start3A_168 = tpu.memref_slice %arg5[%dma_start3A_162, %dma_start3A_167] : memref<3x8192xf32, #tpu.memory_space<vmem>> -> memref<1x8192xf32, #tpu.memory_space<vmem>>
    %dma_start3A_169 = tpu.memref_squeeze %dma_start3A_168 : memref<1x8192xf32, #tpu.memory_space<vmem>> -> memref<8192xf32, #tpu.memory_space<vmem>>
    %dma_start3A_170 = tpu.memref_slice %arg3[%add3A_161] : memref<3145728xf32, #tpu.memory_space<hbm>> -> memref<8192xf32, #tpu.memory_space<hbm>>
    tpu.enqueue_dma source(%dma_start3A_170 : memref<8192xf32, #tpu.memory_space<hbm>>) target(%dma_start3A_169 : memref<8192xf32, #tpu.memory_space<vmem>>) target_semaphore(%arg9 : memref<!tpu.dma_semaphore, #tpu.memory_space<semaphore_mem>>)
    %add3A_171 = arith.constant 2097152 : i32
    %add3A_172 = arith.addi %mul3A_144, %add3A_171 : i32
    %add3A_173 = arith.constant 0 : i32
    %add3A_174 = arith.addi %add3A_172, %add3A_173 : i32
    %dma_start3A_175 = arith.constant 2 : i32
    %dma_start3A_176 = arith.constant 0 : i32
    %dma_start3A_177 = tpu.memref_slice %arg5[%dma_start3A_175, %dma_start3A_176] : memref<3x8192xf32, #tpu.memory_space<vmem>> -> memref<1x8192xf32, #tpu.memory_space<vmem>>
    %dma_start3A_178 = tpu.memref_squeeze %dma_start3A_177 : memref<1x8192xf32, #tpu.memory_space<vmem>> -> memref<8192xf32, #tpu.memory_space<vmem>>
    %dma_start3A_179 = tpu.memref_slice %arg3[%add3A_174] : memref<3145728xf32, #tpu.memory_space<hbm>> -> memref<8192xf32, #tpu.memory_space<hbm>>
    %dma_start3A_180 = arith.constant 0 : i32
    %dma_start3A_181 = tpu.memref_slice %arg5[%dma_start3A_175, %dma_start3A_180] : memref<3x8192xf32, #tpu.memory_space<vmem>> -> memref<1x8192xf32, #tpu.memory_space<vmem>>
    %dma_start3A_182 = tpu.memref_squeeze %dma_start3A_181 : memref<1x8192xf32, #tpu.memory_space<vmem>> -> memref<8192xf32, #tpu.memory_space<vmem>>
    %dma_start3A_183 = tpu.memref_slice %arg3[%add3A_174] : memref<3145728xf32, #tpu.memory_space<hbm>> -> memref<8192xf32, #tpu.memory_space<hbm>>
    tpu.enqueue_dma source(%dma_start3A_183 : memref<8192xf32, #tpu.memory_space<hbm>>) target(%dma_start3A_182 : memref<8192xf32, #tpu.memory_space<vmem>>) target_semaphore(%arg9 : memref<!tpu.dma_semaphore, #tpu.memory_space<semaphore_mem>>)
    %add3A_184 = arith.constant 0 : i32
    %add3A_185 = arith.addi %mul3A_144, %add3A_184 : i32
    %add3A_186 = arith.constant 8192 : i32
    %add3A_187 = arith.addi %add3A_185, %add3A_186 : i32
    %dma_start3A_188 = arith.constant 0 : i32
    %dma_start3A_189 = arith.constant 0 : i32
    %dma_start3A_190 = tpu.memref_slice %arg6[%dma_start3A_188, %dma_start3A_189] : memref<3x8192xf32, #tpu.memory_space<vmem>> -> memref<1x8192xf32, #tpu.memory_space<vmem>>
    %dma_start3A_191 = tpu.memref_squeeze %dma_start3A_190 : memref<1x8192xf32, #tpu.memory_space<vmem>> -> memref<8192xf32, #tpu.memory_space<vmem>>
    %dma_start3A_192 = tpu.memref_slice %arg3[%add3A_187] : memref<3145728xf32, #tpu.memory_space<hbm>> -> memref<8192xf32, #tpu.memory_space<hbm>>
    %dma_start3A_193 = arith.constant 0 : i32
    %dma_start3A_194 = tpu.memref_slice %arg6[%dma_start3A_188, %dma_start3A_193] : memref<3x8192xf32, #tpu.memory_space<vmem>> -> memref<1x8192xf32, #tpu.memory_space<vmem>>
    %dma_start3A_195 = tpu.memref_squeeze %dma_start3A_194 : memref<1x8192xf32, #tpu.memory_space<vmem>> -> memref<8192xf32, #tpu.memory_space<vmem>>
    %dma_start3A_196 = tpu.memref_slice %arg3[%add3A_187] : memref<3145728xf32, #tpu.memory_space<hbm>> -> memref<8192xf32, #tpu.memory_space<hbm>>
    tpu.enqueue_dma source(%dma_start3A_196 : memref<8192xf32, #tpu.memory_space<hbm>>) target(%dma_start3A_195 : memref<8192xf32, #tpu.memory_space<vmem>>) target_semaphore(%arg10 : memref<!tpu.dma_semaphore, #tpu.memory_space<semaphore_mem>>)
    %add3A_197 = arith.constant 1048576 : i32
    %add3A_198 = arith.addi %mul3A_144, %add3A_197 : i32
    %add3A_199 = arith.constant 8192 : i32
    %add3A_200 = arith.addi %add3A_198, %add3A_199 : i32
    %dma_start3A_201 = arith.constant 1 : i32
    %dma_start3A_202 = arith.constant 0 : i32
    %dma_start3A_203 = tpu.memref_slice %arg6[%dma_start3A_201, %dma_start3A_202] : memref<3x8192xf32, #tpu.memory_space<vmem>> -> memref<1x8192xf32, #tpu.memory_space<vmem>>
    %dma_start3A_204 = tpu.memref_squeeze %dma_start3A_203 : memref<1x8192xf32, #tpu.memory_space<vmem>> -> memref<8192xf32, #tpu.memory_space<vmem>>
    %dma_start3A_205 = tpu.memref_slice %arg3[%add3A_200] : memref<3145728xf32, #tpu.memory_space<hbm>> -> memref<8192xf32, #tpu.memory_space<hbm>>
    %dma_start3A_206 = arith.constant 0 : i32
    %dma_start3A_207 = tpu.memref_slice %arg6[%dma_start3A_201, %dma_start3A_206] : memref<3x8192xf32, #tpu.memory_space<vmem>> -> memref<1x8192xf32, #tpu.memory_space<vmem>>
    %dma_start3A_208 = tpu.memref_squeeze %dma_start3A_207 : memref<1x8192xf32, #tpu.memory_space<vmem>> -> memref<8192xf32, #tpu.memory_space<vmem>>
    %dma_start3A_209 = tpu.memref_slice %arg3[%add3A_200] : memref<3145728xf32, #tpu.memory_space<hbm>> -> memref<8192xf32, #tpu.memory_space<hbm>>
    tpu.enqueue_dma source(%dma_start3A_209 : memref<8192xf32, #tpu.memory_space<hbm>>) target(%dma_start3A_208 : memref<8192xf32, #tpu.memory_space<vmem>>) target_semaphore(%arg10 : memref<!tpu.dma_semaphore, #tpu.memory_space<semaphore_mem>>)
    %add3A_210 = arith.constant 2097152 : i32
    %add3A_211 = arith.addi %mul3A_144, %add3A_210 : i32
    %add3A_212 = arith.constant 8192 : i32
    %add3A_213 = arith.addi %add3A_211, %add3A_212 : i32
    %dma_start3A_214 = arith.constant 2 : i32
    %dma_start3A_215 = arith.constant 0 : i32
    %dma_start3A_216 = tpu.memref_slice %arg6[%dma_start3A_214, %dma_start3A_215] : memref<3x8192xf32, #tpu.memory_space<vmem>> -> memref<1x8192xf32, #tpu.memory_space<vmem>>
    %dma_start3A_217 = tpu.memref_squeeze %dma_start3A_216 : memref<1x8192xf32, #tpu.memory_space<vmem>> -> memref<8192xf32, #tpu.memory_space<vmem>>
    %dma_start3A_218 = tpu.memref_slice %arg3[%add3A_213] : memref<3145728xf32, #tpu.memory_space<hbm>> -> memref<8192xf32, #tpu.memory_space<hbm>>
    %dma_start3A_219 = arith.constant 0 : i32
    %dma_start3A_220 = tpu.memref_slice %arg6[%dma_start3A_214, %dma_start3A_219] : memref<3x8192xf32, #tpu.memory_space<vmem>> -> memref<1x8192xf32, #tpu.memory_space<vmem>>
    %dma_start3A_221 = tpu.memref_squeeze %dma_start3A_220 : memref<1x8192xf32, #tpu.memory_space<vmem>> -> memref<8192xf32, #tpu.memory_space<vmem>>
    %dma_start3A_222 = tpu.memref_slice %arg3[%add3A_213] : memref<3145728xf32, #tpu.memory_space<hbm>> -> memref<8192xf32, #tpu.memory_space<hbm>>
    tpu.enqueue_dma source(%dma_start3A_222 : memref<8192xf32, #tpu.memory_space<hbm>>) target(%dma_start3A_221 : memref<8192xf32, #tpu.memory_space<vmem>>) target_semaphore(%arg10 : memref<!tpu.dma_semaphore, #tpu.memory_space<semaphore_mem>>)
    %scan3A_223 = arith.constant 0 : i32
    %scan3A_224 = arith.constant 2 : i32
    %scan3A_225 = arith.addi %scan3A_223, %scan3A_224 : i32
    %scan3A_226 = arith.constant 1 : i32
    scf.for %scan3A_296 = %scan3A_223 to %scan3A_225 step %scan3A_226  : i32 {
      %mul3A_297 = arith.constant 2 : i32
      %mul3A_298 = arith.muli %scan3A_296, %mul3A_297 : i32
      %add3A_299 = arith.constant 0 : i32
      %add3A_300 = arith.addi %add3A_299, %mul3A_298 : i32
      %add3A_301 = arith.constant 0 : i32
      %add3A_302 = arith.addi %add3A_300, %add3A_301 : i32
      %dma_wait3A_303 = arith.constant 0 : i32
      %dma_wait3A_304 = arith.constant 0 : i32
      %dma_wait3A_305 = tpu.memref_slice %arg5[%dma_wait3A_303, %dma_wait3A_304] : memref<3x8192xf32, #tpu.memory_space<vmem>> -> memref<1x8192xf32, #tpu.memory_space<vmem>>
      %dma_wait3A_306 = tpu.memref_squeeze %dma_wait3A_305 : memref<1x8192xf32, #tpu.memory_space<vmem>> -> memref<8192xf32, #tpu.memory_space<vmem>>
      %dma_wait3A_307 = arith.constant 0 : i32
      %dma_wait3A_308 = tpu.memref_slice %arg3[%dma_wait3A_307] : memref<3145728xf32, #tpu.memory_space<hbm>> -> memref<8192xf32, #tpu.memory_space<hbm>>
      %dma_wait3A_309 = arith.constant 0 : i32
      %dma_wait3A_310 = tpu.memref_slice %arg5[%dma_wait3A_303, %dma_wait3A_309] : memref<3x8192xf32, #tpu.memory_space<vmem>> -> memref<1x8192xf32, #tpu.memory_space<vmem>>
      %dma_wait3A_311 = tpu.memref_squeeze %dma_wait3A_310 : memref<1x8192xf32, #tpu.memory_space<vmem>> -> memref<8192xf32, #tpu.memory_space<vmem>>
      %dma_wait3A_312 = arith.constant 0 : i32
      %dma_wait3A_313 = tpu.memref_slice %arg3[%dma_wait3A_312] : memref<3145728xf32, #tpu.memory_space<hbm>> -> memref<8192xf32, #tpu.memory_space<hbm>>
      tpu.wait_dma2 semaphore(%arg9 : memref<!tpu.dma_semaphore, #tpu.memory_space<semaphore_mem>>) src(%dma_wait3A_313 : memref<8192xf32, #tpu.memory_space<hbm>>) dst(%dma_wait3A_311 : memref<8192xf32, #tpu.memory_space<vmem>>)
      %dma_wait3A_314 = arith.constant 1 : i32
      %dma_wait3A_315 = arith.constant 0 : i32
      %dma_wait3A_316 = tpu.memref_slice %arg5[%dma_wait3A_314, %dma_wait3A_315] : memref<3x8192xf32, #tpu.memory_space<vmem>> -> memref<1x8192xf32, #tpu.memory_space<vmem>>
      %dma_wait3A_317 = tpu.memref_squeeze %dma_wait3A_316 : memref<1x8192xf32, #tpu.memory_space<vmem>> -> memref<8192xf32, #tpu.memory_space<vmem>>
      %dma_wait3A_318 = arith.constant 0 : i32
      %dma_wait3A_319 = tpu.memref_slice %arg3[%dma_wait3A_318] : memref<3145728xf32, #tpu.memory_space<hbm>> -> memref<8192xf32, #tpu.memory_space<hbm>>
      %dma_wait3A_320 = arith.constant 0 : i32
      %dma_wait3A_321 = tpu.memref_slice %arg5[%dma_wait3A_314, %dma_wait3A_320] : memref<3x8192xf32, #tpu.memory_space<vmem>> -> memref<1x8192xf32, #tpu.memory_space<vmem>>
      %dma_wait3A_322 = tpu.memref_squeeze %dma_wait3A_321 : memref<1x8192xf32, #tpu.memory_space<vmem>> -> memref<8192xf32, #tpu.memory_space<vmem>>
      %dma_wait3A_323 = arith.constant 0 : i32
      %dma_wait3A_324 = tpu.memref_slice %arg3[%dma_wait3A_323] : memref<3145728xf32, #tpu.memory_space<hbm>> -> memref<8192xf32, #tpu.memory_space<hbm>>
      tpu.wait_dma2 semaphore(%arg9 : memref<!tpu.dma_semaphore, #tpu.memory_space<semaphore_mem>>) src(%dma_wait3A_324 : memref<8192xf32, #tpu.memory_space<hbm>>) dst(%dma_wait3A_322 : memref<8192xf32, #tpu.memory_space<vmem>>)
      %dma_wait3A_325 = arith.constant 2 : i32
      %dma_wait3A_326 = arith.constant 0 : i32
      %dma_wait3A_327 = tpu.memref_slice %arg5[%dma_wait3A_325, %dma_wait3A_326] : memref<3x8192xf32, #tpu.memory_space<vmem>> -> memref<1x8192xf32, #tpu.memory_space<vmem>>
      %dma_wait3A_328 = tpu.memref_squeeze %dma_wait3A_327 : memref<1x8192xf32, #tpu.memory_space<vmem>> -> memref<8192xf32, #tpu.memory_space<vmem>>
      %dma_wait3A_329 = arith.constant 0 : i32
      %dma_wait3A_330 = tpu.memref_slice %arg3[%dma_wait3A_329] : memref<3145728xf32, #tpu.memory_space<hbm>> -> memref<8192xf32, #tpu.memory_space<hbm>>
      %dma_wait3A_331 = arith.constant 0 : i32
      %dma_wait3A_332 = tpu.memref_slice %arg5[%dma_wait3A_325, %dma_wait3A_331] : memref<3x8192xf32, #tpu.memory_space<vmem>> -> memref<1x8192xf32, #tpu.memory_space<vmem>>
      %dma_wait3A_333 = tpu.memref_squeeze %dma_wait3A_332 : memref<1x8192xf32, #tpu.memory_space<vmem>> -> memref<8192xf32, #tpu.memory_space<vmem>>
      %dma_wait3A_334 = arith.constant 0 : i32
      %dma_wait3A_335 = tpu.memref_slice %arg3[%dma_wait3A_334] : memref<3145728xf32, #tpu.memory_space<hbm>> -> memref<8192xf32, #tpu.memory_space<hbm>>
      tpu.wait_dma2 semaphore(%arg9 : memref<!tpu.dma_semaphore, #tpu.memory_space<semaphore_mem>>) src(%dma_wait3A_335 : memref<8192xf32, #tpu.memory_space<hbm>>) dst(%dma_wait3A_333 : memref<8192xf32, #tpu.memory_space<vmem>>)
      %ge3A = arith.constant 2 : i32
      %ge3A_336 = arith.cmpi sge, %add3A_302, %ge3A : i32
      %convert_element_type3A = arith.extui %ge3A_336 : i1 to i32
      %cond3A = arith.constant 0 : i32
      %cond3A_337 = arith.cmpi ne, %convert_element_type3A, %cond3A : i32
      scf.if %cond3A_337 {
        %mul3A_471 = arith.constant 32768 : i32
        %mul3A_472 = arith.muli %add3A, %mul3A_471 : i32
        %add3A_473 = arith.constant 4194304 : i32
        %add3A_474 = arith.addi %add3A_473, %mul3A_472 : i32
        %add3A_475 = arith.constant 0 : i32
        %add3A_476 = arith.addi %add3A_474, %add3A_475 : i32
        %jit3A_477 = arith.constant 2 : i32
        %div3A_478 = arith.divsi %add3A_476, %jit3A_477 : i32
        %sign3A_479 = arith.constant 0 : i32
        %sign3A_480 = arith.cmpi sgt, %add3A_476, %sign3A_479 : i32
        %sign3A_481 = arith.extui %sign3A_480 : i1 to i32
        %sign3A_482 = arith.constant 0 : i32
        %sign3A_483 = arith.cmpi slt, %add3A_476, %sign3A_482 : i32
        %sign3A_484 = arith.extui %sign3A_483 : i1 to i32
        %sign3A_485 = arith.subi %sign3A_481, %sign3A_484 : i32
        %sign3A_486 = arith.constant 0 : i32
        %sign3A_487 = arith.cmpi sgt, %jit3A_477, %sign3A_486 : i32
        %sign3A_488 = arith.extui %sign3A_487 : i1 to i32
        %sign3A_489 = arith.constant 0 : i32
        %sign3A_490 = arith.cmpi slt, %jit3A_477, %sign3A_489 : i32
        %sign3A_491 = arith.extui %sign3A_490 : i1 to i32
        %sign3A_492 = arith.subi %sign3A_488, %sign3A_491 : i32
        %ne3A_493 = arith.cmpi ne, %sign3A_485, %sign3A_492 : i32
        %rem3A_494 = arith.remsi %add3A_476, %jit3A_477 : i32
        %ne3A_495 = arith.constant 0 : i32
        %ne3A_496 = arith.cmpi ne, %rem3A_494, %ne3A_495 : i32
        %and3A_497 = arith.andi %ne3A_493, %ne3A_496 : i1
        %sub3A_498 = arith.constant 1 : i32
        %sub3A_499 = arith.subi %div3A_478, %sub3A_498 : i32
        %select_n3A_500 = arith.select %and3A_497, %sub3A_499, %div3A_478 : i32
        %dma_wait3A_501 = arith.constant 0 : i32
        %dma_wait3A_502 = tpu.memref_slice %arg4[%select_n3A_500, %dma_wait3A_501] : memref<2621440x8xf32, #tpu.memory_space<hbm>> -> memref<4096x8xf32, #tpu.memory_space<hbm>>
        %dma_wait3A_503 = arith.constant 0 : i32
        %dma_wait3A_504 = tpu.memref_slice %arg4[%select_n3A_500, %dma_wait3A_503] : memref<2621440x8xf32, #tpu.memory_space<hbm>> -> memref<4096x8xf32, #tpu.memory_space<hbm>>
        tpu.wait_dma2 semaphore(%arg11 : memref<!tpu.dma_semaphore, #tpu.memory_space<semaphore_mem>>) src(%arg7 : memref<4096x8xf32, #tpu.memory_space<vmem>>) dst(%dma_wait3A_504 : memref<4096x8xf32, #tpu.memory_space<hbm>>)
      } else {
      }
      %scan3A_338 = arith.constant 0 : i32
      %scan3A_339 = arith.constant 128 : i32
      %scan3A_340 = arith.addi %scan3A_338, %scan3A_339 : i32
      %scan3A_341 = arith.constant 1 : i32
      scf.for %scan3A_471 = %scan3A_338 to %scan3A_340 step %scan3A_341  : i32 {
        %mul3A_472 = arith.constant 4 : i32
        %mul3A_473 = arith.muli %scan3A_471, %mul3A_472 : i32
        %add3A_474 = arith.constant 0 : i32
        %add3A_475 = arith.addi %add3A_474, %mul3A_473 : i32
        %add3A_476 = arith.constant 0 : i32
        %add3A_477 = arith.addi %add3A_475, %add3A_476 : i32
        %mul3A_478 = arith.constant 16 : i32
        %mul3A_479 = arith.muli %add3A_477, %mul3A_478 : i32
        %add3A_480 = vector.broadcast %mul3A_479 : i32 to vector<16xi32>
        %add3A_481 = arith.addi %add3A_480, %iota3A : vector<16xi32>
        %shift_right_arithmetic3A = arith.constant 1 : i32
        %shift_right_arithmetic3A_482 = vector.broadcast %shift_right_arithmetic3A : i32 to vector<16xi32>
        %shift_right_arithmetic3A_483 = arith.shrsi %add3A_481, %shift_right_arithmetic3A_482 : vector<16xi32>
        %and3A_484 = arith.constant 1 : i32
        %and3A_485 = vector.broadcast %and3A_484 : i32 to vector<16xi32>
        %and3A_486 = arith.andi %add3A_481, %and3A_485 : vector<16xi32>
        %shift_left3A = arith.constant 2 : i32
        %shift_left3A_487 = vector.broadcast %shift_left3A : i32 to vector<16xi32>
        %shift_left3A_488 = arith.shli %and3A_486, %shift_left3A_487 : vector<16xi32>
        %add3A_489 = arith.constant 0 : i32
        %add3A_490 = arith.addi %add3A_475, %add3A_489 : i32
        %mul3A_491 = arith.constant 16 : i32
        %mul3A_492 = arith.muli %add3A_490, %mul3A_491 : i32
        %get3A = arith.constant 0 : i32
        %get3A_493 = arith.constant 0 : i32
        %get3A_494 = tpu.memref_slice %arg5[%get3A, %get3A_493] : memref<3x8192xf32, #tpu.memory_space<vmem>> -> memref<1x8192xf32, #tpu.memory_space<vmem>>
        %get3A_495 = tpu.memref_squeeze %get3A_494 : memref<1x8192xf32, #tpu.memory_space<vmem>> -> memref<8192xf32, #tpu.memory_space<vmem>>
        %get3A_496 = arith.index_cast %mul3A_492 : i32 to index
        %get3A_497 = tpu.vector_load %get3A_495[%get3A_496] {strides = array<i32>} : memref<8192xf32, #tpu.memory_space<vmem>>, vector<16xf32>,
        %add3A_498 = arith.constant 0 : i32
        %add3A_499 = vector.broadcast %add3A_498 : i32 to vector<16xi32>
        %add3A_500 = arith.addi %shift_left3A_488, %add3A_499 : vector<16xi32>
        tpu.vector_store_idx %arg7[%shift_right_arithmetic3A_483, %add3A_500], %get3A_497 : memref<4096x8xf32, #tpu.memory_space<vmem>>[vector<16xi32>, vector<16xi32>], vector<16xf32>,
        %add3A_501 = arith.constant 0 : i32
        %add3A_502 = arith.addi %add3A_475, %add3A_501 : i32
        %mul3A_503 = arith.constant 16 : i32
        %mul3A_504 = arith.muli %add3A_502, %mul3A_503 : i32
        %get3A_505 = arith.constant 1 : i32
        %get3A_506 = arith.constant 0 : i32
        %get3A_507 = tpu.memref_slice %arg5[%get3A_505, %get3A_506] : memref<3x8192xf32, #tpu.memory_space<vmem>> -> memref<1x8192xf32, #tpu.memory_space<vmem>>
        %get3A_508 = tpu.memref_squeeze %get3A_507 : memref<1x8192xf32, #tpu.memory_space<vmem>> -> memref<8192xf32, #tpu.memory_space<vmem>>
        %get3A_509 = arith.index_cast %mul3A_504 : i32 to index
        %get3A_510 = tpu.vector_load %get3A_508[%get3A_509] {strides = array<i32>} : memref<8192xf32, #tpu.memory_space<vmem>>, vector<16xf32>,
        %add3A_511 = arith.constant 1 : i32
        %add3A_512 = vector.broadcast %add3A_511 : i32 to vector<16xi32>
        %add3A_513 = arith.addi %shift_left3A_488, %add3A_512 : vector<16xi32>
        tpu.vector_store_idx %arg7[%shift_right_arithmetic3A_483, %add3A_513], %get3A_510 : memref<4096x8xf32, #tpu.memory_space<vmem>>[vector<16xi32>, vector<16xi32>], vector<16xf32>,
        %add3A_514 = arith.constant 0 : i32
        %add3A_515 = arith.addi %add3A_475, %add3A_514 : i32
        %mul3A_516 = arith.constant 16 : i32
        %mul3A_517 = arith.muli %add3A_515, %mul3A_516 : i32
        %get3A_518 = arith.constant 2 : i32
        %get3A_519 = arith.constant 0 : i32
        %get3A_520 = tpu.memref_slice %arg5[%get3A_518, %get3A_519] : memref<3x8192xf32, #tpu.memory_space<vmem>> -> memref<1x8192xf32, #tpu.memory_space<vmem>>
        %get3A_521 = tpu.memref_squeeze %get3A_520 : memref<1x8192xf32, #tpu.memory_space<vmem>> -> memref<8192xf32, #tpu.memory_space<vmem>>
        %get3A_522 = arith.index_cast %mul3A_517 : i32 to index
        %get3A_523 = tpu.vector_load %get3A_521[%get3A_522] {strides = array<i32>} : memref<8192xf32, #tpu.memory_space<vmem>>, vector<16xf32>,
        %add3A_524 = arith.constant 2 : i32
        %add3A_525 = vector.broadcast %add3A_524 : i32 to vector<16xi32>
        %add3A_526 = arith.addi %shift_left3A_488, %add3A_525 : vector<16xi32>
        tpu.vector_store_idx %arg7[%shift_right_arithmetic3A_483, %add3A_526], %get3A_523 : memref<4096x8xf32, #tpu.memory_space<vmem>>[vector<16xi32>, vector<16xi32>], vector<16xf32>,
        %add3A_527 = arith.constant 1 : i32
        %add3A_528 = arith.addi %add3A_475, %add3A_527 : i32
        %mul3A_529 = arith.constant 16 : i32
        %mul3A_530 = arith.muli %add3A_528, %mul3A_529 : i32
        %add3A_531 = vector.broadcast %mul3A_530 : i32 to vector<16xi32>
        %add3A_532 = arith.addi %add3A_531, %iota3A : vector<16xi32>
        %shift_right_arithmetic3A_533 = arith.constant 1 : i32
        %shift_right_arithmetic3A_534 = vector.broadcast %shift_right_arithmetic3A_533 : i32 to vector<16xi32>
        %shift_right_arithmetic3A_535 = arith.shrsi %add3A_532, %shift_right_arithmetic3A_534 : vector<16xi32>
        %and3A_536 = arith.constant 1 : i32
        %and3A_537 = vector.broadcast %and3A_536 : i32 to vector<16xi32>
        %and3A_538 = arith.andi %add3A_532, %and3A_537 : vector<16xi32>
        %shift_left3A_539 = arith.constant 2 : i32
        %shift_left3A_540 = vector.broadcast %shift_left3A_539 : i32 to vector<16xi32>
        %shift_left3A_541 = arith.shli %and3A_538, %shift_left3A_540 : vector<16xi32>
        %add3A_542 = arith.constant 1 : i32
        %add3A_543 = arith.addi %add3A_475, %add3A_542 : i32
        %mul3A_544 = arith.constant 16 : i32
        %mul3A_545 = arith.muli %add3A_543, %mul3A_544 : i32
        %get3A_546 = arith.constant 0 : i32
        %get3A_547 = arith.constant 0 : i32
        %get3A_548 = tpu.memref_slice %arg5[%get3A_546, %get3A_547] : memref<3x8192xf32, #tpu.memory_space<vmem>> -> memref<1x8192xf32, #tpu.memory_space<vmem>>
        %get3A_549 = tpu.memref_squeeze %get3A_548 : memref<1x8192xf32, #tpu.memory_space<vmem>> -> memref<8192xf32, #tpu.memory_space<vmem>>
        %get3A_550 = arith.index_cast %mul3A_545 : i32 to index
        %get3A_551 = tpu.vector_load %get3A_549[%get3A_550] {strides = array<i32>} : memref<8192xf32, #tpu.memory_space<vmem>>, vector<16xf32>,
        %add3A_552 = arith.constant 0 : i32
        %add3A_553 = vector.broadcast %add3A_552 : i32 to vector<16xi32>
        %add3A_554 = arith.addi %shift_left3A_541, %add3A_553 : vector<16xi32>
        tpu.vector_store_idx %arg7[%shift_right_arithmetic3A_535, %add3A_554], %get3A_551 : memref<4096x8xf32, #tpu.memory_space<vmem>>[vector<16xi32>, vector<16xi32>], vector<16xf32>,
        %add3A_555 = arith.constant 1 : i32
        %add3A_556 = arith.addi %add3A_475, %add3A_555 : i32
        %mul3A_557 = arith.constant 16 : i32
        %mul3A_558 = arith.muli %add3A_556, %mul3A_557 : i32
        %get3A_559 = arith.constant 1 : i32
        %get3A_560 = arith.constant 0 : i32
        %get3A_561 = tpu.memref_slice %arg5[%get3A_559, %get3A_560] : memref<3x8192xf32, #tpu.memory_space<vmem>> -> memref<1x8192xf32, #tpu.memory_space<vmem>>
        %get3A_562 = tpu.memref_squeeze %get3A_561 : memref<1x8192xf32, #tpu.memory_space<vmem>> -> memref<8192xf32, #tpu.memory_space<vmem>>
        %get3A_563 = arith.index_cast %mul3A_558 : i32 to index
        %get3A_564 = tpu.vector_load %get3A_562[%get3A_563] {strides = array<i32>} : memref<8192xf32, #tpu.memory_space<vmem>>, vector<16xf32>,
        %add3A_565 = arith.constant 1 : i32
        %add3A_566 = vector.broadcast %add3A_565 : i32 to vector<16xi32>
        %add3A_567 = arith.addi %shift_left3A_541, %add3A_566 : vector<16xi32>
        tpu.vector_store_idx %arg7[%shift_right_arithmetic3A_535, %add3A_567], %get3A_564 : memref<4096x8xf32, #tpu.memory_space<vmem>>[vector<16xi32>, vector<16xi32>], vector<16xf32>,
        %add3A_568 = arith.constant 1 : i32
        %add3A_569 = arith.addi %add3A_475, %add3A_568 : i32
        %mul3A_570 = arith.constant 16 : i32
        %mul3A_571 = arith.muli %add3A_569, %mul3A_570 : i32
        %get3A_572 = arith.constant 2 : i32
        %get3A_573 = arith.constant 0 : i32
        %get3A_574 = tpu.memref_slice %arg5[%get3A_572, %get3A_573] : memref<3x8192xf32, #tpu.memory_space<vmem>> -> memref<1x8192xf32, #tpu.memory_space<vmem>>
        %get3A_575 = tpu.memref_squeeze %get3A_574 : memref<1x8192xf32, #tpu.memory_space<vmem>> -> memref<8192xf32, #tpu.memory_space<vmem>>
        %get3A_576 = arith.index_cast %mul3A_571 : i32 to index
        %get3A_577 = tpu.vector_load %get3A_575[%get3A_576] {strides = array<i32>} : memref<8192xf32, #tpu.memory_space<vmem>>, vector<16xf32>,
        %add3A_578 = arith.constant 2 : i32
        %add3A_579 = vector.broadcast %add3A_578 : i32 to vector<16xi32>
        %add3A_580 = arith.addi %shift_left3A_541, %add3A_579 : vector<16xi32>
        tpu.vector_store_idx %arg7[%shift_right_arithmetic3A_535, %add3A_580], %get3A_577 : memref<4096x8xf32, #tpu.memory_space<vmem>>[vector<16xi32>, vector<16xi32>], vector<16xf32>,
        %add3A_581 = arith.constant 2 : i32
        %add3A_582 = arith.addi %add3A_475, %add3A_581 : i32
        %mul3A_583 = arith.constant 16 : i32
        %mul3A_584 = arith.muli %add3A_582, %mul3A_583 : i32
        %add3A_585 = vector.broadcast %mul3A_584 : i32 to vector<16xi32>
        %add3A_586 = arith.addi %add3A_585, %iota3A : vector<16xi32>
        %shift_right_arithmetic3A_587 = arith.constant 1 : i32
        %shift_right_arithmetic3A_588 = vector.broadcast %shift_right_arithmetic3A_587 : i32 to vector<16xi32>
        %shift_right_arithmetic3A_589 = arith.shrsi %add3A_586, %shift_right_arithmetic3A_588 : vector<16xi32>
        %and3A_590 = arith.constant 1 : i32
        %and3A_591 = vector.broadcast %and3A_590 : i32 to vector<16xi32>
        %and3A_592 = arith.andi %add3A_586, %and3A_591 : vector<16xi32>
        %shift_left3A_593 = arith.constant 2 : i32
        %shift_left3A_594 = vector.broadcast %shift_left3A_593 : i32 to vector<16xi32>
        %shift_left3A_595 = arith.shli %and3A_592, %shift_left3A_594 : vector<16xi32>
        %add3A_596 = arith.constant 2 : i32
        %add3A_597 = arith.addi %add3A_475, %add3A_596 : i32
        %mul3A_598 = arith.constant 16 : i32
        %mul3A_599 = arith.muli %add3A_597, %mul3A_598 : i32
        %get3A_600 = arith.constant 0 : i32
        %get3A_601 = arith.constant 0 : i32
        %get3A_602 = tpu.memref_slice %arg5[%get3A_600, %get3A_601] : memref<3x8192xf32, #tpu.memory_space<vmem>> -> memref<1x8192xf32, #tpu.memory_space<vmem>>
        %get3A_603 = tpu.memref_squeeze %get3A_602 : memref<1x8192xf32, #tpu.memory_space<vmem>> -> memref<8192xf32, #tpu.memory_space<vmem>>
        %get3A_604 = arith.index_cast %mul3A_599 : i32 to index
        %get3A_605 = tpu.vector_load %get3A_603[%get3A_604] {strides = array<i32>} : memref<8192xf32, #tpu.memory_space<vmem>>, vector<16xf32>,
        %add3A_606 = arith.constant 0 : i32
        %add3A_607 = vector.broadcast %add3A_606 : i32 to vector<16xi32>
        %add3A_608 = arith.addi %shift_left3A_595, %add3A_607 : vector<16xi32>
        tpu.vector_store_idx %arg7[%shift_right_arithmetic3A_589, %add3A_608], %get3A_605 : memref<4096x8xf32, #tpu.memory_space<vmem>>[vector<16xi32>, vector<16xi32>], vector<16xf32>,
        %add3A_609 = arith.constant 2 : i32
        %add3A_610 = arith.addi %add3A_475, %add3A_609 : i32
        %mul3A_611 = arith.constant 16 : i32
        %mul3A_612 = arith.muli %add3A_610, %mul3A_611 : i32
        %get3A_613 = arith.constant 1 : i32
        %get3A_614 = arith.constant 0 : i32
        %get3A_615 = tpu.memref_slice %arg5[%get3A_613, %get3A_614] : memref<3x8192xf32, #tpu.memory_space<vmem>> -> memref<1x8192xf32, #tpu.memory_space<vmem>>
        %get3A_616 = tpu.memref_squeeze %get3A_615 : memref<1x8192xf32, #tpu.memory_space<vmem>> -> memref<8192xf32, #tpu.memory_space<vmem>>
        %get3A_617 = arith.index_cast %mul3A_612 : i32 to index
        %get3A_618 = tpu.vector_load %get3A_616[%get3A_617] {strides = array<i32>} : memref<8192xf32, #tpu.memory_space<vmem>>, vector<16xf32>,
        %add3A_619 = arith.constant 1 : i32
        %add3A_620 = vector.broadcast %add3A_619 : i32 to vector<16xi32>
        %add3A_621 = arith.addi %shift_left3A_595, %add3A_620 : vector<16xi32>
        tpu.vector_store_idx %arg7[%shift_right_arithmetic3A_589, %add3A_621], %get3A_618 : memref<4096x8xf32, #tpu.memory_space<vmem>>[vector<16xi32>, vector<16xi32>], vector<16xf32>,
        %add3A_622 = arith.constant 2 : i32
        %add3A_623 = arith.addi %add3A_475, %add3A_622 : i32
        %mul3A_624 = arith.constant 16 : i32
        %mul3A_625 = arith.muli %add3A_623, %mul3A_624 : i32
        %get3A_626 = arith.constant 2 : i32
        %get3A_627 = arith.constant 0 : i32
        %get3A_628 = tpu.memref_slice %arg5[%get3A_626, %get3A_627] : memref<3x8192xf32, #tpu.memory_space<vmem>> -> memref<1x8192xf32, #tpu.memory_space<vmem>>
        %get3A_629 = tpu.memref_squeeze %get3A_628 : memref<1x8192xf32, #tpu.memory_space<vmem>> -> memref<8192xf32, #tpu.memory_space<vmem>>
        %get3A_630 = arith.index_cast %mul3A_625 : i32 to index
        %get3A_631 = tpu.vector_load %get3A_629[%get3A_630] {strides = array<i32>} : memref<8192xf32, #tpu.memory_space<vmem>>, vector<16xf32>,
        %add3A_632 = arith.constant 2 : i32
        %add3A_633 = vector.broadcast %add3A_632 : i32 to vector<16xi32>
        %add3A_634 = arith.addi %shift_left3A_595, %add3A_633 : vector<16xi32>
        tpu.vector_store_idx %arg7[%shift_right_arithmetic3A_589, %add3A_634], %get3A_631 : memref<4096x8xf32, #tpu.memory_space<vmem>>[vector<16xi32>, vector<16xi32>], vector<16xf32>,
        %add3A_635 = arith.constant 3 : i32
        %add3A_636 = arith.addi %add3A_475, %add3A_635 : i32
        %mul3A_637 = arith.constant 16 : i32
        %mul3A_638 = arith.muli %add3A_636, %mul3A_637 : i32
        %add3A_639 = vector.broadcast %mul3A_638 : i32 to vector<16xi32>
        %add3A_640 = arith.addi %add3A_639, %iota3A : vector<16xi32>
        %shift_right_arithmetic3A_641 = arith.constant 1 : i32
        %shift_right_arithmetic3A_642 = vector.broadcast %shift_right_arithmetic3A_641 : i32 to vector<16xi32>
        %shift_right_arithmetic3A_643 = arith.shrsi %add3A_640, %shift_right_arithmetic3A_642 : vector<16xi32>
        %and3A_644 = arith.constant 1 : i32
        %and3A_645 = vector.broadcast %and3A_644 : i32 to vector<16xi32>
        %and3A_646 = arith.andi %add3A_640, %and3A_645 : vector<16xi32>
        %shift_left3A_647 = arith.constant 2 : i32
        %shift_left3A_648 = vector.broadcast %shift_left3A_647 : i32 to vector<16xi32>
        %shift_left3A_649 = arith.shli %and3A_646, %shift_left3A_648 : vector<16xi32>
        %add3A_650 = arith.constant 3 : i32
        %add3A_651 = arith.addi %add3A_475, %add3A_650 : i32
        %mul3A_652 = arith.constant 16 : i32
        %mul3A_653 = arith.muli %add3A_651, %mul3A_652 : i32
        %get3A_654 = arith.constant 0 : i32
        %get3A_655 = arith.constant 0 : i32
        %get3A_656 = tpu.memref_slice %arg5[%get3A_654, %get3A_655] : memref<3x8192xf32, #tpu.memory_space<vmem>> -> memref<1x8192xf32, #tpu.memory_space<vmem>>
        %get3A_657 = tpu.memref_squeeze %get3A_656 : memref<1x8192xf32, #tpu.memory_space<vmem>> -> memref<8192xf32, #tpu.memory_space<vmem>>
        %get3A_658 = arith.index_cast %mul3A_653 : i32 to index
        %get3A_659 = tpu.vector_load %get3A_657[%get3A_658] {strides = array<i32>} : memref<8192xf32, #tpu.memory_space<vmem>>, vector<16xf32>,
        %add3A_660 = arith.constant 0 : i32
        %add3A_661 = vector.broadcast %add3A_660 : i32 to vector<16xi32>
        %add3A_662 = arith.addi %shift_left3A_649, %add3A_661 : vector<16xi32>
        tpu.vector_store_idx %arg7[%shift_right_arithmetic3A_643, %add3A_662], %get3A_659 : memref<4096x8xf32, #tpu.memory_space<vmem>>[vector<16xi32>, vector<16xi32>], vector<16xf32>,
        %add3A_663 = arith.constant 3 : i32
        %add3A_664 = arith.addi %add3A_475, %add3A_663 : i32
        %mul3A_665 = arith.constant 16 : i32
        %mul3A_666 = arith.muli %add3A_664, %mul3A_665 : i32
        %get3A_667 = arith.constant 1 : i32
        %get3A_668 = arith.constant 0 : i32
        %get3A_669 = tpu.memref_slice %arg5[%get3A_667, %get3A_668] : memref<3x8192xf32, #tpu.memory_space<vmem>> -> memref<1x8192xf32, #tpu.memory_space<vmem>>
        %get3A_670 = tpu.memref_squeeze %get3A_669 : memref<1x8192xf32, #tpu.memory_space<vmem>> -> memref<8192xf32, #tpu.memory_space<vmem>>
        %get3A_671 = arith.index_cast %mul3A_666 : i32 to index
        %get3A_672 = tpu.vector_load %get3A_670[%get3A_671] {strides = array<i32>} : memref<8192xf32, #tpu.memory_space<vmem>>, vector<16xf32>,
        %add3A_673 = arith.constant 1 : i32
        %add3A_674 = vector.broadcast %add3A_673 : i32 to vector<16xi32>
        %add3A_675 = arith.addi %shift_left3A_649, %add3A_674 : vector<16xi32>
        tpu.vector_store_idx %arg7[%shift_right_arithmetic3A_643, %add3A_675], %get3A_672 : memref<4096x8xf32, #tpu.memory_space<vmem>>[vector<16xi32>, vector<16xi32>], vector<16xf32>,
        %add3A_676 = arith.constant 3 : i32
        %add3A_677 = arith.addi %add3A_475, %add3A_676 : i32
        %mul3A_678 = arith.constant 16 : i32
        %mul3A_679 = arith.muli %add3A_677, %mul3A_678 : i32
        %get3A_680 = arith.constant 2 : i32
        %get3A_681 = arith.constant 0 : i32
        %get3A_682 = tpu.memref_slice %arg5[%get3A_680, %get3A_681] : memref<3x8192xf32, #tpu.memory_space<vmem>> -> memref<1x8192xf32, #tpu.memory_space<vmem>>
        %get3A_683 = tpu.memref_squeeze %get3A_682 : memref<1x8192xf32, #tpu.memory_space<vmem>> -> memref<8192xf32, #tpu.memory_space<vmem>>
        %get3A_684 = arith.index_cast %mul3A_679 : i32 to index
        %get3A_685 = tpu.vector_load %get3A_683[%get3A_684] {strides = array<i32>} : memref<8192xf32, #tpu.memory_space<vmem>>, vector<16xf32>,
        %add3A_686 = arith.constant 2 : i32
        %add3A_687 = vector.broadcast %add3A_686 : i32 to vector<16xi32>
        %add3A_688 = arith.addi %shift_left3A_649, %add3A_687 : vector<16xi32>
        tpu.vector_store_idx %arg7[%shift_right_arithmetic3A_643, %add3A_688], %get3A_685 : memref<4096x8xf32, #tpu.memory_space<vmem>>[vector<16xi32>, vector<16xi32>], vector<16xf32>,
      }
      %scan3A_342 = arith.constant 128 : i32
      %mul3A_343 = arith.constant 32768 : i32
      %mul3A_344 = arith.muli %add3A, %mul3A_343 : i32
      %add3A_345 = arith.constant 4194304 : i32
      %add3A_346 = arith.addi %add3A_345, %mul3A_344 : i32
      %mul3A_347 = arith.constant 8192 : i32
      %mul3A_348 = arith.muli %add3A_302, %mul3A_347 : i32
      %add3A_349 = arith.addi %add3A_346, %mul3A_348 : i32
      %jit3A_350 = arith.constant 2 : i32
      %div3A_351 = arith.divsi %add3A_349, %jit3A_350 : i32
      %sign3A_352 = arith.constant 0 : i32
      %sign3A_353 = arith.cmpi sgt, %add3A_349, %sign3A_352 : i32
      %sign3A_354 = arith.extui %sign3A_353 : i1 to i32
      %sign3A_355 = arith.constant 0 : i32
      %sign3A_356 = arith.cmpi slt, %add3A_349, %sign3A_355 : i32
      %sign3A_357 = arith.extui %sign3A_356 : i1 to i32
      %sign3A_358 = arith.subi %sign3A_354, %sign3A_357 : i32
      %sign3A_359 = arith.constant 0 : i32
      %sign3A_360 = arith.cmpi sgt, %jit3A_350, %sign3A_359 : i32
      %sign3A_361 = arith.extui %sign3A_360 : i1 to i32
      %sign3A_362 = arith.constant 0 : i32
      %sign3A_363 = arith.cmpi slt, %jit3A_350, %sign3A_362 : i32
      %sign3A_364 = arith.extui %sign3A_363 : i1 to i32
      %sign3A_365 = arith.subi %sign3A_361, %sign3A_364 : i32
      %ne3A_366 = arith.cmpi ne, %sign3A_358, %sign3A_365 : i32
      %rem3A_367 = arith.remsi %add3A_349, %jit3A_350 : i32
      %ne3A_368 = arith.constant 0 : i32
      %ne3A_369 = arith.cmpi ne, %rem3A_367, %ne3A_368 : i32
      %and3A_370 = arith.andi %ne3A_366, %ne3A_369 : i1
      %sub3A_371 = arith.constant 1 : i32
      %sub3A_372 = arith.subi %div3A_351, %sub3A_371 : i32
      %select_n3A_373 = arith.select %and3A_370, %sub3A_372, %div3A_351 : i32
      %dma_start3A_374 = arith.constant 0 : i32
      %dma_start3A_375 = tpu.memref_slice %arg4[%select_n3A_373, %dma_start3A_374] : memref<2621440x8xf32, #tpu.memory_space<hbm>> -> memref<4096x8xf32, #tpu.memory_space<hbm>>
      %dma_start3A_376 = arith.constant 0 : i32
      %dma_start3A_377 = tpu.memref_slice %arg4[%select_n3A_373, %dma_start3A_376] : memref<2621440x8xf32, #tpu.memory_space<hbm>> -> memref<4096x8xf32, #tpu.memory_space<hbm>>
      tpu.enqueue_dma source(%arg7 : memref<4096x8xf32, #tpu.memory_space<vmem>>) target(%dma_start3A_377 : memref<4096x8xf32, #tpu.memory_space<hbm>>) target_semaphore(%arg11 : memref<!tpu.dma_semaphore, #tpu.memory_space<semaphore_mem>>)
      %add3A_378 = arith.constant 2 : i32
      %add3A_379 = arith.addi %add3A_302, %add3A_378 : i32
      %lt3A = arith.constant 4 : i32
      %lt3A_380 = arith.cmpi slt, %add3A_379, %lt3A : i32
      %convert_element_type3A_381 = arith.extui %lt3A_380 : i1 to i32
      %cond3A_382 = arith.constant 0 : i32
      %cond3A_383 = arith.cmpi ne, %convert_element_type3A_381, %cond3A_382 : i32
      scf.if %cond3A_383 {
        %add3A_471 = arith.constant 2 : i32
        %add3A_472 = arith.addi %add3A_302, %add3A_471 : i32
        %add3A_473 = arith.constant 0 : i32
        %add3A_474 = arith.addi %mul3A_144, %add3A_473 : i32
        %mul3A_475 = arith.constant 8192 : i32
        %mul3A_476 = arith.muli %add3A_472, %mul3A_475 : i32
        %add3A_477 = arith.addi %add3A_474, %mul3A_476 : i32
        %dma_start3A_478 = arith.constant 0 : i32
        %dma_start3A_479 = arith.constant 0 : i32
        %dma_start3A_480 = tpu.memref_slice %arg5[%dma_start3A_478, %dma_start3A_479] : memref<3x8192xf32, #tpu.memory_space<vmem>> -> memref<1x8192xf32, #tpu.memory_space<vmem>>
        %dma_start3A_481 = tpu.memref_squeeze %dma_start3A_480 : memref<1x8192xf32, #tpu.memory_space<vmem>> -> memref<8192xf32, #tpu.memory_space<vmem>>
        %dma_start3A_482 = tpu.memref_slice %arg3[%add3A_477] : memref<3145728xf32, #tpu.memory_space<hbm>> -> memref<8192xf32, #tpu.memory_space<hbm>>
        %dma_start3A_483 = arith.constant 0 : i32
        %dma_start3A_484 = tpu.memref_slice %arg5[%dma_start3A_478, %dma_start3A_483] : memref<3x8192xf32, #tpu.memory_space<vmem>> -> memref<1x8192xf32, #tpu.memory_space<vmem>>
        %dma_start3A_485 = tpu.memref_squeeze %dma_start3A_484 : memref<1x8192xf32, #tpu.memory_space<vmem>> -> memref<8192xf32, #tpu.memory_space<vmem>>
        %dma_start3A_486 = tpu.memref_slice %arg3[%add3A_477] : memref<3145728xf32, #tpu.memory_space<hbm>> -> memref<8192xf32, #tpu.memory_space<hbm>>
        tpu.enqueue_dma source(%dma_start3A_486 : memref<8192xf32, #tpu.memory_space<hbm>>) target(%dma_start3A_485 : memref<8192xf32, #tpu.memory_space<vmem>>) target_semaphore(%arg9 : memref<!tpu.dma_semaphore, #tpu.memory_space<semaphore_mem>>)
        %add3A_487 = arith.constant 1048576 : i32
        %add3A_488 = arith.addi %mul3A_144, %add3A_487 : i32
        %mul3A_489 = arith.constant 8192 : i32
        %mul3A_490 = arith.muli %add3A_472, %mul3A_489 : i32
        %add3A_491 = arith.addi %add3A_488, %mul3A_490 : i32
        %dma_start3A_492 = arith.constant 1 : i32
        %dma_start3A_493 = arith.constant 0 : i32
        %dma_start3A_494 = tpu.memref_slice %arg5[%dma_start3A_492, %dma_start3A_493] : memref<3x8192xf32, #tpu.memory_space<vmem>> -> memref<1x8192xf32, #tpu.memory_space<vmem>>
        %dma_start3A_495 = tpu.memref_squeeze %dma_start3A_494 : memref<1x8192xf32, #tpu.memory_space<vmem>> -> memref<8192xf32, #tpu.memory_space<vmem>>
        %dma_start3A_496 = tpu.memref_slice %arg3[%add3A_491] : memref<3145728xf32, #tpu.memory_space<hbm>> -> memref<8192xf32, #tpu.memory_space<hbm>>
        %dma_start3A_497 = arith.constant 0 : i32
        %dma_start3A_498 = tpu.memref_slice %arg5[%dma_start3A_492, %dma_start3A_497] : memref<3x8192xf32, #tpu.memory_space<vmem>> -> memref<1x8192xf32, #tpu.memory_space<vmem>>
        %dma_start3A_499 = tpu.memref_squeeze %dma_start3A_498 : memref<1x8192xf32, #tpu.memory_space<vmem>> -> memref<8192xf32, #tpu.memory_space<vmem>>
        %dma_start3A_500 = tpu.memref_slice %arg3[%add3A_491] : memref<3145728xf32, #tpu.memory_space<hbm>> -> memref<8192xf32, #tpu.memory_space<hbm>>
        tpu.enqueue_dma source(%dma_start3A_500 : memref<8192xf32, #tpu.memory_space<hbm>>) target(%dma_start3A_499 : memref<8192xf32, #tpu.memory_space<vmem>>) target_semaphore(%arg9 : memref<!tpu.dma_semaphore, #tpu.memory_space<semaphore_mem>>)
        %add3A_501 = arith.constant 2097152 : i32
        %add3A_502 = arith.addi %mul3A_144, %add3A_501 : i32
        %mul3A_503 = arith.constant 8192 : i32
        %mul3A_504 = arith.muli %add3A_472, %mul3A_503 : i32
        %add3A_505 = arith.addi %add3A_502, %mul3A_504 : i32
        %dma_start3A_506 = arith.constant 2 : i32
        %dma_start3A_507 = arith.constant 0 : i32
        %dma_start3A_508 = tpu.memref_slice %arg5[%dma_start3A_506, %dma_start3A_507] : memref<3x8192xf32, #tpu.memory_space<vmem>> -> memref<1x8192xf32, #tpu.memory_space<vmem>>
        %dma_start3A_509 = tpu.memref_squeeze %dma_start3A_508 : memref<1x8192xf32, #tpu.memory_space<vmem>> -> memref<8192xf32, #tpu.memory_space<vmem>>
        %dma_start3A_510 = tpu.memref_slice %arg3[%add3A_505] : memref<3145728xf32, #tpu.memory_space<hbm>> -> memref<8192xf32, #tpu.memory_space<hbm>>
        %dma_start3A_511 = arith.constant 0 : i32
        %dma_start3A_512 = tpu.memref_slice %arg5[%dma_start3A_506, %dma_start3A_511] : memref<3x8192xf32, #tpu.memory_space<vmem>> -> memref<1x8192xf32, #tpu.memory_space<vmem>>
        %dma_start3A_513 = tpu.memref_squeeze %dma_start3A_512 : memref<1x8192xf32, #tpu.memory_space<vmem>> -> memref<8192xf32, #tpu.memory_space<vmem>>
        %dma_start3A_514 = tpu.memref_slice %arg3[%add3A_505] : memref<3145728xf32, #tpu.memory_space<hbm>> -> memref<8192xf32, #tpu.memory_space<hbm>>
        tpu.enqueue_dma source(%dma_start3A_514 : memref<8192xf32, #tpu.memory_space<hbm>>) target(%dma_start3A_513 : memref<8192xf32, #tpu.memory_space<vmem>>) target_semaphore(%arg9 : memref<!tpu.dma_semaphore, #tpu.memory_space<semaphore_mem>>)
      } else {
      }
      %add3A_384 = arith.constant 1 : i32
      %add3A_385 = arith.addi %add3A_300, %add3A_384 : i32
      %dma_wait3A_386 = arith.constant 0 : i32
      %dma_wait3A_387 = arith.constant 0 : i32
      %dma_wait3A_388 = tpu.memref_slice %arg6[%dma_wait3A_386, %dma_wait3A_387] : memref<3x8192xf32, #tpu.memory_space<vmem>> -> memref<1x8192xf32, #tpu.memory_space<vmem>>
      %dma_wait3A_389 = tpu.memref_squeeze %dma_wait3A_388 : memref<1x8192xf32, #tpu.memory_space<vmem>> -> memref<8192xf32, #tpu.memory_space<vmem>>
      %dma_wait3A_390 = arith.constant 0 : i32
      %dma_wait3A_391 = tpu.memref_slice %arg3[%dma_wait3A_390] : memref<3145728xf32, #tpu.memory_space<hbm>> -> memref<8192xf32, #tpu.memory_space<hbm>>
      %dma_wait3A_392 = arith.constant 0 : i32
      %dma_wait3A_393 = tpu.memref_slice %arg6[%dma_wait3A_386, %dma_wait3A_392] : memref<3x8192xf32, #tpu.memory_space<vmem>> -> memref<1x8192xf32, #tpu.memory_space<vmem>>
      %dma_wait3A_394 = tpu.memref_squeeze %dma_wait3A_393 : memref<1x8192xf32, #tpu.memory_space<vmem>> -> memref<8192xf32, #tpu.memory_space<vmem>>
      %dma_wait3A_395 = arith.constant 0 : i32
      %dma_wait3A_396 = tpu.memref_slice %arg3[%dma_wait3A_395] : memref<3145728xf32, #tpu.memory_space<hbm>> -> memref<8192xf32, #tpu.memory_space<hbm>>
      tpu.wait_dma2 semaphore(%arg10 : memref<!tpu.dma_semaphore, #tpu.memory_space<semaphore_mem>>) src(%dma_wait3A_396 : memref<8192xf32, #tpu.memory_space<hbm>>) dst(%dma_wait3A_394 : memref<8192xf32, #tpu.memory_space<vmem>>)
      %dma_wait3A_397 = arith.constant 1 : i32
      %dma_wait3A_398 = arith.constant 0 : i32
      %dma_wait3A_399 = tpu.memref_slice %arg6[%dma_wait3A_397, %dma_wait3A_398] : memref<3x8192xf32, #tpu.memory_space<vmem>> -> memref<1x8192xf32, #tpu.memory_space<vmem>>
      %dma_wait3A_400 = tpu.memref_squeeze %dma_wait3A_399 : memref<1x8192xf32, #tpu.memory_space<vmem>> -> memref<8192xf32, #tpu.memory_space<vmem>>
      %dma_wait3A_401 = arith.constant 0 : i32
      %dma_wait3A_402 = tpu.memref_slice %arg3[%dma_wait3A_401] : memref<3145728xf32, #tpu.memory_space<hbm>> -> memref<8192xf32, #tpu.memory_space<hbm>>
      %dma_wait3A_403 = arith.constant 0 : i32
      %dma_wait3A_404 = tpu.memref_slice %arg6[%dma_wait3A_397, %dma_wait3A_403] : memref<3x8192xf32, #tpu.memory_space<vmem>> -> memref<1x8192xf32, #tpu.memory_space<vmem>>
      %dma_wait3A_405 = tpu.memref_squeeze %dma_wait3A_404 : memref<1x8192xf32, #tpu.memory_space<vmem>> -> memref<8192xf32, #tpu.memory_space<vmem>>
      %dma_wait3A_406 = arith.constant 0 : i32
      %dma_wait3A_407 = tpu.memref_slice %arg3[%dma_wait3A_406] : memref<3145728xf32, #tpu.memory_space<hbm>> -> memref<8192xf32, #tpu.memory_space<hbm>>
      tpu.wait_dma2 semaphore(%arg10 : memref<!tpu.dma_semaphore, #tpu.memory_space<semaphore_mem>>) src(%dma_wait3A_407 : memref<8192xf32, #tpu.memory_space<hbm>>) dst(%dma_wait3A_405 : memref<8192xf32, #tpu.memory_space<vmem>>)
      %dma_wait3A_408 = arith.constant 2 : i32
      %dma_wait3A_409 = arith.constant 0 : i32
      %dma_wait3A_410 = tpu.memref_slice %arg6[%dma_wait3A_408, %dma_wait3A_409] : memref<3x8192xf32, #tpu.memory_space<vmem>> -> memref<1x8192xf32, #tpu.memory_space<vmem>>
      %dma_wait3A_411 = tpu.memref_squeeze %dma_wait3A_410 : memref<1x8192xf32, #tpu.memory_space<vmem>> -> memref<8192xf32, #tpu.memory_space<vmem>>
      %dma_wait3A_412 = arith.constant 0 : i32
      %dma_wait3A_413 = tpu.memref_slice %arg3[%dma_wait3A_412] : memref<3145728xf32, #tpu.memory_space<hbm>> -> memref<8192xf32, #tpu.memory_space<hbm>>
      %dma_wait3A_414 = arith.constant 0 : i32
      %dma_wait3A_415 = tpu.memref_slice %arg6[%dma_wait3A_408, %dma_wait3A_414] : memref<3x8192xf32, #tpu.memory_space<vmem>> -> memref<1x8192xf32, #tpu.memory_space<vmem>>
      %dma_wait3A_416 = tpu.memref_squeeze %dma_wait3A_415 : memref<1x8192xf32, #tpu.memory_space<vmem>> -> memref<8192xf32, #tpu.memory_space<vmem>>
      %dma_wait3A_417 = arith.constant 0 : i32
      %dma_wait3A_418 = tpu.memref_slice %arg3[%dma_wait3A_417] : memref<3145728xf32, #tpu.memory_space<hbm>> -> memref<8192xf32, #tpu.memory_space<hbm>>
      tpu.wait_dma2 semaphore(%arg10 : memref<!tpu.dma_semaphore, #tpu.memory_space<semaphore_mem>>) src(%dma_wait3A_418 : memref<8192xf32, #tpu.memory_space<hbm>>) dst(%dma_wait3A_416 : memref<8192xf32, #tpu.memory_space<vmem>>)
      %ge3A_419 = arith.constant 2 : i32
      %ge3A_420 = arith.cmpi sge, %add3A_385, %ge3A_419 : i32
      %convert_element_type3A_421 = arith.extui %ge3A_420 : i1 to i32
      %cond3A_422 = arith.constant 0 : i32
      %cond3A_423 = arith.cmpi ne, %convert_element_type3A_421, %cond3A_422 : i32
      scf.if %cond3A_423 {
        %mul3A_471 = arith.constant 32768 : i32
        %mul3A_472 = arith.muli %add3A, %mul3A_471 : i32
        %add3A_473 = arith.constant 4194304 : i32
        %add3A_474 = arith.addi %add3A_473, %mul3A_472 : i32
        %add3A_475 = arith.constant 0 : i32
        %add3A_476 = arith.addi %add3A_474, %add3A_475 : i32
        %jit3A_477 = arith.constant 2 : i32
        %div3A_478 = arith.divsi %add3A_476, %jit3A_477 : i32
        %sign3A_479 = arith.constant 0 : i32
        %sign3A_480 = arith.cmpi sgt, %add3A_476, %sign3A_479 : i32
        %sign3A_481 = arith.extui %sign3A_480 : i1 to i32
        %sign3A_482 = arith.constant 0 : i32
        %sign3A_483 = arith.cmpi slt, %add3A_476, %sign3A_482 : i32
        %sign3A_484 = arith.extui %sign3A_483 : i1 to i32
        %sign3A_485 = arith.subi %sign3A_481, %sign3A_484 : i32
        %sign3A_486 = arith.constant 0 : i32
        %sign3A_487 = arith.cmpi sgt, %jit3A_477, %sign3A_486 : i32
        %sign3A_488 = arith.extui %sign3A_487 : i1 to i32
        %sign3A_489 = arith.constant 0 : i32
        %sign3A_490 = arith.cmpi slt, %jit3A_477, %sign3A_489 : i32
        %sign3A_491 = arith.extui %sign3A_490 : i1 to i32
        %sign3A_492 = arith.subi %sign3A_488, %sign3A_491 : i32
        %ne3A_493 = arith.cmpi ne, %sign3A_485, %sign3A_492 : i32
        %rem3A_494 = arith.remsi %add3A_476, %jit3A_477 : i32
        %ne3A_495 = arith.constant 0 : i32
        %ne3A_496 = arith.cmpi ne, %rem3A_494, %ne3A_495 : i32
        %and3A_497 = arith.andi %ne3A_493, %ne3A_496 : i1
        %sub3A_498 = arith.constant 1 : i32
        %sub3A_499 = arith.subi %div3A_478, %sub3A_498 : i32
        %select_n3A_500 = arith.select %and3A_497, %sub3A_499, %div3A_478 : i32
        %dma_wait3A_501 = arith.constant 0 : i32
        %dma_wait3A_502 = tpu.memref_slice %arg4[%select_n3A_500, %dma_wait3A_501] : memref<2621440x8xf32, #tpu.memory_space<hbm>> -> memref<4096x8xf32, #tpu.memory_space<hbm>>
        %dma_wait3A_503 = arith.constant 0 : i32
        %dma_wait3A_504 = tpu.memref_slice %arg4[%select_n3A_500, %dma_wait3A_503] : memref<2621440x8xf32, #tpu.memory_space<hbm>> -> memref<4096x8xf32, #tpu.memory_space<hbm>>
        tpu.wait_dma2 semaphore(%arg12 : memref<!tpu.dma_semaphore, #tpu.memory_space<semaphore_mem>>) src(%arg8 : memref<4096x8xf32, #tpu.memory_space<vmem>>) dst(%dma_wait3A_504 : memref<4096x8xf32, #tpu.memory_space<hbm>>)
      } else {
      }
      %scan3A_424 = arith.constant 0 : i32
      %scan3A_425 = arith.constant 128 : i32
      %scan3A_426 = arith.addi %scan3A_424, %scan3A_425 : i32
      %scan3A_427 = arith.constant 1 : i32
      scf.for %scan3A_471 = %scan3A_424 to %scan3A_426 step %scan3A_427  : i32 {
        %mul3A_472 = arith.constant 4 : i32
        %mul3A_473 = arith.muli %scan3A_471, %mul3A_472 : i32
        %add3A_474 = arith.constant 0 : i32
        %add3A_475 = arith.addi %add3A_474, %mul3A_473 : i32
        %add3A_476 = arith.constant 0 : i32
        %add3A_477 = arith.addi %add3A_475, %add3A_476 : i32
        %mul3A_478 = arith.constant 16 : i32
        %mul3A_479 = arith.muli %add3A_477, %mul3A_478 : i32
        %add3A_480 = vector.broadcast %mul3A_479 : i32 to vector<16xi32>
        %add3A_481 = arith.addi %add3A_480, %iota3A : vector<16xi32>
        %shift_right_arithmetic3A = arith.constant 1 : i32
        %shift_right_arithmetic3A_482 = vector.broadcast %shift_right_arithmetic3A : i32 to vector<16xi32>
        %shift_right_arithmetic3A_483 = arith.shrsi %add3A_481, %shift_right_arithmetic3A_482 : vector<16xi32>
        %and3A_484 = arith.constant 1 : i32
        %and3A_485 = vector.broadcast %and3A_484 : i32 to vector<16xi32>
        %and3A_486 = arith.andi %add3A_481, %and3A_485 : vector<16xi32>
        %shift_left3A = arith.constant 2 : i32
        %shift_left3A_487 = vector.broadcast %shift_left3A : i32 to vector<16xi32>
        %shift_left3A_488 = arith.shli %and3A_486, %shift_left3A_487 : vector<16xi32>
        %add3A_489 = arith.constant 0 : i32
        %add3A_490 = arith.addi %add3A_475, %add3A_489 : i32
        %mul3A_491 = arith.constant 16 : i32
        %mul3A_492 = arith.muli %add3A_490, %mul3A_491 : i32
        %get3A = arith.constant 0 : i32
        %get3A_493 = arith.constant 0 : i32
        %get3A_494 = tpu.memref_slice %arg6[%get3A, %get3A_493] : memref<3x8192xf32, #tpu.memory_space<vmem>> -> memref<1x8192xf32, #tpu.memory_space<vmem>>
        %get3A_495 = tpu.memref_squeeze %get3A_494 : memref<1x8192xf32, #tpu.memory_space<vmem>> -> memref<8192xf32, #tpu.memory_space<vmem>>
        %get3A_496 = arith.index_cast %mul3A_492 : i32 to index
        %get3A_497 = tpu.vector_load %get3A_495[%get3A_496] {strides = array<i32>} : memref<8192xf32, #tpu.memory_space<vmem>>, vector<16xf32>,
        %add3A_498 = arith.constant 0 : i32
        %add3A_499 = vector.broadcast %add3A_498 : i32 to vector<16xi32>
        %add3A_500 = arith.addi %shift_left3A_488, %add3A_499 : vector<16xi32>
        tpu.vector_store_idx %arg8[%shift_right_arithmetic3A_483, %add3A_500], %get3A_497 : memref<4096x8xf32, #tpu.memory_space<vmem>>[vector<16xi32>, vector<16xi32>], vector<16xf32>,
        %add3A_501 = arith.constant 0 : i32
        %add3A_502 = arith.addi %add3A_475, %add3A_501 : i32
        %mul3A_503 = arith.constant 16 : i32
        %mul3A_504 = arith.muli %add3A_502, %mul3A_503 : i32
        %get3A_505 = arith.constant 1 : i32
        %get3A_506 = arith.constant 0 : i32
        %get3A_507 = tpu.memref_slice %arg6[%get3A_505, %get3A_506] : memref<3x8192xf32, #tpu.memory_space<vmem>> -> memref<1x8192xf32, #tpu.memory_space<vmem>>
        %get3A_508 = tpu.memref_squeeze %get3A_507 : memref<1x8192xf32, #tpu.memory_space<vmem>> -> memref<8192xf32, #tpu.memory_space<vmem>>
        %get3A_509 = arith.index_cast %mul3A_504 : i32 to index
        %get3A_510 = tpu.vector_load %get3A_508[%get3A_509] {strides = array<i32>} : memref<8192xf32, #tpu.memory_space<vmem>>, vector<16xf32>,
        %add3A_511 = arith.constant 1 : i32
        %add3A_512 = vector.broadcast %add3A_511 : i32 to vector<16xi32>
        %add3A_513 = arith.addi %shift_left3A_488, %add3A_512 : vector<16xi32>
        tpu.vector_store_idx %arg8[%shift_right_arithmetic3A_483, %add3A_513], %get3A_510 : memref<4096x8xf32, #tpu.memory_space<vmem>>[vector<16xi32>, vector<16xi32>], vector<16xf32>,
        %add3A_514 = arith.constant 0 : i32
        %add3A_515 = arith.addi %add3A_475, %add3A_514 : i32
        %mul3A_516 = arith.constant 16 : i32
        %mul3A_517 = arith.muli %add3A_515, %mul3A_516 : i32
        %get3A_518 = arith.constant 2 : i32
        %get3A_519 = arith.constant 0 : i32
        %get3A_520 = tpu.memref_slice %arg6[%get3A_518, %get3A_519] : memref<3x8192xf32, #tpu.memory_space<vmem>> -> memref<1x8192xf32, #tpu.memory_space<vmem>>
        %get3A_521 = tpu.memref_squeeze %get3A_520 : memref<1x8192xf32, #tpu.memory_space<vmem>> -> memref<8192xf32, #tpu.memory_space<vmem>>
        %get3A_522 = arith.index_cast %mul3A_517 : i32 to index
        %get3A_523 = tpu.vector_load %get3A_521[%get3A_522] {strides = array<i32>} : memref<8192xf32, #tpu.memory_space<vmem>>, vector<16xf32>,
        %add3A_524 = arith.constant 2 : i32
        %add3A_525 = vector.broadcast %add3A_524 : i32 to vector<16xi32>
        %add3A_526 = arith.addi %shift_left3A_488, %add3A_525 : vector<16xi32>
        tpu.vector_store_idx %arg8[%shift_right_arithmetic3A_483, %add3A_526], %get3A_523 : memref<4096x8xf32, #tpu.memory_space<vmem>>[vector<16xi32>, vector<16xi32>], vector<16xf32>,
        %add3A_527 = arith.constant 1 : i32
        %add3A_528 = arith.addi %add3A_475, %add3A_527 : i32
        %mul3A_529 = arith.constant 16 : i32
        %mul3A_530 = arith.muli %add3A_528, %mul3A_529 : i32
        %add3A_531 = vector.broadcast %mul3A_530 : i32 to vector<16xi32>
        %add3A_532 = arith.addi %add3A_531, %iota3A : vector<16xi32>
        %shift_right_arithmetic3A_533 = arith.constant 1 : i32
        %shift_right_arithmetic3A_534 = vector.broadcast %shift_right_arithmetic3A_533 : i32 to vector<16xi32>
        %shift_right_arithmetic3A_535 = arith.shrsi %add3A_532, %shift_right_arithmetic3A_534 : vector<16xi32>
        %and3A_536 = arith.constant 1 : i32
        %and3A_537 = vector.broadcast %and3A_536 : i32 to vector<16xi32>
        %and3A_538 = arith.andi %add3A_532, %and3A_537 : vector<16xi32>
        %shift_left3A_539 = arith.constant 2 : i32
        %shift_left3A_540 = vector.broadcast %shift_left3A_539 : i32 to vector<16xi32>
        %shift_left3A_541 = arith.shli %and3A_538, %shift_left3A_540 : vector<16xi32>
        %add3A_542 = arith.constant 1 : i32
        %add3A_543 = arith.addi %add3A_475, %add3A_542 : i32
        %mul3A_544 = arith.constant 16 : i32
        %mul3A_545 = arith.muli %add3A_543, %mul3A_544 : i32
        %get3A_546 = arith.constant 0 : i32
        %get3A_547 = arith.constant 0 : i32
        %get3A_548 = tpu.memref_slice %arg6[%get3A_546, %get3A_547] : memref<3x8192xf32, #tpu.memory_space<vmem>> -> memref<1x8192xf32, #tpu.memory_space<vmem>>
        %get3A_549 = tpu.memref_squeeze %get3A_548 : memref<1x8192xf32, #tpu.memory_space<vmem>> -> memref<8192xf32, #tpu.memory_space<vmem>>
        %get3A_550 = arith.index_cast %mul3A_545 : i32 to index
        %get3A_551 = tpu.vector_load %get3A_549[%get3A_550] {strides = array<i32>} : memref<8192xf32, #tpu.memory_space<vmem>>, vector<16xf32>,
        %add3A_552 = arith.constant 0 : i32
        %add3A_553 = vector.broadcast %add3A_552 : i32 to vector<16xi32>
        %add3A_554 = arith.addi %shift_left3A_541, %add3A_553 : vector<16xi32>
        tpu.vector_store_idx %arg8[%shift_right_arithmetic3A_535, %add3A_554], %get3A_551 : memref<4096x8xf32, #tpu.memory_space<vmem>>[vector<16xi32>, vector<16xi32>], vector<16xf32>,
        %add3A_555 = arith.constant 1 : i32
        %add3A_556 = arith.addi %add3A_475, %add3A_555 : i32
        %mul3A_557 = arith.constant 16 : i32
        %mul3A_558 = arith.muli %add3A_556, %mul3A_557 : i32
        %get3A_559 = arith.constant 1 : i32
        %get3A_560 = arith.constant 0 : i32
        %get3A_561 = tpu.memref_slice %arg6[%get3A_559, %get3A_560] : memref<3x8192xf32, #tpu.memory_space<vmem>> -> memref<1x8192xf32, #tpu.memory_space<vmem>>
        %get3A_562 = tpu.memref_squeeze %get3A_561 : memref<1x8192xf32, #tpu.memory_space<vmem>> -> memref<8192xf32, #tpu.memory_space<vmem>>
        %get3A_563 = arith.index_cast %mul3A_558 : i32 to index
        %get3A_564 = tpu.vector_load %get3A_562[%get3A_563] {strides = array<i32>} : memref<8192xf32, #tpu.memory_space<vmem>>, vector<16xf32>,
        %add3A_565 = arith.constant 1 : i32
        %add3A_566 = vector.broadcast %add3A_565 : i32 to vector<16xi32>
        %add3A_567 = arith.addi %shift_left3A_541, %add3A_566 : vector<16xi32>
        tpu.vector_store_idx %arg8[%shift_right_arithmetic3A_535, %add3A_567], %get3A_564 : memref<4096x8xf32, #tpu.memory_space<vmem>>[vector<16xi32>, vector<16xi32>], vector<16xf32>,
        %add3A_568 = arith.constant 1 : i32
        %add3A_569 = arith.addi %add3A_475, %add3A_568 : i32
        %mul3A_570 = arith.constant 16 : i32
        %mul3A_571 = arith.muli %add3A_569, %mul3A_570 : i32
        %get3A_572 = arith.constant 2 : i32
        %get3A_573 = arith.constant 0 : i32
        %get3A_574 = tpu.memref_slice %arg6[%get3A_572, %get3A_573] : memref<3x8192xf32, #tpu.memory_space<vmem>> -> memref<1x8192xf32, #tpu.memory_space<vmem>>
        %get3A_575 = tpu.memref_squeeze %get3A_574 : memref<1x8192xf32, #tpu.memory_space<vmem>> -> memref<8192xf32, #tpu.memory_space<vmem>>
        %get3A_576 = arith.index_cast %mul3A_571 : i32 to index
        %get3A_577 = tpu.vector_load %get3A_575[%get3A_576] {strides = array<i32>} : memref<8192xf32, #tpu.memory_space<vmem>>, vector<16xf32>,
        %add3A_578 = arith.constant 2 : i32
        %add3A_579 = vector.broadcast %add3A_578 : i32 to vector<16xi32>
        %add3A_580 = arith.addi %shift_left3A_541, %add3A_579 : vector<16xi32>
        tpu.vector_store_idx %arg8[%shift_right_arithmetic3A_535, %add3A_580], %get3A_577 : memref<4096x8xf32, #tpu.memory_space<vmem>>[vector<16xi32>, vector<16xi32>], vector<16xf32>,
        %add3A_581 = arith.constant 2 : i32
        %add3A_582 = arith.addi %add3A_475, %add3A_581 : i32
        %mul3A_583 = arith.constant 16 : i32
        %mul3A_584 = arith.muli %add3A_582, %mul3A_583 : i32
        %add3A_585 = vector.broadcast %mul3A_584 : i32 to vector<16xi32>
        %add3A_586 = arith.addi %add3A_585, %iota3A : vector<16xi32>
        %shift_right_arithmetic3A_587 = arith.constant 1 : i32
        %shift_right_arithmetic3A_588 = vector.broadcast %shift_right_arithmetic3A_587 : i32 to vector<16xi32>
        %shift_right_arithmetic3A_589 = arith.shrsi %add3A_586, %shift_right_arithmetic3A_588 : vector<16xi32>
        %and3A_590 = arith.constant 1 : i32
        %and3A_591 = vector.broadcast %and3A_590 : i32 to vector<16xi32>
        %and3A_592 = arith.andi %add3A_586, %and3A_591 : vector<16xi32>
        %shift_left3A_593 = arith.constant 2 : i32
        %shift_left3A_594 = vector.broadcast %shift_left3A_593 : i32 to vector<16xi32>
        %shift_left3A_595 = arith.shli %and3A_592, %shift_left3A_594 : vector<16xi32>
        %add3A_596 = arith.constant 2 : i32
        %add3A_597 = arith.addi %add3A_475, %add3A_596 : i32
        %mul3A_598 = arith.constant 16 : i32
        %mul3A_599 = arith.muli %add3A_597, %mul3A_598 : i32
        %get3A_600 = arith.constant 0 : i32
        %get3A_601 = arith.constant 0 : i32
        %get3A_602 = tpu.memref_slice %arg6[%get3A_600, %get3A_601] : memref<3x8192xf32, #tpu.memory_space<vmem>> -> memref<1x8192xf32, #tpu.memory_space<vmem>>
        %get3A_603 = tpu.memref_squeeze %get3A_602 : memref<1x8192xf32, #tpu.memory_space<vmem>> -> memref<8192xf32, #tpu.memory_space<vmem>>
        %get3A_604 = arith.index_cast %mul3A_599 : i32 to index
        %get3A_605 = tpu.vector_load %get3A_603[%get3A_604] {strides = array<i32>} : memref<8192xf32, #tpu.memory_space<vmem>>, vector<16xf32>,
        %add3A_606 = arith.constant 0 : i32
        %add3A_607 = vector.broadcast %add3A_606 : i32 to vector<16xi32>
        %add3A_608 = arith.addi %shift_left3A_595, %add3A_607 : vector<16xi32>
        tpu.vector_store_idx %arg8[%shift_right_arithmetic3A_589, %add3A_608], %get3A_605 : memref<4096x8xf32, #tpu.memory_space<vmem>>[vector<16xi32>, vector<16xi32>], vector<16xf32>,
        %add3A_609 = arith.constant 2 : i32
        %add3A_610 = arith.addi %add3A_475, %add3A_609 : i32
        %mul3A_611 = arith.constant 16 : i32
        %mul3A_612 = arith.muli %add3A_610, %mul3A_611 : i32
        %get3A_613 = arith.constant 1 : i32
        %get3A_614 = arith.constant 0 : i32
        %get3A_615 = tpu.memref_slice %arg6[%get3A_613, %get3A_614] : memref<3x8192xf32, #tpu.memory_space<vmem>> -> memref<1x8192xf32, #tpu.memory_space<vmem>>
        %get3A_616 = tpu.memref_squeeze %get3A_615 : memref<1x8192xf32, #tpu.memory_space<vmem>> -> memref<8192xf32, #tpu.memory_space<vmem>>
        %get3A_617 = arith.index_cast %mul3A_612 : i32 to index
        %get3A_618 = tpu.vector_load %get3A_616[%get3A_617] {strides = array<i32>} : memref<8192xf32, #tpu.memory_space<vmem>>, vector<16xf32>,
        %add3A_619 = arith.constant 1 : i32
        %add3A_620 = vector.broadcast %add3A_619 : i32 to vector<16xi32>
        %add3A_621 = arith.addi %shift_left3A_595, %add3A_620 : vector<16xi32>
        tpu.vector_store_idx %arg8[%shift_right_arithmetic3A_589, %add3A_621], %get3A_618 : memref<4096x8xf32, #tpu.memory_space<vmem>>[vector<16xi32>, vector<16xi32>], vector<16xf32>,
        %add3A_622 = arith.constant 2 : i32
        %add3A_623 = arith.addi %add3A_475, %add3A_622 : i32
        %mul3A_624 = arith.constant 16 : i32
        %mul3A_625 = arith.muli %add3A_623, %mul3A_624 : i32
        %get3A_626 = arith.constant 2 : i32
        %get3A_627 = arith.constant 0 : i32
        %get3A_628 = tpu.memref_slice %arg6[%get3A_626, %get3A_627] : memref<3x8192xf32, #tpu.memory_space<vmem>> -> memref<1x8192xf32, #tpu.memory_space<vmem>>
        %get3A_629 = tpu.memref_squeeze %get3A_628 : memref<1x8192xf32, #tpu.memory_space<vmem>> -> memref<8192xf32, #tpu.memory_space<vmem>>
        %get3A_630 = arith.index_cast %mul3A_625 : i32 to index
        %get3A_631 = tpu.vector_load %get3A_629[%get3A_630] {strides = array<i32>} : memref<8192xf32, #tpu.memory_space<vmem>>, vector<16xf32>,
        %add3A_632 = arith.constant 2 : i32
        %add3A_633 = vector.broadcast %add3A_632 : i32 to vector<16xi32>
        %add3A_634 = arith.addi %shift_left3A_595, %add3A_633 : vector<16xi32>
        tpu.vector_store_idx %arg8[%shift_right_arithmetic3A_589, %add3A_634], %get3A_631 : memref<4096x8xf32, #tpu.memory_space<vmem>>[vector<16xi32>, vector<16xi32>], vector<16xf32>,
        %add3A_635 = arith.constant 3 : i32
        %add3A_636 = arith.addi %add3A_475, %add3A_635 : i32
        %mul3A_637 = arith.constant 16 : i32
        %mul3A_638 = arith.muli %add3A_636, %mul3A_637 : i32
        %add3A_639 = vector.broadcast %mul3A_638 : i32 to vector<16xi32>
        %add3A_640 = arith.addi %add3A_639, %iota3A : vector<16xi32>
        %shift_right_arithmetic3A_641 = arith.constant 1 : i32
        %shift_right_arithmetic3A_642 = vector.broadcast %shift_right_arithmetic3A_641 : i32 to vector<16xi32>
        %shift_right_arithmetic3A_643 = arith.shrsi %add3A_640, %shift_right_arithmetic3A_642 : vector<16xi32>
        %and3A_644 = arith.constant 1 : i32
        %and3A_645 = vector.broadcast %and3A_644 : i32 to vector<16xi32>
        %and3A_646 = arith.andi %add3A_640, %and3A_645 : vector<16xi32>
        %shift_left3A_647 = arith.constant 2 : i32
        %shift_left3A_648 = vector.broadcast %shift_left3A_647 : i32 to vector<16xi32>
        %shift_left3A_649 = arith.shli %and3A_646, %shift_left3A_648 : vector<16xi32>
        %add3A_650 = arith.constant 3 : i32
        %add3A_651 = arith.addi %add3A_475, %add3A_650 : i32
        %mul3A_652 = arith.constant 16 : i32
        %mul3A_653 = arith.muli %add3A_651, %mul3A_652 : i32
        %get3A_654 = arith.constant 0 : i32
        %get3A_655 = arith.constant 0 : i32
        %get3A_656 = tpu.memref_slice %arg6[%get3A_654, %get3A_655] : memref<3x8192xf32, #tpu.memory_space<vmem>> -> memref<1x8192xf32, #tpu.memory_space<vmem>>
        %get3A_657 = tpu.memref_squeeze %get3A_656 : memref<1x8192xf32, #tpu.memory_space<vmem>> -> memref<8192xf32, #tpu.memory_space<vmem>>
        %get3A_658 = arith.index_cast %mul3A_653 : i32 to index
        %get3A_659 = tpu.vector_load %get3A_657[%get3A_658] {strides = array<i32>} : memref<8192xf32, #tpu.memory_space<vmem>>, vector<16xf32>,
        %add3A_660 = arith.constant 0 : i32
        %add3A_661 = vector.broadcast %add3A_660 : i32 to vector<16xi32>
        %add3A_662 = arith.addi %shift_left3A_649, %add3A_661 : vector<16xi32>
        tpu.vector_store_idx %arg8[%shift_right_arithmetic3A_643, %add3A_662], %get3A_659 : memref<4096x8xf32, #tpu.memory_space<vmem>>[vector<16xi32>, vector<16xi32>], vector<16xf32>,
        %add3A_663 = arith.constant 3 : i32
        %add3A_664 = arith.addi %add3A_475, %add3A_663 : i32
        %mul3A_665 = arith.constant 16 : i32
        %mul3A_666 = arith.muli %add3A_664, %mul3A_665 : i32
        %get3A_667 = arith.constant 1 : i32
        %get3A_668 = arith.constant 0 : i32
        %get3A_669 = tpu.memref_slice %arg6[%get3A_667, %get3A_668] : memref<3x8192xf32, #tpu.memory_space<vmem>> -> memref<1x8192xf32, #tpu.memory_space<vmem>>
        %get3A_670 = tpu.memref_squeeze %get3A_669 : memref<1x8192xf32, #tpu.memory_space<vmem>> -> memref<8192xf32, #tpu.memory_space<vmem>>
        %get3A_671 = arith.index_cast %mul3A_666 : i32 to index
        %get3A_672 = tpu.vector_load %get3A_670[%get3A_671] {strides = array<i32>} : memref<8192xf32, #tpu.memory_space<vmem>>, vector<16xf32>,
        %add3A_673 = arith.constant 1 : i32
        %add3A_674 = vector.broadcast %add3A_673 : i32 to vector<16xi32>
        %add3A_675 = arith.addi %shift_left3A_649, %add3A_674 : vector<16xi32>
        tpu.vector_store_idx %arg8[%shift_right_arithmetic3A_643, %add3A_675], %get3A_672 : memref<4096x8xf32, #tpu.memory_space<vmem>>[vector<16xi32>, vector<16xi32>], vector<16xf32>,
        %add3A_676 = arith.constant 3 : i32
        %add3A_677 = arith.addi %add3A_475, %add3A_676 : i32
        %mul3A_678 = arith.constant 16 : i32
        %mul3A_679 = arith.muli %add3A_677, %mul3A_678 : i32
        %get3A_680 = arith.constant 2 : i32
        %get3A_681 = arith.constant 0 : i32
        %get3A_682 = tpu.memref_slice %arg6[%get3A_680, %get3A_681] : memref<3x8192xf32, #tpu.memory_space<vmem>> -> memref<1x8192xf32, #tpu.memory_space<vmem>>
        %get3A_683 = tpu.memref_squeeze %get3A_682 : memref<1x8192xf32, #tpu.memory_space<vmem>> -> memref<8192xf32, #tpu.memory_space<vmem>>
        %get3A_684 = arith.index_cast %mul3A_679 : i32 to index
        %get3A_685 = tpu.vector_load %get3A_683[%get3A_684] {strides = array<i32>} : memref<8192xf32, #tpu.memory_space<vmem>>, vector<16xf32>,
        %add3A_686 = arith.constant 2 : i32
        %add3A_687 = vector.broadcast %add3A_686 : i32 to vector<16xi32>
        %add3A_688 = arith.addi %shift_left3A_649, %add3A_687 : vector<16xi32>
        tpu.vector_store_idx %arg8[%shift_right_arithmetic3A_643, %add3A_688], %get3A_685 : memref<4096x8xf32, #tpu.memory_space<vmem>>[vector<16xi32>, vector<16xi32>], vector<16xf32>,
      }
      %scan3A_428 = arith.constant 128 : i32
      %mul3A_429 = arith.constant 32768 : i32
      %mul3A_430 = arith.muli %add3A, %mul3A_429 : i32
      %add3A_431 = arith.constant 4194304 : i32
      %add3A_432 = arith.addi %add3A_431, %mul3A_430 : i32
      %mul3A_433 = arith.constant 8192 : i32
      %mul3A_434 = arith.muli %add3A_385, %mul3A_433 : i32
      %add3A_435 = arith.addi %add3A_432, %mul3A_434 : i32
      %jit3A_436 = arith.constant 2 : i32
      %div3A_437 = arith.divsi %add3A_435, %jit3A_436 : i32
      %sign3A_438 = arith.constant 0 : i32
      %sign3A_439 = arith.cmpi sgt, %add3A_435, %sign3A_438 : i32
      %sign3A_440 = arith.extui %sign3A_439 : i1 to i32
      %sign3A_441 = arith.constant 0 : i32
      %sign3A_442 = arith.cmpi slt, %add3A_435, %sign3A_441 : i32
      %sign3A_443 = arith.extui %sign3A_442 : i1 to i32
      %sign3A_444 = arith.subi %sign3A_440, %sign3A_443 : i32
      %sign3A_445 = arith.constant 0 : i32
      %sign3A_446 = arith.cmpi sgt, %jit3A_436, %sign3A_445 : i32
      %sign3A_447 = arith.extui %sign3A_446 : i1 to i32
      %sign3A_448 = arith.constant 0 : i32
      %sign3A_449 = arith.cmpi slt, %jit3A_436, %sign3A_448 : i32
      %sign3A_450 = arith.extui %sign3A_449 : i1 to i32
      %sign3A_451 = arith.subi %sign3A_447, %sign3A_450 : i32
      %ne3A_452 = arith.cmpi ne, %sign3A_444, %sign3A_451 : i32
      %rem3A_453 = arith.remsi %add3A_435, %jit3A_436 : i32
      %ne3A_454 = arith.constant 0 : i32
      %ne3A_455 = arith.cmpi ne, %rem3A_453, %ne3A_454 : i32
      %and3A_456 = arith.andi %ne3A_452, %ne3A_455 : i1
      %sub3A_457 = arith.constant 1 : i32
      %sub3A_458 = arith.subi %div3A_437, %sub3A_457 : i32
      %select_n3A_459 = arith.select %and3A_456, %sub3A_458, %div3A_437 : i32
      %dma_start3A_460 = arith.constant 0 : i32
      %dma_start3A_461 = tpu.memref_slice %arg4[%select_n3A_459, %dma_start3A_460] : memref<2621440x8xf32, #tpu.memory_space<hbm>> -> memref<4096x8xf32, #tpu.memory_space<hbm>>
      %dma_start3A_462 = arith.constant 0 : i32
      %dma_start3A_463 = tpu.memref_slice %arg4[%select_n3A_459, %dma_start3A_462] : memref<2621440x8xf32, #tpu.memory_space<hbm>> -> memref<4096x8xf32, #tpu.memory_space<hbm>>
      tpu.enqueue_dma source(%arg8 : memref<4096x8xf32, #tpu.memory_space<vmem>>) target(%dma_start3A_463 : memref<4096x8xf32, #tpu.memory_space<hbm>>) target_semaphore(%arg12 : memref<!tpu.dma_semaphore, #tpu.memory_space<semaphore_mem>>)
      %add3A_464 = arith.constant 2 : i32
      %add3A_465 = arith.addi %add3A_385, %add3A_464 : i32
      %lt3A_466 = arith.constant 4 : i32
      %lt3A_467 = arith.cmpi slt, %add3A_465, %lt3A_466 : i32
      %convert_element_type3A_468 = arith.extui %lt3A_467 : i1 to i32
      %cond3A_469 = arith.constant 0 : i32
      %cond3A_470 = arith.cmpi ne, %convert_element_type3A_468, %cond3A_469 : i32
      scf.if %cond3A_470 {
        %add3A_471 = arith.constant 2 : i32
        %add3A_472 = arith.addi %add3A_385, %add3A_471 : i32
        %add3A_473 = arith.constant 0 : i32
        %add3A_474 = arith.addi %mul3A_144, %add3A_473 : i32
        %mul3A_475 = arith.constant 8192 : i32
        %mul3A_476 = arith.muli %add3A_472, %mul3A_475 : i32
        %add3A_477 = arith.addi %add3A_474, %mul3A_476 : i32
        %dma_start3A_478 = arith.constant 0 : i32
        %dma_start3A_479 = arith.constant 0 : i32
        %dma_start3A_480 = tpu.memref_slice %arg6[%dma_start3A_478, %dma_start3A_479] : memref<3x8192xf32, #tpu.memory_space<vmem>> -> memref<1x8192xf32, #tpu.memory_space<vmem>>
        %dma_start3A_481 = tpu.memref_squeeze %dma_start3A_480 : memref<1x8192xf32, #tpu.memory_space<vmem>> -> memref<8192xf32, #tpu.memory_space<vmem>>
        %dma_start3A_482 = tpu.memref_slice %arg3[%add3A_477] : memref<3145728xf32, #tpu.memory_space<hbm>> -> memref<8192xf32, #tpu.memory_space<hbm>>
        %dma_start3A_483 = arith.constant 0 : i32
        %dma_start3A_484 = tpu.memref_slice %arg6[%dma_start3A_478, %dma_start3A_483] : memref<3x8192xf32, #tpu.memory_space<vmem>> -> memref<1x8192xf32, #tpu.memory_space<vmem>>
        %dma_start3A_485 = tpu.memref_squeeze %dma_start3A_484 : memref<1x8192xf32, #tpu.memory_space<vmem>> -> memref<8192xf32, #tpu.memory_space<vmem>>
        %dma_start3A_486 = tpu.memref_slice %arg3[%add3A_477] : memref<3145728xf32, #tpu.memory_space<hbm>> -> memref<8192xf32, #tpu.memory_space<hbm>>
        tpu.enqueue_dma source(%dma_start3A_486 : memref<8192xf32, #tpu.memory_space<hbm>>) target(%dma_start3A_485 : memref<8192xf32, #tpu.memory_space<vmem>>) target_semaphore(%arg10 : memref<!tpu.dma_semaphore, #tpu.memory_space<semaphore_mem>>)
        %add3A_487 = arith.constant 1048576 : i32
        %add3A_488 = arith.addi %mul3A_144, %add3A_487 : i32
        %mul3A_489 = arith.constant 8192 : i32
        %mul3A_490 = arith.muli %add3A_472, %mul3A_489 : i32
        %add3A_491 = arith.addi %add3A_488, %mul3A_490 : i32
        %dma_start3A_492 = arith.constant 1 : i32
        %dma_start3A_493 = arith.constant 0 : i32
        %dma_start3A_494 = tpu.memref_slice %arg6[%dma_start3A_492, %dma_start3A_493] : memref<3x8192xf32, #tpu.memory_space<vmem>> -> memref<1x8192xf32, #tpu.memory_space<vmem>>
        %dma_start3A_495 = tpu.memref_squeeze %dma_start3A_494 : memref<1x8192xf32, #tpu.memory_space<vmem>> -> memref<8192xf32, #tpu.memory_space<vmem>>
        %dma_start3A_496 = tpu.memref_slice %arg3[%add3A_491] : memref<3145728xf32, #tpu.memory_space<hbm>> -> memref<8192xf32, #tpu.memory_space<hbm>>
        %dma_start3A_497 = arith.constant 0 : i32
        %dma_start3A_498 = tpu.memref_slice %arg6[%dma_start3A_492, %dma_start3A_497] : memref<3x8192xf32, #tpu.memory_space<vmem>> -> memref<1x8192xf32, #tpu.memory_space<vmem>>
        %dma_start3A_499 = tpu.memref_squeeze %dma_start3A_498 : memref<1x8192xf32, #tpu.memory_space<vmem>> -> memref<8192xf32, #tpu.memory_space<vmem>>
        %dma_start3A_500 = tpu.memref_slice %arg3[%add3A_491] : memref<3145728xf32, #tpu.memory_space<hbm>> -> memref<8192xf32, #tpu.memory_space<hbm>>
        tpu.enqueue_dma source(%dma_start3A_500 : memref<8192xf32, #tpu.memory_space<hbm>>) target(%dma_start3A_499 : memref<8192xf32, #tpu.memory_space<vmem>>) target_semaphore(%arg10 : memref<!tpu.dma_semaphore, #tpu.memory_space<semaphore_mem>>)
        %add3A_501 = arith.constant 2097152 : i32
        %add3A_502 = arith.addi %mul3A_144, %add3A_501 : i32
        %mul3A_503 = arith.constant 8192 : i32
        %mul3A_504 = arith.muli %add3A_472, %mul3A_503 : i32
        %add3A_505 = arith.addi %add3A_502, %mul3A_504 : i32
        %dma_start3A_506 = arith.constant 2 : i32
        %dma_start3A_507 = arith.constant 0 : i32
        %dma_start3A_508 = tpu.memref_slice %arg6[%dma_start3A_506, %dma_start3A_507] : memref<3x8192xf32, #tpu.memory_space<vmem>> -> memref<1x8192xf32, #tpu.memory_space<vmem>>
        %dma_start3A_509 = tpu.memref_squeeze %dma_start3A_508 : memref<1x8192xf32, #tpu.memory_space<vmem>> -> memref<8192xf32, #tpu.memory_space<vmem>>
        %dma_start3A_510 = tpu.memref_slice %arg3[%add3A_505] : memref<3145728xf32, #tpu.memory_space<hbm>> -> memref<8192xf32, #tpu.memory_space<hbm>>
        %dma_start3A_511 = arith.constant 0 : i32
        %dma_start3A_512 = tpu.memref_slice %arg6[%dma_start3A_506, %dma_start3A_511] : memref<3x8192xf32, #tpu.memory_space<vmem>> -> memref<1x8192xf32, #tpu.memory_space<vmem>>
        %dma_start3A_513 = tpu.memref_squeeze %dma_start3A_512 : memref<1x8192xf32, #tpu.memory_space<vmem>> -> memref<8192xf32, #tpu.memory_space<vmem>>
        %dma_start3A_514 = tpu.memref_slice %arg3[%add3A_505] : memref<3145728xf32, #tpu.memory_space<hbm>> -> memref<8192xf32, #tpu.memory_space<hbm>>
        tpu.enqueue_dma source(%dma_start3A_514 : memref<8192xf32, #tpu.memory_space<hbm>>) target(%dma_start3A_513 : memref<8192xf32, #tpu.memory_space<vmem>>) target_semaphore(%arg10 : memref<!tpu.dma_semaphore, #tpu.memory_space<semaphore_mem>>)
      } else {
      }
    }
    %scan3A_227 = arith.constant 2 : i32
    %mul3A_228 = arith.constant 32768 : i32
    %mul3A_229 = arith.muli %add3A, %mul3A_228 : i32
    %add3A_230 = arith.constant 4194304 : i32
    %add3A_231 = arith.addi %add3A_230, %mul3A_229 : i32
    %add3A_232 = arith.constant 0 : i32
    %add3A_233 = arith.addi %add3A_231, %add3A_232 : i32
    %jit3A_234 = arith.constant 2 : i32
    %div3A_235 = arith.divsi %add3A_233, %jit3A_234 : i32
    %sign3A_236 = arith.constant 0 : i32
    %sign3A_237 = arith.cmpi sgt, %add3A_233, %sign3A_236 : i32
    %sign3A_238 = arith.extui %sign3A_237 : i1 to i32
    %sign3A_239 = arith.constant 0 : i32
    %sign3A_240 = arith.cmpi slt, %add3A_233, %sign3A_239 : i32
    %sign3A_241 = arith.extui %sign3A_240 : i1 to i32
    %sign3A_242 = arith.subi %sign3A_238, %sign3A_241 : i32
    %sign3A_243 = arith.constant 0 : i32
    %sign3A_244 = arith.cmpi sgt, %jit3A_234, %sign3A_243 : i32
    %sign3A_245 = arith.extui %sign3A_244 : i1 to i32
    %sign3A_246 = arith.constant 0 : i32
    %sign3A_247 = arith.cmpi slt, %jit3A_234, %sign3A_246 : i32
    %sign3A_248 = arith.extui %sign3A_247 : i1 to i32
    %sign3A_249 = arith.subi %sign3A_245, %sign3A_248 : i32
    %ne3A_250 = arith.cmpi ne, %sign3A_242, %sign3A_249 : i32
    %rem3A_251 = arith.remsi %add3A_233, %jit3A_234 : i32
    %ne3A_252 = arith.constant 0 : i32
    %ne3A_253 = arith.cmpi ne, %rem3A_251, %ne3A_252 : i32
    %and3A_254 = arith.andi %ne3A_250, %ne3A_253 : i1
    %sub3A_255 = arith.constant 1 : i32
    %sub3A_256 = arith.subi %div3A_235, %sub3A_255 : i32
    %select_n3A_257 = arith.select %and3A_254, %sub3A_256, %div3A_235 : i32
    %dma_wait3A_258 = arith.constant 0 : i32
    %dma_wait3A_259 = tpu.memref_slice %arg4[%select_n3A_257, %dma_wait3A_258] : memref<2621440x8xf32, #tpu.memory_space<hbm>> -> memref<4096x8xf32, #tpu.memory_space<hbm>>
    %dma_wait3A_260 = arith.constant 0 : i32
    %dma_wait3A_261 = tpu.memref_slice %arg4[%select_n3A_257, %dma_wait3A_260] : memref<2621440x8xf32, #tpu.memory_space<hbm>> -> memref<4096x8xf32, #tpu.memory_space<hbm>>
    tpu.wait_dma2 semaphore(%arg11 : memref<!tpu.dma_semaphore, #tpu.memory_space<semaphore_mem>>) src(%arg7 : memref<4096x8xf32, #tpu.memory_space<vmem>>) dst(%dma_wait3A_261 : memref<4096x8xf32, #tpu.memory_space<hbm>>)
    %mul3A_262 = arith.constant 32768 : i32
    %mul3A_263 = arith.muli %add3A, %mul3A_262 : i32
    %add3A_264 = arith.constant 4194304 : i32
    %add3A_265 = arith.addi %add3A_264, %mul3A_263 : i32
    %add3A_266 = arith.constant 0 : i32
    %add3A_267 = arith.addi %add3A_265, %add3A_266 : i32
    %jit3A_268 = arith.constant 2 : i32
    %div3A_269 = arith.divsi %add3A_267, %jit3A_268 : i32
    %sign3A_270 = arith.constant 0 : i32
    %sign3A_271 = arith.cmpi sgt, %add3A_267, %sign3A_270 : i32
    %sign3A_272 = arith.extui %sign3A_271 : i1 to i32
    %sign3A_273 = arith.constant 0 : i32
    %sign3A_274 = arith.cmpi slt, %add3A_267, %sign3A_273 : i32
    %sign3A_275 = arith.extui %sign3A_274 : i1 to i32
    %sign3A_276 = arith.subi %sign3A_272, %sign3A_275 : i32
    %sign3A_277 = arith.constant 0 : i32
    %sign3A_278 = arith.cmpi sgt, %jit3A_268, %sign3A_277 : i32
    %sign3A_279 = arith.extui %sign3A_278 : i1 to i32
    %sign3A_280 = arith.constant 0 : i32
    %sign3A_281 = arith.cmpi slt, %jit3A_268, %sign3A_280 : i32
    %sign3A_282 = arith.extui %sign3A_281 : i1 to i32
    %sign3A_283 = arith.subi %sign3A_279, %sign3A_282 : i32
    %ne3A_284 = arith.cmpi ne, %sign3A_276, %sign3A_283 : i32
    %rem3A_285 = arith.remsi %add3A_267, %jit3A_268 : i32
    %ne3A_286 = arith.constant 0 : i32
    %ne3A_287 = arith.cmpi ne, %rem3A_285, %ne3A_286 : i32
    %and3A_288 = arith.andi %ne3A_284, %ne3A_287 : i1
    %sub3A_289 = arith.constant 1 : i32
    %sub3A_290 = arith.subi %div3A_269, %sub3A_289 : i32
    %select_n3A_291 = arith.select %and3A_288, %sub3A_290, %div3A_269 : i32
    %dma_wait3A_292 = arith.constant 0 : i32
    %dma_wait3A_293 = tpu.memref_slice %arg4[%select_n3A_291, %dma_wait3A_292] : memref<2621440x8xf32, #tpu.memory_space<hbm>> -> memref<4096x8xf32, #tpu.memory_space<hbm>>
    %dma_wait3A_294 = arith.constant 0 : i32
    %dma_wait3A_295 = tpu.memref_slice %arg4[%select_n3A_291, %dma_wait3A_294] : memref<2621440x8xf32, #tpu.memory_space<hbm>> -> memref<4096x8xf32, #tpu.memory_space<hbm>>
    tpu.wait_dma2 semaphore(%arg12 : memref<!tpu.dma_semaphore, #tpu.memory_space<semaphore_mem>>) src(%arg8 : memref<4096x8xf32, #tpu.memory_space<vmem>>) dst(%dma_wait3A_295 : memref<4096x8xf32, #tpu.memory_space<hbm>>)
    return
  }
}

</mosaic_0001>

<sc_bundles>
// kernel: _sc_build_table.3.cloned.1.call-start
scs
__scs_entry_jumppad:
0x0: {  	(pc) =	sbr.rel $0x88, $3  }
0x1: {  	(tag) =	ssettag $0x0;
	lr =	simm.s32 $0x1  }
0x2: {  	[smem:$0x3F9F] =	sst lr;
	_ =	strace $0xD0000000  }
0x3: {  	_ = 	snop  }
0x4: {  	_ = 	snop  }
0x5: {  	_ = 	snop  }
0x6: {  	_ = 	snop  }
0x7: {  	_ = 	snop  }
__scs_overlays_trampoline_lowered:
0x8: {  	[smem:$0x3FAE] =	sst s0  }
0x9: {  	[smem:$0x3FAF] =	sst s1  }
0xa: {  	[smem:$0x3FB0] =	sst s2  }
0xb: {  	[smem:$0x3FB1] =	sst s3  }
0xc: {  	[smem:$0x3FB2] =	sst s4  }
0xd: {  	[smem:$0x3FB3] =	sst s5  }
0xe: {  	[smem:$0x3FB4] =	sst s6  }
0xf: {  	[smem:$0x3FB5] =	sst s7  }
0x10: {  	[smem:$0x3FB6] =	sst s8  }
0x11: {  	[smem:$0x3FB7] =	sst s9;
	s0 =	simm.s32 @!p0 $0x0  }
0x12: {  	s1 =	sld [smem:$0x3F9D];
	s0 =	simm.s32 @p0 $0x1  }
0x13: {  	[smem:$0x3FB8] =	sst s0;
	s0 =	simm.s32 @!p1 $0x0  }
0x14: {  	s2 =	sld [smem:$0x3F9C];
	s0 =	simm.s32 @p1 $0x1  }
0x15: {  	[smem:$0x3FB9] =	sst s0;
	s0 =	simm.s32 @!p2 $0x0  }
0x16: {  	s3 =	sld [smem:$0x3FDB];
	s0 =	simm.s32 @p2 $0x1  }
0x17: {  	s4 =	simm.s32 $0x1BF5;
	[smem:$0x3FBB] =	sst s0  }
0x18: {  	s0 =	sld [smem:$0x3F9E];
	_ =	swait.ge [sflag:s4], $0x0  }
0x19: {  	s7 =	sld [smem:$0x3F9F]  }
0x1a: {  	s8 =	sadd.s32 $0xFFFFE003, lr  }
0x1b: {  	s9 =	sadd.s32 $0xFFFFFEF7, lr;
	s5 =	simm.s32 $0xFFFFFFFF;
	p2 =	slt.u32 s8, $0xFFFFF086  }
0x1c: {  	p1 =	slt.u32 s9, $0xF7A;
	s5 =	simm.s32 @!p2 $0x0  }
0x1d: {  	s5 =	simm.s32 @p1 $0x1;
	p0 =	seq.s32 s7, s2  }
0x1e: {  	s7 =	smul.u32 @!p0 $0xF7A, s2;
	p2 =	seq.s32 @!p0 s5, $0x0  }
0x1f: {  	s9 =	smul.u32 $0xF7A, s1;
	s8 =	simm.s32 @!p0 $0x1BF5;
	p2 =	por !p2, p0  }
0x20: {  	[sflag:s8] =	ssyncset.s32 @!p0 $0xFFFFF086;
	s6 =	sadd.s32 @!p0 s3, s7;
	s7 =	simm.s32 @!p0 $0x108  }
0x21: {  	s3 =	sadd.s32 s3, s9;
	s6 =	sadd.s32 @!p0 $0x88, s6;
	s7 =	simm.s32 @p2 $0x1082  }
0x22: {  	[simem:s7], [sflag:s8] =	dma.local @!p0 [hbm:s6], $0xF7A  }
0x23: {  	s9 =	sor.u32 $0xD0000000, s2;
	s6 =	simm.s32 $0x108;
	_ =	swait.ge @!p0 [sflag:s8], $0x0  }
0x24: {  	s3 =	sadd.s32 $0x88, s3;
	s6 =	simm.s32 @!p1 $0x1082;
	[sflag:s4] =	ssyncset.s32 $0xFFFFF086  }
0x25: {  	[simem:s6], [sflag:s4] =	dma.local [hbm:s3], $0xF7A  }
0x26: {  	[smem:$0x3F9F] =	sst s1;
	(tag) =	ssettag s2;
	_ =	strace s9  }
0x27: {  	s1 =	sld [smem:$0x3FAF]  }
0x28: {  	s2 =	sld [smem:$0x3FB0]  }
0x29: {  	s4 =	sld [smem:$0x3FB2]  }
0x2a: {  	p0 =	seq.s32 s5, $0x0;
	s5 =	sld [smem:$0x3FB3]  }
0x2b: {  	s6 =	sld [smem:$0x3FB4]  }
0x2c: {  	s7 =	sld [smem:$0x3FB5]  }
0x2d: {  	s3 =	simm.s32 $0x108;
	s8 =	sld [smem:$0x3FB6]  }
0x2e: {  	s3 =	simm.s32 @!p0 $0x1082;
	s9 =	sld [smem:$0x3FB7]  }
0x2f: {  	lr =	sadd.s32 s0, s3;
	s0 =	sld [smem:$0x3FAE]  }
0x30: {  	s3 =	sld [smem:$0x3FB1]  }
0x31: {  	[smem:$0x3FBA] =	sst s10  }
0x32: {  	s10 =	sld [smem:$0x3FB8];
	_ =	sdelay $0x3  }
0x33: {  	p0 =	seq.s32 s10, $0x1;
	s10 =	sld [smem:$0x3FBA];
	_ =	sdelay $0x3  }
0x34: {  	[smem:$0x3FBA] =	sst s10  }
0x35: {  	s10 =	sld [smem:$0x3FB9];
	_ =	sdelay $0x3  }
0x36: {  	p1 =	seq.s32 s10, $0x1;
	s10 =	sld [smem:$0x3FBA];
	_ =	sdelay $0x3  }
0x37: {  	[smem:$0x3FBA] =	sst s10  }
0x38: {  	s10 =	sld [smem:$0x3FBB]  }
0x39: {  	_ = 	snop;
	(pc) =	sbr.ind lr, $3  }
0x3a: {  	_ = 	snop  }
0x3b: {  	_ = 	snop  }
0x3c: {  	p2 =	seq.s32 s10, $0x1;
	s10 =	sld [smem:$0x3FBA]  }
0x3d: {  	_ =	shalt  }
0x3e: {  	_ =	shalt  }
0x3f: {  	_ =	shalt  }
0x40: {  	_ =	shalt  }
0x41: {  	_ =	shalt  }
0x42: {  	_ =	shalt  }
0x43: {  	_ =	shalt  }
0x44: {  	_ =	shalt  }
0x45: {  	_ =	shalt  }
0x46: {  	_ =	shalt  }
0x47: {  	_ =	shalt  }
0x48: {  	_ =	shalt  }
0x49: {  	_ =	shalt  }
0x4a: {  	_ =	shalt  }
0x4b: {  	_ =	shalt  }
0x4c: {  	_ =	shalt  }
0x4d: {  	_ =	shalt  }
0x4e: {  	_ =	shalt  }
0x4f: {  	_ =	shalt  }
0x50: {  	_ =	shalt  }
0x51: {  	_ =	shalt  }
0x52: {  	_ =	shalt  }
0x53: {  	_ =	shalt  }
0x54: {  	_ =	shalt  }
0x55: {  	_ =	shalt  }
0x56: {  	_ =	shalt  }
0x57: {  	_ =	shalt  }
0x58: {  	_ =	shalt  }
0x59: {  	_ =	shalt  }
0x5a: {  	_ =	shalt  }
0x5b: {  	_ =	shalt  }
0x5c: {  	_ =	shalt  }
0x5d: {  	_ =	shalt  }
0x5e: {  	_ =	shalt  }
0x5f: {  	_ =	shalt  }
0x60: {  	_ =	shalt  }
0x61: {  	_ =	shalt  }
0x62: {  	_ =	shalt  }
0x63: {  	_ =	shalt  }
0x64: {  	_ =	shalt  }
0x65: {  	_ =	shalt  }
0x66: {  	_ =	shalt  }
0x67: {  	_ =	shalt  }
0x68: {  	_ =	shalt  }
0x69: {  	_ =	shalt  }
0x6a: {  	_ =	shalt  }
0x6b: {  	_ =	shalt  }
0x6c: {  	_ =	shalt  }
0x6d: {  	_ =	shalt  }
0x6e: {  	_ =	shalt  }
0x6f: {  	_ =	shalt  }
0x70: {  	_ =	shalt  }
0x71: {  	_ =	shalt  }
0x72: {  	_ =	shalt  }
0x73: {  	_ =	shalt  }
0x74: {  	_ =	shalt  }
0x75: {  	_ =	shalt  }
0x76: {  	_ =	shalt  }
0x77: {  	_ =	shalt  }
0x78: {  	_ =	shalt  }
0x79: {  	_ =	shalt  }
0x7a: {  	_ =	shalt  }
0x7b: {  	_ =	shalt  }
0x7c: {  	_ =	shalt  }
0x7d: {  	_ =	shalt  }
0x7e: {  	_ =	shalt  }
0x7f: {  	_ =	shalt  }
0x80: {  	_ =	shalt  }
0x81: {  	_ =	shalt  }
0x82: {  	_ =	shalt  }
0x83: {  	_ =	shalt  }
0x84: {  	_ =	shalt  }
0x85: {  	_ =	shalt  }
0x86: {  	_ =	shalt  }
0x87: {  	_ =	shalt  }
.Lfunc_end0:
.L_simem_size_0:
called_computation.1_lowered:
.L_overlay_start_0:
0x88: {  	s2 =	sld [smem:$0x3FD9]  }
0x89: {  	s3 =	sld [smem:$0x3FFE];
	_ =	sdelay $0x1  }
0x8a: {  	s1 =	srdreg.scid  }
0x8b: {  	s0 =	sand.u32 $0x1, s1  }
0x8c: {  	s18 =	sshll.u32 s0, $0xA;
	s2 =	sadd.s32 s3, s2  }
0x8d: {  	s2 =	sadd.s32 s2, s18  }
0x8e: {  	[smem:$0x3FC6] =	sst s2  }
0x8f: {  	_ = 	snop  }
0x90: {  	s2 =	sld [smem:$0x3FC9]  }
0x91: {  	s19 =	sld [smem:$0x3FC8]  }
0x92: {  	s4 =	sld [smem:$0x3FD0];
	(tm) =	ssettm $0x1  }
0x93: {  	s5 =	sld [smem:$0x3FFB];
	_ =	sdelay $0x3  }
0x94: {  	_ =	strace s5  }
0x95: {  	s5 =	sld [smem:$0x3FFC];
	_ =	sdelay $0x3  }
0x96: {  	_ =	strace s5  }
0x97: {  	s5 =	sld [smem:$0x3FFD];
	_ =	sdelay $0x3  }
0x98: {  	_ =	strace s5  }
0x99: {  	_ =	strace $0x8FFFFFFF  }
0x9a: {  	s20 =	sld [smem:$0x3FDB];
	_ =	sdelay $0x1  }
0x9b: {  	s6 =	simm.s32 $_scs_section_size  }
0x9c: {  	s7 =	simm.s32 $_size__tile_overlayer_lowered;
	s8 =	simm.s32 $_tile_overlayer_lowered  }
0x9d: {  	s23 =	simm.s32 $0x1BFF;
	s22 =	sshll.u32 s8, $0x1;
	s5 =	sadd.s32 s6, s20  }
0x9e: {  	s9 =	simm.s32 $0x0;
	s21 =	sshll.u32 s7, $0x1;
	s7 =	sadd.s32 s22, s5  }
0x9f: {  	[timem:s9], [sflag:s23] =	dma.local [hbm:s7], s21  }
0xa0: {  	_ =	swait.ge [sflag:s23], s21  }
0xa1: {  	s6 =	ssub.s32 $0x0, s21;
	[sflag:s23] =	ssyncset.done $0x0  }
0xa2: {  	[sflag:s23] =	ssyncadd.s32 s6;
	_ =	sdelay $0x1  }
0xa3: {  	s24 =	simm.s32 $0x1B8B  }
0xa4: {  	_ =	swait.ge [sflag:s24], $0x1  }
0xa5: {  	[sflag:s24] =	ssyncset.done $0x0  }
0xa6: {  	s25 =	simm.s32 $0x1B8E;
	[sflag:s24] =	ssyncadd.s32 $0xFFFFFFFF  }
0xa7: {  	s26 =	simm.s32 $execute0_lowered;
	[smem:$0x3FD2] =	sst s25  }
0xa8: {  	s6 =	sshll.u32 s26, $0x1;
	_ =	strace $0x80000046;
	[dreg:$0x1] =	wrdreg $0xFFFFFFFF  }
0xa9: {  	s28 =	simm.s32 $_size_execute0_lowered;
	s5 =	sadd.s32 s5, s6;
	[dreg:$0x0] =	wrdreg $0x0  }
0xaa: {  	s6 =	sshll.u32 s28, $0x1;
	[dreg:$0x2] =	wrdreg s5  }
0xab: {  	[dreg:$0x3] =	wrdreg s6  }
0xac: {  	[dreg:$0x4] =	wrdreg $0xC0  }
0xad: {  	_ =	task [dreg:s9], $0x5FFFF  }
0xae: {  	[dreg:$0x1] =	wrdreg $0xFFFFFFFF  }
0xaf: {  	[dreg:$0x0] =	wrdreg $0x60  }
0xb0: {  	[dreg:$0x2] =	wrdreg s2  }
0xb1: {  	[dreg:$0x3] =	wrdreg s19  }
0xb2: {  	[dreg:$0x4] =	wrdreg s4  }
0xb3: {  	[dreg:$0x5] =	wrdreg $0x9  }
0xb4: {  	_ =	task.clear_ibuf [dreg:s9], $0x6FFFF;
	_ =	strace $0x90000046  }
0xb5: {  	s29 =	simm.s32 $0x9;
	_ =	strace $0x80000048  }
0xb6: {  	_ =	swait.ge [sflag:s29], $0x1  }
0xb7: {  	[sflag:s29] =	ssyncadd.s32 $0xFFFFFFFF  }
0xb8: {  	_ =	strace $0x90000048  }
0xb9: {  	_ =	sfence  }
0xba: {  	s30 =	sld [smem:$0x0];
	_ =	sdelay $0x2  }
0xbb: {  	s31 =	sshll.u32 s1, $0xD;
	s1 =	sshrl.u32 s1, $0x2  }
0xbc: {  	s3 =	sand.u32 $0x4000, s31;
	s1 =	sadd.s32 s1, s30  }
0xbd: {  	s0 =	sor.u32 s3, s0;
	s1 =	sshll.u32 s1, $0x11  }
0xbe: {  	s0 =	sor.u32 s1, s0  }
0xbf: {  	s0 =	sadd.s32 $0x8F2B, s0  }
0xc0: {  	[sflag:s0] =	ssyncadd.remote.s32 $0x1  }
0xc1: {  	_ =	sfence.sel $0xFFFF  }
0xc2: {  	[dreg:$0x0] =	wrdreg $0xFFFFFFFF;
	(pc) =	sbr.abs _section_cstart, $3  }
0xc3: {  	[dreg:$0x1] =	wrdreg $0xFFFFFFFF  }
0xc4: {  	_ =	task.clear_ibuf [dreg:s9], $0x2FFFF;
	_ =	strace $0x9FFFFFFF  }
0xc5: {  	(tm) =	ssettm $0x7FFFFFFF  }
tec
execute0_lowered:
.L_overlay_start_1:
0x0: {  	(tag) =	ssettag $0x1  }
0x1: {  	s1 =	rddreg [dreg:$0x0]  }
0x2: {  	s0 =	rddreg [dreg:$0x1]  }
0x3: {  	s3 =	rddreg [dreg:$0x2]  }
0x4: {  	s2 =	srdreg.scid;
	s5 =	stileid.u32;
	s4 =	simm.s32 $0x0  }
0x5: {  	s14 =	simm.s32 $0xC000;
	s2 =	sand.u32 $0x1, s2;
	s5 =	sshll.u32 s5, $0x1  }
0x6: {  	[smem:$0x7FF] =	sst s4;
	s22 =	sadd.s32 $0x400, s0;
	s23 =	sadd.s32 $0x20400, s0  }
0x7: {  	s24 =	sadd.s32 $0x40400, s0;
	_ =	strace $0x80000047;
	[dreg:$0xc] =	wrdreg s22  }
0x8: {  	s6 =	ssub.s32 $0x2, s2;
	s2 =	sor.u32 s2, s5;
	[dreg:$0xd] =	wrdreg s23  }
0x9: {  	[dreg:$0xe] =	wrdreg s24;
	s22 =	sadd.s32 $0xC00, s0;
	s23 =	sadd.s32 $0x20C00, s0  }
0xa: {  	s24 =	sadd.s32 $0x40C00, s0;
	s7 =	sshrl.u32 s6, $0x1;
	s5 =	sshll.u32 s2, $0x11  }
0xb: {  	s9 =	sshll.u32 s2, $0xE;
	s13 =	sshll.u32 s2, $0xC;
	s2 =	sshll.u32 s2, $0x10  }
0xc: {  	s8 =	ssub.s32 s6, s7;
	s6 =	sor.u32 $0x400000, s5;
	s7 =	sor.u32 $0x800000, s5  }
0xd: {  	s12 =	sadd.s32 s1, s9;
	s20 =	sadd.s32 s0, s13;
	s28 =	sor.u32 $0x1000000, s5  }
0xe: {  	s0 =	simm.s32 $0x2;
	s10 =	sshrl.u32 s6, $0x3;
	[dreg:$0x4] =	wrdreg s12  }
0xf: {  	s11 =	sshrl.u32 s7, $0x3;
	s17 =	sadd.s32 $0x400, s12;
	[dreg:$0xa] =	wrdreg s20  }
0x10: {  	s18 =	sadd.s32 $0x80400, s12;
	s19 =	sadd.s32 $0x100400, s12;
	[dreg:$0x7] =	wrdreg s17  }
0x11: {  	s21 =	sadd.s32 $0x20000, s20;
	s25 =	smax.u32 s8, $0x1;
	[dreg:$0x8] =	wrdreg s18  }
0x12: {  	s26 =	sadd.s32 $0x40000, s20;
	s29 =	sadd.s32 $0x800, s20;
	[dreg:$0x9] =	wrdreg s19  }
0x13: {  	s30 =	sadd.s32 $0x20800, s20;
	s31 =	sadd.s32 $0x40800, s20;
	[dreg:$0xb] =	wrdreg s21  }
0x14: {  	v1 =	vlaneseq.u32;
	s12 =	simm.s32 $0x1;
	s10 =	sadd.s32 s1, s10;
	[dreg:$0xf] =	wrdreg s25  }
0x15: {  	v0 =	vand.u32 $0x1, v1;
	s16 =	sadd.s32 s1, s11;
	s21 =	sor.u32 $0x201000, s9;
	[dreg:$0x10] =	wrdreg s26  }
0x16: {  	v0 =	vmul.u32 $0x4, v0;
	s25 =	simm.s32 $0x2000;
	s9 =	simm.s32 $0x6000;
	[dreg:$0x5] =	wrdreg s10  }
0x17: {  	s11 =	simm.s32 $0xA000;
	s26 =	simm.s32 $0x0;
	[dreg:$0x6] =	wrdreg s16  }
0x18: {  	v1 =	vmul.u32 $0x4, v1;
	v2 =	vor.u32 $0x1, v0;
	v3 =	vor.u32 $0x2, v0;
	s16 =	sadd.s32 s3, s2;
	s10 =	simm.s32 $0x8000;
	s2 =	simm.s32 $0x14000  }
.LBB2_1:
0x19: {  	s8 =	rddreg [dreg:$0x4]  }
0x1a: {  	[tilespmem:s4], [sflag:$0x1] =	stream.linear.gather [hbm4b:s8+s4], $0x2000, $0x38;
	[tilespmem:$0x1C000] =	vst v63  }
0x1b: {  	s17 =	rddreg [dreg:$0x5]  }
0x1c: {  	[tilespmem:s25], [sflag:$0x1] =	stream.linear.gather [hbm4b:s17+s4], $0x2000, $0x38;
	[tilespmem:$0x1C000] =	vst v63  }
0x1d: {  	s18 =	rddreg [dreg:$0x6];
	s15 =	simm.s32 $0x4000  }
0x1e: {  	[tilespmem:s15], [sflag:$0x1] =	stream.linear.gather [hbm4b:s18+s4], $0x2000, $0x38;
	[tilespmem:$0x1C000] =	vst v63  }
0x1f: {  	s19 =	rddreg [dreg:$0x7]  }
0x20: {  	[tilespmem:s9], [sflag:$0x2] =	stream.linear.gather [hbm4b:s19+s4], $0x2000, $0x38;
	[tilespmem:$0x1C000] =	vst v63  }
0x21: {  	s20 =	rddreg [dreg:$0x8]  }
0x22: {  	[tilespmem:s10], [sflag:$0x2] =	stream.linear.gather [hbm4b:s20+s4], $0x2000, $0x38;
	[tilespmem:$0x1C000] =	vst v63  }
0x23: {  	s25 =	rddreg [dreg:$0x9];
	s18 =	simm.s32 $0x0  }
0x24: {  	[tilespmem:s11], [sflag:$0x2] =	stream.linear.gather [hbm4b:s25+s4], $0x2000, $0x38;
	[tilespmem:$0x1C000] =	vst v63  }
.LBB2_2:
0x25: {  	_ =	swait.ge [sflag:s12], $0x2000  }
0x26: {  	[sflag:s12] =	ssyncset.done $0x0  }
0x27: {  	[sflag:s12] =	ssyncadd.s32 $0xFFFFE000  }
0x28: {  	_ =	swait.ge [sflag:s12], $0x2000  }
0x29: {  	[sflag:s12] =	ssyncset.done $0x0  }
0x2a: {  	[sflag:s12] =	ssyncadd.s32 $0xFFFFE000  }
0x2b: {  	_ =	swait.ge [sflag:s12], $0x2000  }
0x2c: {  	p0 =	seq.s32 s18, $0x0;
	s8 =	simm.s32 $0x0;
	[sflag:s12] =	ssyncset.done $0x0  }
0x2d: {  	s15 =	simm.s32 @!p0 $0x3;
	v4 =	vmov s8;
	[sflag:s12] =	ssyncadd.s32 $0xFFFFE000  }
0x2e: {  	v4 =	vshll.u32 v4, $0x2;
	_ =	swait.ge @!p0 [sflag:s15], $0x8000  }
0x2f: {  	v4 =	vor.u32 v1, v4;
	[sflag:s15] =	ssyncset.done @!p0 $0x0  }
0x30: {  	s17 =	simm.s32 $0x0;
	v4 =	vand.u32 $0x7F38, v4;
	[sflag:s15] =	ssyncadd.s32 @!p0 $0xFFFF8000  }
0x31: {  	v6 =	vor.u32 v0, v4;
	v5 =	vld [tilespmem:s17+$0x0];
	_ =	sdelay $0x4  }
0x32: {  	[tilespmem:v6+s14+$0x0] =	vst.idx.msk $0xffff, v5  }
0x33: {  	v6 =	vor.u32 v2, v4;
	v5 =	vld [tilespmem:s17+$0x2000];
	_ =	sdelay $0x4  }
0x34: {  	[tilespmem:v6+s14+$0x0] =	vst.idx.msk $0xffff, v5  }
0x35: {  	v4 =	vor.u32 v3, v4;
	v5 =	vld [tilespmem:s17+$0x4000]  }
0x36: {  	s19 =	simm.s32 $0x10  }
0x37: {  	v6 =	vmov s19  }
0x38: {  	v6 =	vshll.u32 v6, $0x2  }
0x39: {  	v6 =	vor.u32 v1, v6  }
0x3a: {  	[tilespmem:v4+s14+$0x0] =	vst.idx.msk $0xffff, v5;
	v4 =	vand.u32 $0x7FFFFF78, v6  }
0x3b: {  	v5 =	vld [tilespmem:s17+$0x10];
	v6 =	vor.u32 v0, v4;
	_ =	sdelay $0x4  }
0x3c: {  	[tilespmem:v6+s14+$0x0] =	vst.idx.msk $0xffff, v5  }
0x3d: {  	v6 =	vor.u32 v2, v4;
	v5 =	vld [tilespmem:s17+$0x2010];
	_ =	sdelay $0x4  }
0x3e: {  	[tilespmem:v6+s14+$0x0] =	vst.idx.msk $0xffff, v5  }
0x3f: {  	v4 =	vor.u32 v3, v4;
	v5 =	vld [tilespmem:s17+$0x4010]  }
0x40: {  	s20 =	simm.s32 $0x20  }
0x41: {  	v6 =	vmov s20  }
0x42: {  	v6 =	vshll.u32 v6, $0x2  }
0x43: {  	v6 =	vor.u32 v1, v6  }
0x44: {  	[tilespmem:v4+s14+$0x0] =	vst.idx.msk $0xffff, v5;
	v4 =	vand.u32 $0x7FFFFFB8, v6  }
0x45: {  	v5 =	vld [tilespmem:s17+$0x20];
	v6 =	vor.u32 v0, v4;
	_ =	sdelay $0x4  }
0x46: {  	[tilespmem:v6+s14+$0x0] =	vst.idx.msk $0xffff, v5  }
0x47: {  	v6 =	vor.u32 v2, v4;
	v5 =	vld [tilespmem:s17+$0x2020];
	_ =	sdelay $0x4  }
0x48: {  	[tilespmem:v6+s14+$0x0] =	vst.idx.msk $0xffff, v5  }
0x49: {  	v4 =	vor.u32 v3, v4;
	v5 =	vld [tilespmem:s17+$0x4020]  }
0x4a: {  	s25 =	simm.s32 $0x30  }
0x4b: {  	v6 =	vmov s25  }
0x4c: {  	v6 =	vshll.u32 v6, $0x2  }
0x4d: {  	v6 =	vor.u32 v1, v6  }
0x4e: {  	[tilespmem:v4+s14+$0x0] =	vst.idx.msk $0xffff, v5;
	v5 =	vand.u32 $0x7FFFFFF8, v6  }
0x4f: {  	v4 =	vld [tilespmem:s17+$0x30];
	v6 =	vor.u32 v0, v5;
	_ =	sdelay $0x4  }
0x50: {  	[tilespmem:v6+s14+$0x0] =	vst.idx.msk $0xffff, v4  }
0x51: {  	v6 =	vor.u32 v2, v5;
	v4 =	vld [tilespmem:s17+$0x2030];
	_ =	sdelay $0x4  }
0x52: {  	[tilespmem:v6+s14+$0x0] =	vst.idx.msk $0xffff, v4  }
0x53: {  	s8 =	simm.s32 $0x100;
	s15 =	simm.s32 $0x200;
	v5 =	vor.u32 v3, v5;
	v4 =	vld [tilespmem:s17+$0x4030]  }
0x54: {  	s19 =	sshll.u32 s18, $0xE;
	s20 =	simm.s32 $0x70;
	s17 =	simm.s32 $0x40  }
.LBB2_3:
0x55: {  	p1 =	sne.s32 s15, $0x7F00;
	v6 =	vmov s17  }
0x56: {  	v6 =	vshll.u32 v6, $0x2  }
0x57: {  	v6 =	vor.u32 v1, v6  }
0x58: {  	s17 =	sshra.s32 s8, $0x2;
	s8 =	smov.u32 s15;
	v6 =	vand.u32 $0x7F38, v6;
	[tilespmem:v5+s14+$0x0] =	vst.idx.msk $0xffff, v4  }
0x59: {  	v4 =	vld [tilespmem:s17+$0x0];
	v5 =	vor.u32 v0, v6;
	_ =	sdelay $0x4  }
0x5a: {  	[tilespmem:v5+s14+$0x0] =	vst.idx.msk $0xffff, v4  }
0x5b: {  	v5 =	vor.u32 v2, v6;
	v4 =	vld [tilespmem:s17+$0x2000];
	_ =	sdelay $0x4  }
0x5c: {  	[tilespmem:v5+s14+$0x0] =	vst.idx.msk $0xffff, v4  }
0x5d: {  	v5 =	vor.u32 v3, v6;
	v4 =	vld [tilespmem:s17+$0x4000]  }
0x5e: {  	s25 =	sadd.s32 $0xFFFFFFE0, s20  }
0x5f: {  	v6 =	vmov s25  }
0x60: {  	v6 =	vshll.u32 v6, $0x2  }
0x61: {  	v6 =	vor.u32 v1, v6  }
0x62: {  	[tilespmem:v5+s14+$0x0] =	vst.idx.msk $0xffff, v4;
	v4 =	vand.u32 $0x7FFFFF78, v6  }
0x63: {  	v5 =	vld [tilespmem:s17+$0x10];
	v6 =	vor.u32 v0, v4;
	_ =	sdelay $0x4  }
0x64: {  	[tilespmem:v6+s14+$0x0] =	vst.idx.msk $0xffff, v5  }
0x65: {  	v6 =	vor.u32 v2, v4;
	v5 =	vld [tilespmem:s17+$0x2010];
	_ =	sdelay $0x4  }
0x66: {  	[tilespmem:v6+s14+$0x0] =	vst.idx.msk $0xffff, v5  }
0x67: {  	v4 =	vor.u32 v3, v4;
	v5 =	vld [tilespmem:s17+$0x4010]  }
0x68: {  	s25 =	sadd.s32 $0xFFFFFFF0, s20  }
0x69: {  	v6 =	vmov s25  }
0x6a: {  	v6 =	vshll.u32 v6, $0x2  }
0x6b: {  	v6 =	vor.u32 v1, v6  }
0x6c: {  	[tilespmem:v4+s14+$0x0] =	vst.idx.msk $0xffff, v5;
	v4 =	vand.u32 $0x7FFFFFB8, v6  }
0x6d: {  	v5 =	vld [tilespmem:s17+$0x20];
	v6 =	vor.u32 v0, v4;
	_ =	sdelay $0x4  }
0x6e: {  	[tilespmem:v6+s14+$0x0] =	vst.idx.msk $0xffff, v5  }
0x6f: {  	v6 =	vor.u32 v2, v4;
	v5 =	vld [tilespmem:s17+$0x2020];
	_ =	sdelay $0x4  }
0x70: {  	[tilespmem:v6+s14+$0x0] =	vst.idx.msk $0xffff, v5  }
0x71: {  	v4 =	vor.u32 v3, v4;
	v5 =	vld [tilespmem:s17+$0x4020];
	_ =	sdelay $0x1  }
0x72: {  	v6 =	vmov s20  }
0x73: {  	v6 =	vshll.u32 v6, $0x2  }
0x74: {  	v6 =	vor.u32 v1, v6  }
0x75: {  	[tilespmem:v4+s14+$0x0] =	vst.idx.msk $0xffff, v5;
	v5 =	vand.u32 $0x7FFFFFF8, v6  }
0x76: {  	v4 =	vld [tilespmem:s17+$0x30];
	v6 =	vor.u32 v0, v5;
	_ =	sdelay $0x4  }
0x77: {  	[tilespmem:v6+s14+$0x0] =	vst.idx.msk $0xffff, v4  }
0x78: {  	v6 =	vor.u32 v2, v5;
	v4 =	vld [tilespmem:s17+$0x2030];
	_ =	sdelay $0x2  }
.Ltmp0:
0x79: {  	(pc) =	sbr.rel @p1 .LBB2_3-.Ltmp0, $4  }
0x7a: {  	_ = 	snop  }
0x7b: {  	[tilespmem:v6+s14+$0x0] =	vst.idx.msk $0xffff, v4  }
0x7c: {  	s20 =	sadd.s32 $0x40, s20;
	v5 =	vor.u32 v3, v5;
	v4 =	vld [tilespmem:s17+$0x4030]  }
0x7d: {  	s15 =	sadd.s32 $0x100, s15;
	s17 =	sadd.s32 $0xFFFFFFD0, s20  }
0x7e: {  	_ = 	snop  }
0x7f: {  	v6 =	vmov s17  }
0x80: {  	v6 =	vshll.u32 v6, $0x2  }
0x81: {  	v6 =	vor.u32 v1, v6  }
0x82: {  	s8 =	sshra.s32 s8, $0x2;
	v6 =	vand.u32 $0x7F38, v6;
	[tilespmem:v5+s14+$0x0] =	vst.idx.msk $0xffff, v4  }
0x83: {  	v4 =	vld [tilespmem:s8+$0x0];
	v5 =	vor.u32 v0, v6;
	_ =	sdelay $0x4  }
0x84: {  	[tilespmem:v5+s14+$0x0] =	vst.idx.msk $0xffff, v4  }
0x85: {  	v5 =	vor.u32 v2, v6;
	v4 =	vld [tilespmem:s8+$0x2000];
	_ =	sdelay $0x4  }
0x86: {  	[tilespmem:v5+s14+$0x0] =	vst.idx.msk $0xffff, v4  }
0x87: {  	v5 =	vor.u32 v3, v6;
	v4 =	vld [tilespmem:s8+$0x4000]  }
0x88: {  	s15 =	sadd.s32 $0xFFFFFFE0, s20  }
0x89: {  	v6 =	vmov s15  }
0x8a: {  	v6 =	vshll.u32 v6, $0x2  }
0x8b: {  	v6 =	vor.u32 v1, v6  }
0x8c: {  	[tilespmem:v5+s14+$0x0] =	vst.idx.msk $0xffff, v4;
	v4 =	vand.u32 $0x7FFFFF78, v6  }
0x8d: {  	v5 =	vld [tilespmem:s8+$0x10];
	v6 =	vor.u32 v0, v4;
	_ =	sdelay $0x4  }
0x8e: {  	[tilespmem:v6+s14+$0x0] =	vst.idx.msk $0xffff, v5  }
0x8f: {  	v6 =	vor.u32 v2, v4;
	v5 =	vld [tilespmem:s8+$0x2010];
	_ =	sdelay $0x4  }
0x90: {  	[tilespmem:v6+s14+$0x0] =	vst.idx.msk $0xffff, v5  }
0x91: {  	v4 =	vor.u32 v3, v4;
	v5 =	vld [tilespmem:s8+$0x4010]  }
0x92: {  	s17 =	sadd.s32 $0xFFFFFFF0, s20  }
0x93: {  	v6 =	vmov s17  }
0x94: {  	v6 =	vshll.u32 v6, $0x2  }
0x95: {  	v6 =	vor.u32 v1, v6  }
0x96: {  	[tilespmem:v4+s14+$0x0] =	vst.idx.msk $0xffff, v5;
	v4 =	vand.u32 $0x7FFFFFB8, v6  }
0x97: {  	v5 =	vld [tilespmem:s8+$0x20];
	v6 =	vor.u32 v0, v4;
	_ =	sdelay $0x4  }
0x98: {  	[tilespmem:v6+s14+$0x0] =	vst.idx.msk $0xffff, v5  }
0x99: {  	v6 =	vor.u32 v2, v4;
	v5 =	vld [tilespmem:s8+$0x2020];
	_ =	sdelay $0x4  }
0x9a: {  	[tilespmem:v6+s14+$0x0] =	vst.idx.msk $0xffff, v5  }
0x9b: {  	v4 =	vor.u32 v3, v4;
	v5 =	vld [tilespmem:s8+$0x4020];
	_ =	sdelay $0x1  }
0x9c: {  	v6 =	vmov s20  }
0x9d: {  	v6 =	vshll.u32 v6, $0x2  }
0x9e: {  	v6 =	vor.u32 v1, v6  }
0x9f: {  	[tilespmem:v4+s14+$0x0] =	vst.idx.msk $0xffff, v5;
	v4 =	vand.u32 $0x7FFFFFF8, v6  }
0xa0: {  	v5 =	vld [tilespmem:s8+$0x30];
	v6 =	vor.u32 v0, v4;
	_ =	sdelay $0x4  }
0xa1: {  	[tilespmem:v6+s14+$0x0] =	vst.idx.msk $0xffff, v5  }
0xa2: {  	v6 =	vor.u32 v2, v4;
	v5 =	vld [tilespmem:s8+$0x2030];
	_ =	sdelay $0x4  }
0xa3: {  	[tilespmem:v6+s14+$0x0] =	vst.idx.msk $0xffff, v5  }
0xa4: {  	v4 =	vor.u32 v3, v4;
	v5 =	vld [tilespmem:s8+$0x4030];
	_ =	sdelay $0x3  }
0xa5: {  	s20 =	sshll.u32 s18, $0xD  }
0xa6: {  	p1 =	seq.s32 s18, $0x7;
	s8 =	sadd.s32 s20, s16;
	[tilespmem:v4+s14+$0x0] =	vst.idx.msk $0xffff, v5  }
0xa7: {  	[hbm4b:s8+s4] =	stream.linear.scatter [tilespmem:s14], [sflag:$0x3], $0x8000, $0x38;
	[tilespmem:$0x1C000] =	vst v63  }
0xa8: {  	s8 =	sadd.s32 @!p1 $0x4000, s19  }
0xa9: {  	s15 =	sadd.s32 @!p1 s5, s8  }
0xaa: {  	s15 =	sshrl.u32 @!p1 s15, $0x3  }
0xab: {  	s17 =	simm.s32 @!p1 $0x0;
	s15 =	sadd.s32 @!p1 s1, s15  }
0xac: {  	[tilespmem:s17], [sflag:$0x1] =	stream.linear.gather @!p1 [hbm4b:s15+s17], $0x2000, $0x38;
	[tilespmem:$0x1C000] =	vst v63  }
0xad: {  	s15 =	sadd.s32 @!p1 s6, s8  }
0xae: {  	s8 =	sadd.s32 @!p1 s7, s8;
	s15 =	sshrl.u32 @!p1 s15, $0x3  }
0xaf: {  	s20 =	simm.s32 @!p1 $0x2000;
	s8 =	sshrl.u32 @!p1 s8, $0x3;
	s15 =	sadd.s32 @!p1 s1, s15  }
0xb0: {  	[tilespmem:s20], [sflag:$0x1] =	stream.linear.gather @!p1 [hbm4b:s15+s17], $0x2000, $0x38;
	[tilespmem:$0x1C000] =	vst v63  }
0xb1: {  	s8 =	sadd.s32 @!p1 s1, s8;
	s15 =	simm.s32 @!p1 $0x4000  }
0xb2: {  	[tilespmem:s15], [sflag:$0x1] =	stream.linear.gather @!p1 [hbm4b:s8+s17], $0x2000, $0x38;
	[tilespmem:$0x1C000] =	vst v63  }
0xb3: {  	_ =	swait.ge [sflag:s0], $0x2000  }
0xb4: {  	[sflag:s0] =	ssyncset.done $0x0  }
0xb5: {  	[sflag:s0] =	ssyncadd.s32 $0xFFFFE000  }
0xb6: {  	_ =	swait.ge [sflag:s0], $0x2000  }
0xb7: {  	[sflag:s0] =	ssyncset.done $0x0  }
0xb8: {  	[sflag:s0] =	ssyncadd.s32 $0xFFFFE000  }
0xb9: {  	_ =	swait.ge [sflag:s0], $0x2000  }
0xba: {  	s25 =	simm.s32 $0x0;
	[sflag:s0] =	ssyncset.done $0x0  }
0xbb: {  	v4 =	vmov s25;
	s15 =	simm.s32 @!p0 $0x4;
	[sflag:s0] =	ssyncadd.s32 $0xFFFFE000  }
0xbc: {  	v4 =	vshll.u32 v4, $0x2;
	_ =	swait.ge @!p0 [sflag:s15], $0x8000  }
0xbd: {  	v4 =	vor.u32 v1, v4;
	[sflag:s15] =	ssyncset.done @!p0 $0x0  }
0xbe: {  	v4 =	vand.u32 $0x7F38, v4;
	[sflag:s15] =	ssyncadd.s32 @!p0 $0xFFFF8000;
	s15 =	simm.s32 $0x0  }
0xbf: {  	v6 =	vor.u32 v0, v4;
	v5 =	vld [tilespmem:s15+$0x6000];
	_ =	sdelay $0x4  }
0xc0: {  	[tilespmem:v6+s2+$0x0] =	vst.idx.msk $0xffff, v5  }
0xc1: {  	v6 =	vor.u32 v2, v4;
	v5 =	vld [tilespmem:s15+$0x8000];
	_ =	sdelay $0x4  }
0xc2: {  	[tilespmem:v6+s2+$0x0] =	vst.idx.msk $0xffff, v5  }
0xc3: {  	v4 =	vor.u32 v3, v4;
	v5 =	vld [tilespmem:s15+$0xA000]  }
0xc4: {  	s17 =	simm.s32 $0x10  }
0xc5: {  	v6 =	vmov s17  }
0xc6: {  	v6 =	vshll.u32 v6, $0x2  }
0xc7: {  	v6 =	vor.u32 v1, v6  }
0xc8: {  	[tilespmem:v4+s2+$0x0] =	vst.idx.msk $0xffff, v5;
	v4 =	vand.u32 $0x7FFFFF78, v6  }
0xc9: {  	v5 =	vld [tilespmem:s15+$0x6010];
	v6 =	vor.u32 v0, v4;
	_ =	sdelay $0x4  }
0xca: {  	[tilespmem:v6+s2+$0x0] =	vst.idx.msk $0xffff, v5  }
0xcb: {  	v6 =	vor.u32 v2, v4;
	v5 =	vld [tilespmem:s15+$0x8010];
	_ =	sdelay $0x4  }
0xcc: {  	[tilespmem:v6+s2+$0x0] =	vst.idx.msk $0xffff, v5  }
0xcd: {  	v4 =	vor.u32 v3, v4;
	v5 =	vld [tilespmem:s15+$0xA010]  }
0xce: {  	s20 =	simm.s32 $0x20  }
0xcf: {  	v6 =	vmov s20  }
0xd0: {  	v6 =	vshll.u32 v6, $0x2  }
0xd1: {  	v6 =	vor.u32 v1, v6  }
0xd2: {  	[tilespmem:v4+s2+$0x0] =	vst.idx.msk $0xffff, v5;
	v4 =	vand.u32 $0x7FFFFFB8, v6  }
0xd3: {  	v5 =	vld [tilespmem:s15+$0x6020];
	v6 =	vor.u32 v0, v4;
	_ =	sdelay $0x4  }
0xd4: {  	[tilespmem:v6+s2+$0x0] =	vst.idx.msk $0xffff, v5  }
0xd5: {  	v6 =	vor.u32 v2, v4;
	v5 =	vld [tilespmem:s15+$0x8020];
	_ =	sdelay $0x4  }
0xd6: {  	[tilespmem:v6+s2+$0x0] =	vst.idx.msk $0xffff, v5  }
0xd7: {  	v4 =	vor.u32 v3, v4;
	v5 =	vld [tilespmem:s15+$0xA020]  }
0xd8: {  	s25 =	simm.s32 $0x30  }
0xd9: {  	v6 =	vmov s25  }
0xda: {  	v6 =	vshll.u32 v6, $0x2  }
0xdb: {  	v6 =	vor.u32 v1, v6  }
0xdc: {  	[tilespmem:v4+s2+$0x0] =	vst.idx.msk $0xffff, v5;
	v5 =	vand.u32 $0x7FFFFFF8, v6  }
0xdd: {  	v4 =	vld [tilespmem:s15+$0x6030];
	v6 =	vor.u32 v0, v5;
	_ =	sdelay $0x4  }
0xde: {  	[tilespmem:v6+s2+$0x0] =	vst.idx.msk $0xffff, v4  }
0xdf: {  	v6 =	vor.u32 v2, v5;
	v4 =	vld [tilespmem:s15+$0x8030];
	_ =	sdelay $0x4  }
0xe0: {  	[tilespmem:v6+s2+$0x0] =	vst.idx.msk $0xffff, v4  }
0xe1: {  	s8 =	simm.s32 $0x100;
	v5 =	vor.u32 v3, v5;
	v4 =	vld [tilespmem:s15+$0xA030]  }
0xe2: {  	s17 =	simm.s32 $0x40;
	s20 =	simm.s32 $0x70;
	s15 =	simm.s32 $0x200  }
.LBB2_5:
0xe3: {  	p0 =	sne.s32 s15, $0x7F00;
	v6 =	vmov s17  }
0xe4: {  	v6 =	vshll.u32 v6, $0x2  }
0xe5: {  	v6 =	vor.u32 v1, v6  }
0xe6: {  	s17 =	sshra.s32 s8, $0x2;
	s8 =	smov.u32 s15;
	v6 =	vand.u32 $0x7F38, v6;
	[tilespmem:v5+s2+$0x0] =	vst.idx.msk $0xffff, v4  }
0xe7: {  	v4 =	vld [tilespmem:s17+$0x6000];
	v5 =	vor.u32 v0, v6;
	_ =	sdelay $0x4  }
0xe8: {  	[tilespmem:v5+s2+$0x0] =	vst.idx.msk $0xffff, v4  }
0xe9: {  	v5 =	vor.u32 v2, v6;
	v4 =	vld [tilespmem:s17+$0x8000];
	_ =	sdelay $0x4  }
0xea: {  	[tilespmem:v5+s2+$0x0] =	vst.idx.msk $0xffff, v4  }
0xeb: {  	v5 =	vor.u32 v3, v6;
	v4 =	vld [tilespmem:s17+$0xA000]  }
0xec: {  	s25 =	sadd.s32 $0xFFFFFFE0, s20  }
0xed: {  	v6 =	vmov s25  }
0xee: {  	v6 =	vshll.u32 v6, $0x2  }
0xef: {  	v6 =	vor.u32 v1, v6  }
0xf0: {  	[tilespmem:v5+s2+$0x0] =	vst.idx.msk $0xffff, v4;
	v4 =	vand.u32 $0x7FFFFF78, v6  }
0xf1: {  	v5 =	vld [tilespmem:s17+$0x6010];
	v6 =	vor.u32 v0, v4;
	_ =	sdelay $0x4  }
0xf2: {  	[tilespmem:v6+s2+$0x0] =	vst.idx.msk $0xffff, v5  }
0xf3: {  	v6 =	vor.u32 v2, v4;
	v5 =	vld [tilespmem:s17+$0x8010];
	_ =	sdelay $0x4  }
0xf4: {  	[tilespmem:v6+s2+$0x0] =	vst.idx.msk $0xffff, v5  }
0xf5: {  	v4 =	vor.u32 v3, v4;
	v5 =	vld [tilespmem:s17+$0xA010]  }
0xf6: {  	s25 =	sadd.s32 $0xFFFFFFF0, s20  }
0xf7: {  	v6 =	vmov s25  }
0xf8: {  	v6 =	vshll.u32 v6, $0x2  }
0xf9: {  	v6 =	vor.u32 v1, v6  }
0xfa: {  	[tilespmem:v4+s2+$0x0] =	vst.idx.msk $0xffff, v5;
	v4 =	vand.u32 $0x7FFFFFB8, v6  }
0xfb: {  	v5 =	vld [tilespmem:s17+$0x6020];
	v6 =	vor.u32 v0, v4;
	_ =	sdelay $0x4  }
0xfc: {  	[tilespmem:v6+s2+$0x0] =	vst.idx.msk $0xffff, v5  }
0xfd: {  	v6 =	vor.u32 v2, v4;
	v5 =	vld [tilespmem:s17+$0x8020];
	_ =	sdelay $0x4  }
0xfe: {  	[tilespmem:v6+s2+$0x0] =	vst.idx.msk $0xffff, v5  }
0xff: {  	v4 =	vor.u32 v3, v4;
	v5 =	vld [tilespmem:s17+$0xA020];
	_ =	sdelay $0x1  }
0x100: {  	v6 =	vmov s20  }
0x101: {  	v6 =	vshll.u32 v6, $0x2  }
0x102: {  	v6 =	vor.u32 v1, v6  }
0x103: {  	[tilespmem:v4+s2+$0x0] =	vst.idx.msk $0xffff, v5;
	v5 =	vand.u32 $0x7FFFFFF8, v6  }
0x104: {  	v4 =	vld [tilespmem:s17+$0x6030];
	v6 =	vor.u32 v0, v5;
	_ =	sdelay $0x4  }
0x105: {  	[tilespmem:v6+s2+$0x0] =	vst.idx.msk $0xffff, v4  }
0x106: {  	v6 =	vor.u32 v2, v5;
	v4 =	vld [tilespmem:s17+$0x8030];
	_ =	sdelay $0x2  }
.Ltmp1:
0x107: {  	(pc) =	sbr.rel @p0 .LBB2_5-.Ltmp1, $4  }
0x108: {  	_ = 	snop  }
0x109: {  	[tilespmem:v6+s2+$0x0] =	vst.idx.msk $0xffff, v4  }
0x10a: {  	s20 =	sadd.s32 $0x40, s20;
	v5 =	vor.u32 v3, v5;
	v4 =	vld [tilespmem:s17+$0xA030]  }
0x10b: {  	s15 =	sadd.s32 $0x100, s15;
	s17 =	sadd.s32 $0xFFFFFFD0, s20  }
0x10c: {  	_ = 	snop  }
0x10d: {  	v6 =	vmov s17  }
0x10e: {  	v6 =	vshll.u32 v6, $0x2  }
0x10f: {  	v6 =	vor.u32 v1, v6  }
0x110: {  	s8 =	sshra.s32 s8, $0x2;
	v6 =	vand.u32 $0x7F38, v6;
	[tilespmem:v5+s2+$0x0] =	vst.idx.msk $0xffff, v4  }
0x111: {  	v4 =	vld [tilespmem:s8+$0x6000];
	v5 =	vor.u32 v0, v6;
	_ =	sdelay $0x4  }
0x112: {  	[tilespmem:v5+s2+$0x0] =	vst.idx.msk $0xffff, v4  }
0x113: {  	v5 =	vor.u32 v2, v6;
	v4 =	vld [tilespmem:s8+$0x8000];
	_ =	sdelay $0x4  }
0x114: {  	[tilespmem:v5+s2+$0x0] =	vst.idx.msk $0xffff, v4  }
0x115: {  	v5 =	vor.u32 v3, v6;
	v4 =	vld [tilespmem:s8+$0xA000]  }
0x116: {  	s15 =	sadd.s32 $0xFFFFFFE0, s20  }
0x117: {  	v58 =	vmov s15  }
0x118: {  	v6 =	vshll.u32 v58, $0x2  }
0x119: {  	v6 =	vor.u32 v1, v6  }
0x11a: {  	[tilespmem:v5+s2+$0x0] =	vst.idx.msk $0xffff, v4;
	v4 =	vand.u32 $0x7FFFFF78, v6  }
0x11b: {  	v5 =	vld [tilespmem:s8+$0x6010];
	v6 =	vor.u32 v0, v4;
	_ =	sdelay $0x4  }
0x11c: {  	[tilespmem:v6+s2+$0x0] =	vst.idx.msk $0xffff, v5  }
0x11d: {  	v59 =	vor.u32 v2, v4;
	v5 =	vld [tilespmem:s8+$0x8010];
	_ =	sdelay $0x4  }
0x11e: {  	[tilespmem:v59+s2+$0x0] =	vst.idx.msk $0xffff, v5  }
0x11f: {  	v4 =	vor.u32 v3, v4;
	v5 =	vld [tilespmem:s8+$0xA010]  }
0x120: {  	s17 =	sadd.s32 $0xFFFFFFF0, s20  }
0x121: {  	v60 =	vmov s17  }
0x122: {  	v6 =	vshll.u32 v60, $0x2  }
0x123: {  	v6 =	vor.u32 v1, v6  }
0x124: {  	[tilespmem:v4+s2+$0x0] =	vst.idx.msk $0xffff, v5;
	v4 =	vand.u32 $0x7FFFFFB8, v6  }
0x125: {  	v5 =	vld [tilespmem:s8+$0x6020];
	v6 =	vor.u32 v0, v4;
	_ =	sdelay $0x4  }
0x126: {  	[tilespmem:v6+s2+$0x0] =	vst.idx.msk $0xffff, v5  }
0x127: {  	v61 =	vor.u32 v2, v4;
	v5 =	vld [tilespmem:s8+$0x8020];
	_ =	sdelay $0x4  }
0x128: {  	[tilespmem:v61+s2+$0x0] =	vst.idx.msk $0xffff, v5  }
0x129: {  	v4 =	vor.u32 v3, v4;
	v5 =	vld [tilespmem:s8+$0xA020];
	_ =	sdelay $0x1  }
0x12a: {  	v62 =	vmov s20  }
0x12b: {  	v6 =	vshll.u32 v62, $0x2  }
0x12c: {  	v6 =	vor.u32 v1, v6  }
0x12d: {  	[tilespmem:v4+s2+$0x0] =	vst.idx.msk $0xffff, v5;
	v4 =	vand.u32 $0x7FFFFFF8, v6  }
0x12e: {  	v5 =	vld [tilespmem:s8+$0x6030];
	v6 =	vor.u32 v0, v4;
	_ =	sdelay $0x4  }
0x12f: {  	[tilespmem:v6+s2+$0x0] =	vst.idx.msk $0xffff, v5  }
0x130: {  	v63 =	vor.u32 v2, v4;
	v5 =	vld [tilespmem:s8+$0x8030];
	_ =	sdelay $0x4  }
0x131: {  	[tilespmem:v63+s2+$0x0] =	vst.idx.msk $0xffff, v5  }
0x132: {  	v4 =	vor.u32 v3, v4;
	v5 =	vld [tilespmem:s8+$0xA030];
	_ =	sdelay $0x1  }
.Ltmp2:
0x133: {  	s25 =	sor.u32 s19, s5;
	(pc) =	sbr.rel @p1 .LBB2_8-.Ltmp2, $4  }
0x134: {  	s8 =	sshrl.u32 s25, $0x1  }
0x135: {  	s8 =	sadd.s32 s8, s3  }
0x136: {  	s8 =	sadd.s32 $0x1000, s8;
	[tilespmem:v4+s2+$0x0] =	vst.idx.msk $0xffff, v5  }
0x137: {  	[hbm4b:s8+s4] =	stream.linear.scatter [tilespmem:s2], [sflag:$0x4], $0x8000, $0x38;
	[tilespmem:$0x1C000] =	vst v63  }
0x138: {  	s8 =	sadd.s32 $0x6000, s19  }
0x139: {  	s15 =	sadd.s32 s5, s8  }
0x13a: {  	s15 =	sshrl.u32 s15, $0x3  }
0x13b: {  	s25 =	sadd.s32 s6, s8;
	s15 =	sadd.s32 s1, s15  }
0x13c: {  	[tilespmem:s9], [sflag:$0x2] =	stream.linear.gather [hbm4b:s15+s4], $0x2000, $0x38;
	[tilespmem:$0x1C000] =	vst v63  }
.Ltmp3:
0x13d: {  	s8 =	sadd.s32 s7, s8;
	s15 =	sshrl.u32 s25, $0x3;
	(pc) =	sbr.rel .LBB2_2-.Ltmp3, $4  }
0x13e: {  	s8 =	sshrl.u32 s8, $0x3;
	s15 =	sadd.s32 s1, s15  }
0x13f: {  	[tilespmem:s10], [sflag:$0x2] =	stream.linear.gather [hbm4b:s15+s4], $0x2000, $0x38;
	[tilespmem:$0x1C000] =	vst v63  }
0x140: {  	s18 =	sadd.s32 $0x1, s18;
	s8 =	sadd.s32 s1, s8  }
0x141: {  	[tilespmem:s11], [sflag:$0x2] =	stream.linear.gather [hbm4b:s8+s4], $0x2000, $0x38;
	[tilespmem:$0x1C000] =	vst v63  }
.LBB2_8:
0x142: {  	s8 =	simm.s32 $0x3  }
0x143: {  	_ =	swait.ge [sflag:s8], $0x8000  }
0x144: {  	[sflag:s8] =	ssyncset.done $0x0  }
0x145: {  	s15 =	simm.s32 $0x4;
	[sflag:s8] =	ssyncadd.s32 $0xFFFF8000  }
0x146: {  	_ =	swait.ge [sflag:s15], $0x8000  }
0x147: {  	s17 =	rddreg [dreg:$0xa]  }
0x148: {  	[sflag:s15] =	ssyncset.done $0x0;
	s19 =	rddreg [dreg:$0xb]  }
0x149: {  	s18 =	simm.s32 $0x0;
	s20 =	rddreg [dreg:$0x10];
	[sflag:s15] =	ssyncadd.s32 $0xFFFF8000  }
0x14a: {  	[tilespmem:s18], [sflag:$0x1] =	stream.linear.gather [hbm4b:s17+s18], $0x2000, $0x38;
	[tilespmem:$0x1C000] =	vst v63  }
0x14b: {  	s25 =	simm.s32 $0x2000;
	s8 =	rddreg [dreg:$0xc]  }
0x14c: {  	[tilespmem:s25], [sflag:$0x1] =	stream.linear.gather [hbm4b:s19+s18], $0x2000, $0x38;
	[tilespmem:$0x1C000] =	vst v63  }
0x14d: {  	s15 =	simm.s32 $0x4000;
	s17 =	rddreg [dreg:$0xe]  }
0x14e: {  	[tilespmem:s15], [sflag:$0x1] =	stream.linear.gather [hbm4b:s20+s18], $0x2000, $0x38;
	[tilespmem:$0x1C000] =	vst v63  }
0x14f: {  	p1 =	por $0x1, $0x1;
	s15 =	rddreg [dreg:$0xd]  }
.LBB2_9:
0x150: {  	s8 =	sadd.s32 s13, s8  }
0x151: {  	[tilespmem:s9], [sflag:$0x2] =	stream.linear.gather [hbm4b:s8+s4], $0x2000, $0x38;
	[tilespmem:$0x1C000] =	vst v63  }
0x152: {  	s15 =	sadd.s32 s13, s15  }
0x153: {  	[tilespmem:s10], [sflag:$0x2] =	stream.linear.gather [hbm4b:s15+s4], $0x2000, $0x38;
	[tilespmem:$0x1C000] =	vst v63  }
0x154: {  	s19 =	sadd.s32 s13, s17  }
0x155: {  	[tilespmem:s11], [sflag:$0x2] =	stream.linear.gather [hbm4b:s19+s4], $0x2000, $0x38;
	[tilespmem:$0x1C000] =	vst v63  }
0x156: {  	_ =	swait.ge [sflag:s12], $0x2000  }
0x157: {  	[sflag:s12] =	ssyncset.done $0x0  }
0x158: {  	[sflag:s12] =	ssyncadd.s32 $0xFFFFE000  }
0x159: {  	_ =	swait.ge [sflag:s12], $0x2000  }
0x15a: {  	[sflag:s12] =	ssyncset.done $0x0  }
0x15b: {  	[sflag:s12] =	ssyncadd.s32 $0xFFFFE000  }
0x15c: {  	_ =	swait.ge [sflag:s12], $0x2000  }
0x15d: {  	s20 =	simm.s32 $0x0;
	[sflag:s12] =	ssyncset.done $0x0  }
0x15e: {  	v4 =	vmov s20;
	s15 =	simm.s32 @!p1 $0x3;
	[sflag:s12] =	ssyncadd.s32 $0xFFFFE000  }
0x15f: {  	v4 =	vshll.u32 v4, $0x2;
	_ =	swait.ge @!p1 [sflag:s15], $0x8000  }
0x160: {  	v4 =	vor.u32 v1, v4;
	[sflag:s15] =	ssyncset.done @!p1 $0x0  }
0x161: {  	v4 =	vand.u32 $0x7F38, v4;
	[sflag:s15] =	ssyncadd.s32 @!p1 $0xFFFF8000;
	s15 =	simm.s32 $0x0  }
0x162: {  	v6 =	vor.u32 v0, v4;
	v5 =	vld [tilespmem:s15+$0x0];
	_ =	sdelay $0x4  }
0x163: {  	[tilespmem:v6+s14+$0x0] =	vst.idx.msk $0xffff, v5  }
0x164: {  	v6 =	vor.u32 v2, v4;
	v5 =	vld [tilespmem:s15+$0x2000];
	_ =	sdelay $0x4  }
0x165: {  	[tilespmem:v6+s14+$0x0] =	vst.idx.msk $0xffff, v5  }
0x166: {  	v4 =	vor.u32 v3, v4;
	v5 =	vld [tilespmem:s15+$0x4000]  }
0x167: {  	s17 =	simm.s32 $0x10  }
0x168: {  	v6 =	vmov s17  }
0x169: {  	v6 =	vshll.u32 v6, $0x2  }
0x16a: {  	v6 =	vor.u32 v1, v6  }
0x16b: {  	[tilespmem:v4+s14+$0x0] =	vst.idx.msk $0xffff, v5;
	v4 =	vand.u32 $0x7FFFFF78, v6  }
0x16c: {  	v5 =	vld [tilespmem:s15+$0x10];
	v6 =	vor.u32 v0, v4;
	_ =	sdelay $0x4  }
0x16d: {  	[tilespmem:v6+s14+$0x0] =	vst.idx.msk $0xffff, v5  }
0x16e: {  	v6 =	vor.u32 v2, v4;
	v5 =	vld [tilespmem:s15+$0x2010];
	_ =	sdelay $0x4  }
0x16f: {  	[tilespmem:v6+s14+$0x0] =	vst.idx.msk $0xffff, v5  }
0x170: {  	v4 =	vor.u32 v3, v4;
	v5 =	vld [tilespmem:s15+$0x4010]  }
0x171: {  	s19 =	simm.s32 $0x20  }
0x172: {  	v6 =	vmov s19  }
0x173: {  	v6 =	vshll.u32 v6, $0x2  }
0x174: {  	v6 =	vor.u32 v1, v6  }
0x175: {  	[tilespmem:v4+s14+$0x0] =	vst.idx.msk $0xffff, v5;
	v4 =	vand.u32 $0x7FFFFFB8, v6  }
0x176: {  	v5 =	vld [tilespmem:s15+$0x20];
	v6 =	vor.u32 v0, v4;
	_ =	sdelay $0x4  }
0x177: {  	[tilespmem:v6+s14+$0x0] =	vst.idx.msk $0xffff, v5  }
0x178: {  	v6 =	vor.u32 v2, v4;
	v5 =	vld [tilespmem:s15+$0x2020];
	_ =	sdelay $0x4  }
0x179: {  	[tilespmem:v6+s14+$0x0] =	vst.idx.msk $0xffff, v5  }
0x17a: {  	v4 =	vor.u32 v3, v4;
	v5 =	vld [tilespmem:s15+$0x4020]  }
0x17b: {  	s20 =	simm.s32 $0x30  }
0x17c: {  	v6 =	vmov s20  }
0x17d: {  	v6 =	vshll.u32 v6, $0x2  }
0x17e: {  	v6 =	vor.u32 v1, v6  }
0x17f: {  	[tilespmem:v4+s14+$0x0] =	vst.idx.msk $0xffff, v5;
	v5 =	vand.u32 $0x7FFFFFF8, v6  }
0x180: {  	v4 =	vld [tilespmem:s15+$0x30];
	v6 =	vor.u32 v0, v5;
	_ =	sdelay $0x4  }
0x181: {  	[tilespmem:v6+s14+$0x0] =	vst.idx.msk $0xffff, v4  }
0x182: {  	v6 =	vor.u32 v2, v5;
	v4 =	vld [tilespmem:s15+$0x2030];
	_ =	sdelay $0x4  }
0x183: {  	[tilespmem:v6+s14+$0x0] =	vst.idx.msk $0xffff, v4  }
0x184: {  	p0 =	por p1, p1;
	s8 =	simm.s32 $0x100;
	v5 =	vor.u32 v3, v5;
	v4 =	vld [tilespmem:s15+$0x4030]  }
0x185: {  	s17 =	simm.s32 $0x40;
	s19 =	simm.s32 $0x70;
	s15 =	simm.s32 $0x200  }
.LBB2_10:
0x186: {  	p1 =	sne.s32 s15, $0x7F00;
	v6 =	vmov s17  }
0x187: {  	v6 =	vshll.u32 v6, $0x2  }
0x188: {  	v6 =	vor.u32 v1, v6  }
0x189: {  	s17 =	sshra.s32 s8, $0x2;
	s8 =	smov.u32 s15;
	v6 =	vand.u32 $0x7F38, v6;
	[tilespmem:v5+s14+$0x0] =	vst.idx.msk $0xffff, v4  }
0x18a: {  	v4 =	vld [tilespmem:s17+$0x0];
	v5 =	vor.u32 v0, v6;
	_ =	sdelay $0x4  }
0x18b: {  	[tilespmem:v5+s14+$0x0] =	vst.idx.msk $0xffff, v4  }
0x18c: {  	v5 =	vor.u32 v2, v6;
	v4 =	vld [tilespmem:s17+$0x2000];
	_ =	sdelay $0x4  }
0x18d: {  	[tilespmem:v5+s14+$0x0] =	vst.idx.msk $0xffff, v4  }
0x18e: {  	v5 =	vor.u32 v3, v6;
	v4 =	vld [tilespmem:s17+$0x4000]  }
0x18f: {  	s20 =	sadd.s32 $0xFFFFFFE0, s19  }
0x190: {  	v6 =	vmov s20  }
0x191: {  	v6 =	vshll.u32 v6, $0x2  }
0x192: {  	v6 =	vor.u32 v1, v6  }
0x193: {  	[tilespmem:v5+s14+$0x0] =	vst.idx.msk $0xffff, v4;
	v4 =	vand.u32 $0x7FFFFF78, v6  }
0x194: {  	v5 =	vld [tilespmem:s17+$0x10];
	v6 =	vor.u32 v0, v4;
	_ =	sdelay $0x4  }
0x195: {  	[tilespmem:v6+s14+$0x0] =	vst.idx.msk $0xffff, v5  }
0x196: {  	v6 =	vor.u32 v2, v4;
	v5 =	vld [tilespmem:s17+$0x2010];
	_ =	sdelay $0x4  }
0x197: {  	[tilespmem:v6+s14+$0x0] =	vst.idx.msk $0xffff, v5  }
0x198: {  	v4 =	vor.u32 v3, v4;
	v5 =	vld [tilespmem:s17+$0x4010]  }
0x199: {  	s20 =	sadd.s32 $0xFFFFFFF0, s19  }
0x19a: {  	v6 =	vmov s20  }
0x19b: {  	v6 =	vshll.u32 v6, $0x2  }
0x19c: {  	v6 =	vor.u32 v1, v6  }
0x19d: {  	[tilespmem:v4+s14+$0x0] =	vst.idx.msk $0xffff, v5;
	v4 =	vand.u32 $0x7FFFFFB8, v6  }
0x19e: {  	v5 =	vld [tilespmem:s17+$0x20];
	v6 =	vor.u32 v0, v4;
	_ =	sdelay $0x4  }
0x19f: {  	[tilespmem:v6+s14+$0x0] =	vst.idx.msk $0xffff, v5  }
0x1a0: {  	v6 =	vor.u32 v2, v4;
	v5 =	vld [tilespmem:s17+$0x2020];
	_ =	sdelay $0x4  }
0x1a1: {  	[tilespmem:v6+s14+$0x0] =	vst.idx.msk $0xffff, v5  }
0x1a2: {  	v4 =	vor.u32 v3, v4;
	v5 =	vld [tilespmem:s17+$0x4020];
	_ =	sdelay $0x1  }
0x1a3: {  	v6 =	vmov s19  }
0x1a4: {  	v6 =	vshll.u32 v6, $0x2  }
0x1a5: {  	v6 =	vor.u32 v1, v6  }
0x1a6: {  	[tilespmem:v4+s14+$0x0] =	vst.idx.msk $0xffff, v5;
	v5 =	vand.u32 $0x7FFFFFF8, v6  }
0x1a7: {  	v4 =	vld [tilespmem:s17+$0x30];
	v6 =	vor.u32 v0, v5;
	_ =	sdelay $0x4  }
0x1a8: {  	[tilespmem:v6+s14+$0x0] =	vst.idx.msk $0xffff, v4  }
0x1a9: {  	v6 =	vor.u32 v2, v5;
	v4 =	vld [tilespmem:s17+$0x2030];
	_ =	sdelay $0x2  }
.Ltmp4:
0x1aa: {  	(pc) =	sbr.rel @p1 .LBB2_10-.Ltmp4, $4  }
0x1ab: {  	_ = 	snop  }
0x1ac: {  	[tilespmem:v6+s14+$0x0] =	vst.idx.msk $0xffff, v4  }
0x1ad: {  	s19 =	sadd.s32 $0x40, s19;
	v5 =	vor.u32 v3, v5;
	v4 =	vld [tilespmem:s17+$0x4030]  }
0x1ae: {  	s15 =	sadd.s32 $0x100, s15;
	s17 =	sadd.s32 $0xFFFFFFD0, s19  }
0x1af: {  	_ = 	snop  }
0x1b0: {  	v6 =	vmov s17  }
0x1b1: {  	v6 =	vshll.u32 v6, $0x2  }
0x1b2: {  	v6 =	vor.u32 v1, v6  }
0x1b3: {  	s8 =	sshra.s32 s8, $0x2;
	v6 =	vand.u32 $0x7F38, v6;
	[tilespmem:v5+s14+$0x0] =	vst.idx.msk $0xffff, v4  }
0x1b4: {  	v4 =	vld [tilespmem:s8+$0x0];
	v5 =	vor.u32 v0, v6;
	_ =	sdelay $0x4  }
0x1b5: {  	[tilespmem:v5+s14+$0x0] =	vst.idx.msk $0xffff, v4  }
0x1b6: {  	v5 =	vor.u32 v2, v6;
	v4 =	vld [tilespmem:s8+$0x2000];
	_ =	sdelay $0x4  }
0x1b7: {  	[tilespmem:v5+s14+$0x0] =	vst.idx.msk $0xffff, v4  }
0x1b8: {  	v5 =	vor.u32 v3, v6;
	v4 =	vld [tilespmem:s8+$0x4000]  }
0x1b9: {  	s15 =	sadd.s32 $0xFFFFFFE0, s19  }
0x1ba: {  	v6 =	vmov s15  }
0x1bb: {  	v6 =	vshll.u32 v6, $0x2  }
0x1bc: {  	v6 =	vor.u32 v1, v6  }
0x1bd: {  	[tilespmem:v5+s14+$0x0] =	vst.idx.msk $0xffff, v4;
	v4 =	vand.u32 $0x7FFFFF78, v6  }
0x1be: {  	v5 =	vld [tilespmem:s8+$0x10];
	v6 =	vor.u32 v0, v4;
	_ =	sdelay $0x4  }
0x1bf: {  	[tilespmem:v6+s14+$0x0] =	vst.idx.msk $0xffff, v5  }
0x1c0: {  	v6 =	vor.u32 v2, v4;
	v5 =	vld [tilespmem:s8+$0x2010];
	_ =	sdelay $0x4  }
0x1c1: {  	[tilespmem:v6+s14+$0x0] =	vst.idx.msk $0xffff, v5  }
0x1c2: {  	v4 =	vor.u32 v3, v4;
	v5 =	vld [tilespmem:s8+$0x4010]  }
0x1c3: {  	s17 =	sadd.s32 $0xFFFFFFF0, s19  }
0x1c4: {  	v6 =	vmov s17  }
0x1c5: {  	v6 =	vshll.u32 v6, $0x2  }
0x1c6: {  	v6 =	vor.u32 v1, v6  }
0x1c7: {  	[tilespmem:v4+s14+$0x0] =	vst.idx.msk $0xffff, v5;
	v4 =	vand.u32 $0x7FFFFFB8, v6  }
0x1c8: {  	v5 =	vld [tilespmem:s8+$0x20];
	v6 =	vor.u32 v0, v4;
	_ =	sdelay $0x4  }
0x1c9: {  	[tilespmem:v6+s14+$0x0] =	vst.idx.msk $0xffff, v5  }
0x1ca: {  	v6 =	vor.u32 v2, v4;
	v5 =	vld [tilespmem:s8+$0x2020];
	_ =	sdelay $0x4  }
0x1cb: {  	[tilespmem:v6+s14+$0x0] =	vst.idx.msk $0xffff, v5  }
0x1cc: {  	v4 =	vor.u32 v3, v4;
	v5 =	vld [tilespmem:s8+$0x4020];
	_ =	sdelay $0x1  }
0x1cd: {  	v6 =	vmov s19  }
0x1ce: {  	v6 =	vshll.u32 v6, $0x2  }
0x1cf: {  	v6 =	vor.u32 v1, v6  }
0x1d0: {  	[tilespmem:v4+s14+$0x0] =	vst.idx.msk $0xffff, v5;
	v4 =	vand.u32 $0x7FFFFFF8, v6  }
0x1d1: {  	v5 =	vld [tilespmem:s8+$0x30];
	v6 =	vor.u32 v0, v4;
	_ =	sdelay $0x4  }
0x1d2: {  	[tilespmem:v6+s14+$0x0] =	vst.idx.msk $0xffff, v5  }
0x1d3: {  	v6 =	vor.u32 v2, v4;
	v5 =	vld [tilespmem:s8+$0x2030];
	_ =	sdelay $0x4  }
0x1d4: {  	[tilespmem:v6+s14+$0x0] =	vst.idx.msk $0xffff, v5  }
0x1d5: {  	v4 =	vor.u32 v3, v4;
	v5 =	vld [tilespmem:s8+$0x4030];
	_ =	sdelay $0x1  }
0x1d6: {  	s19 =	sshll.u32 s18, $0x10  }
0x1d7: {  	s8 =	sor.u32 s28, s19  }
0x1d8: {  	s8 =	sshrl.u32 s8, $0x3  }
0x1d9: {  	s8 =	sadd.s32 s3, s8;
	[tilespmem:v4+s14+$0x0] =	vst.idx.msk $0xffff, v5  }
0x1da: {  	[hbm4b:s8+s4] =	stream.linear.scatter [tilespmem:s14], [sflag:$0x3], $0x8000, $0x38;
	[tilespmem:$0x1C000] =	vst v63  }
0x1db: {  	s8 =	simm.s32 @!p0 $0x2  }
0x1dc: {  	_ =	swait.ge @!p0 [sflag:s8], $0x2000  }
0x1dd: {  	[sflag:s8] =	ssyncset.done @!p0 $0x0  }
0x1de: {  	[sflag:s8] =	ssyncadd.s32 @!p0 $0xFFFFE000  }
0x1df: {  	_ =	swait.ge @!p0 [sflag:s8], $0x2000  }
0x1e0: {  	[sflag:s8] =	ssyncset.done @!p0 $0x0  }
0x1e1: {  	[sflag:s8] =	ssyncadd.s32 @!p0 $0xFFFFE000  }
0x1e2: {  	_ =	swait.ge @!p0 [sflag:s8], $0x2000  }
0x1e3: {  	[sflag:s8] =	ssyncset.done @!p0 $0x0  }
0x1e4: {  	[sflag:s8] =	ssyncadd.s32 @!p0 $0xFFFFE000;
	s8 =	simm.s32 @!p0 $0x4  }
0x1e5: {  	_ =	swait.ge @!p0 [sflag:s8], $0x8000  }
0x1e6: {  	[sflag:s8] =	ssyncset.done @!p0 $0x0  }
0x1e7: {  	[sflag:s8] =	ssyncadd.s32 @!p0 $0xFFFF8000;
	s8 =	simm.s32 @p0 $0x0  }
0x1e8: {  	[tilespmem:s8], [sflag:$0x1] =	stream.linear.gather @p0 [hbm4b:s29+s8], $0x2000, $0x38;
	[tilespmem:$0x1C000] =	vst v63  }
0x1e9: {  	s15 =	simm.s32 @p0 $0x2000  }
0x1ea: {  	[tilespmem:s15], [sflag:$0x1] =	stream.linear.gather @p0 [hbm4b:s30+s8], $0x2000, $0x38;
	[tilespmem:$0x1C000] =	vst v63  }
0x1eb: {  	s15 =	simm.s32 @p0 $0x4000  }
0x1ec: {  	[tilespmem:s15], [sflag:$0x1] =	stream.linear.gather @p0 [hbm4b:s31+s8], $0x2000, $0x38;
	[tilespmem:$0x1C000] =	vst v63  }
0x1ed: {  	s8 =	simm.s32 @p0 $0x2  }
0x1ee: {  	_ =	swait.ge @p0 [sflag:s8], $0x2000  }
0x1ef: {  	[sflag:s8] =	ssyncset.done @p0 $0x0  }
0x1f0: {  	[sflag:s8] =	ssyncadd.s32 @p0 $0xFFFFE000  }
0x1f1: {  	_ =	swait.ge @p0 [sflag:s8], $0x2000  }
0x1f2: {  	s20 =	simm.s32 $0x0;
	[sflag:s8] =	ssyncset.done @p0 $0x0  }
0x1f3: {  	v4 =	vmov s20;
	[sflag:s8] =	ssyncadd.s32 @p0 $0xFFFFE000  }
0x1f4: {  	v4 =	vshll.u32 v4, $0x2;
	_ =	swait.ge @p0 [sflag:s8], $0x2000  }
0x1f5: {  	v4 =	vor.u32 v1, v4;
	[sflag:s8] =	ssyncset.done @p0 $0x0  }
0x1f6: {  	v4 =	vand.u32 $0x7F38, v4;
	s15 =	simm.s32 $0x0;
	[sflag:s8] =	ssyncadd.s32 @p0 $0xFFFFE000  }
0x1f7: {  	v6 =	vor.u32 v0, v4;
	v5 =	vld [tilespmem:s15+$0x6000];
	_ =	sdelay $0x4  }
0x1f8: {  	[tilespmem:v6+s2+$0x0] =	vst.idx.msk $0xffff, v5  }
0x1f9: {  	v6 =	vor.u32 v2, v4;
	v5 =	vld [tilespmem:s15+$0x8000];
	_ =	sdelay $0x4  }
0x1fa: {  	[tilespmem:v6+s2+$0x0] =	vst.idx.msk $0xffff, v5  }
0x1fb: {  	v4 =	vor.u32 v3, v4;
	v5 =	vld [tilespmem:s15+$0xA000]  }
0x1fc: {  	s17 =	simm.s32 $0x10  }
0x1fd: {  	v6 =	vmov s17  }
0x1fe: {  	v6 =	vshll.u32 v6, $0x2  }
0x1ff: {  	v6 =	vor.u32 v1, v6  }
0x200: {  	[tilespmem:v4+s2+$0x0] =	vst.idx.msk $0xffff, v5;
	v4 =	vand.u32 $0x7FFFFF78, v6  }
0x201: {  	v5 =	vld [tilespmem:s15+$0x6010];
	v6 =	vor.u32 v0, v4;
	_ =	sdelay $0x4  }
0x202: {  	[tilespmem:v6+s2+$0x0] =	vst.idx.msk $0xffff, v5  }
0x203: {  	v6 =	vor.u32 v2, v4;
	v5 =	vld [tilespmem:s15+$0x8010];
	_ =	sdelay $0x4  }
0x204: {  	[tilespmem:v6+s2+$0x0] =	vst.idx.msk $0xffff, v5  }
0x205: {  	v4 =	vor.u32 v3, v4;
	v5 =	vld [tilespmem:s15+$0xA010]  }
0x206: {  	s19 =	simm.s32 $0x20  }
0x207: {  	v6 =	vmov s19  }
0x208: {  	v6 =	vshll.u32 v6, $0x2  }
0x209: {  	v6 =	vor.u32 v1, v6  }
0x20a: {  	[tilespmem:v4+s2+$0x0] =	vst.idx.msk $0xffff, v5;
	v4 =	vand.u32 $0x7FFFFFB8, v6  }
0x20b: {  	v5 =	vld [tilespmem:s15+$0x6020];
	v6 =	vor.u32 v0, v4;
	_ =	sdelay $0x4  }
0x20c: {  	[tilespmem:v6+s2+$0x0] =	vst.idx.msk $0xffff, v5  }
0x20d: {  	v6 =	vor.u32 v2, v4;
	v5 =	vld [tilespmem:s15+$0x8020];
	_ =	sdelay $0x4  }
0x20e: {  	[tilespmem:v6+s2+$0x0] =	vst.idx.msk $0xffff, v5  }
0x20f: {  	v4 =	vor.u32 v3, v4;
	v5 =	vld [tilespmem:s15+$0xA020]  }
0x210: {  	s20 =	simm.s32 $0x30  }
0x211: {  	v6 =	vmov s20  }
0x212: {  	v6 =	vshll.u32 v6, $0x2  }
0x213: {  	v6 =	vor.u32 v1, v6  }
0x214: {  	[tilespmem:v4+s2+$0x0] =	vst.idx.msk $0xffff, v5;
	v5 =	vand.u32 $0x7FFFFFF8, v6  }
0x215: {  	v4 =	vld [tilespmem:s15+$0x6030];
	v6 =	vor.u32 v0, v5;
	_ =	sdelay $0x4  }
0x216: {  	[tilespmem:v6+s2+$0x0] =	vst.idx.msk $0xffff, v4  }
0x217: {  	v6 =	vor.u32 v2, v5;
	v4 =	vld [tilespmem:s15+$0x8030];
	_ =	sdelay $0x4  }
0x218: {  	[tilespmem:v6+s2+$0x0] =	vst.idx.msk $0xffff, v4  }
0x219: {  	s8 =	simm.s32 $0x100;
	v5 =	vor.u32 v3, v5;
	v4 =	vld [tilespmem:s15+$0xA030]  }
0x21a: {  	s17 =	simm.s32 $0x40;
	s19 =	simm.s32 $0x70;
	s15 =	simm.s32 $0x200  }
.LBB2_12:
0x21b: {  	p1 =	sne.s32 s15, $0x7F00;
	v6 =	vmov s17  }
0x21c: {  	v6 =	vshll.u32 v6, $0x2  }
0x21d: {  	v6 =	vor.u32 v1, v6  }
0x21e: {  	s17 =	sshra.s32 s8, $0x2;
	s8 =	smov.u32 s15;
	v6 =	vand.u32 $0x7F38, v6;
	[tilespmem:v5+s2+$0x0] =	vst.idx.msk $0xffff, v4  }
0x21f: {  	v4 =	vld [tilespmem:s17+$0x6000];
	v5 =	vor.u32 v0, v6;
	_ =	sdelay $0x4  }
0x220: {  	[tilespmem:v5+s2+$0x0] =	vst.idx.msk $0xffff, v4  }
0x221: {  	v5 =	vor.u32 v2, v6;
	v4 =	vld [tilespmem:s17+$0x8000];
	_ =	sdelay $0x4  }
0x222: {  	[tilespmem:v5+s2+$0x0] =	vst.idx.msk $0xffff, v4  }
0x223: {  	v5 =	vor.u32 v3, v6;
	v4 =	vld [tilespmem:s17+$0xA000]  }
0x224: {  	s20 =	sadd.s32 $0xFFFFFFE0, s19  }
0x225: {  	v6 =	vmov s20  }
0x226: {  	v6 =	vshll.u32 v6, $0x2  }
0x227: {  	v6 =	vor.u32 v1, v6  }
0x228: {  	[tilespmem:v5+s2+$0x0] =	vst.idx.msk $0xffff, v4;
	v4 =	vand.u32 $0x7FFFFF78, v6  }
0x229: {  	v5 =	vld [tilespmem:s17+$0x6010];
	v6 =	vor.u32 v0, v4;
	_ =	sdelay $0x4  }
0x22a: {  	[tilespmem:v6+s2+$0x0] =	vst.idx.msk $0xffff, v5  }
0x22b: {  	v6 =	vor.u32 v2, v4;
	v5 =	vld [tilespmem:s17+$0x8010];
	_ =	sdelay $0x4  }
0x22c: {  	[tilespmem:v6+s2+$0x0] =	vst.idx.msk $0xffff, v5  }
0x22d: {  	v4 =	vor.u32 v3, v4;
	v5 =	vld [tilespmem:s17+$0xA010]  }
0x22e: {  	s20 =	sadd.s32 $0xFFFFFFF0, s19  }
0x22f: {  	v6 =	vmov s20  }
0x230: {  	v6 =	vshll.u32 v6, $0x2  }
0x231: {  	v6 =	vor.u32 v1, v6  }
0x232: {  	[tilespmem:v4+s2+$0x0] =	vst.idx.msk $0xffff, v5;
	v4 =	vand.u32 $0x7FFFFFB8, v6  }
0x233: {  	v5 =	vld [tilespmem:s17+$0x6020];
	v6 =	vor.u32 v0, v4;
	_ =	sdelay $0x4  }
0x234: {  	[tilespmem:v6+s2+$0x0] =	vst.idx.msk $0xffff, v5  }
0x235: {  	v6 =	vor.u32 v2, v4;
	v5 =	vld [tilespmem:s17+$0x8020];
	_ =	sdelay $0x4  }
0x236: {  	[tilespmem:v6+s2+$0x0] =	vst.idx.msk $0xffff, v5  }
0x237: {  	v4 =	vor.u32 v3, v4;
	v5 =	vld [tilespmem:s17+$0xA020];
	_ =	sdelay $0x1  }
0x238: {  	v6 =	vmov s19  }
0x239: {  	v6 =	vshll.u32 v6, $0x2  }
0x23a: {  	v6 =	vor.u32 v1, v6  }
0x23b: {  	[tilespmem:v4+s2+$0x0] =	vst.idx.msk $0xffff, v5;
	v5 =	vand.u32 $0x7FFFFFF8, v6  }
0x23c: {  	v4 =	vld [tilespmem:s17+$0x6030];
	v6 =	vor.u32 v0, v5;
	_ =	sdelay $0x4  }
0x23d: {  	[tilespmem:v6+s2+$0x0] =	vst.idx.msk $0xffff, v4  }
0x23e: {  	v6 =	vor.u32 v2, v5;
	v4 =	vld [tilespmem:s17+$0x8030];
	_ =	sdelay $0x2  }
.Ltmp5:
0x23f: {  	(pc) =	sbr.rel @p1 .LBB2_12-.Ltmp5, $4  }
0x240: {  	_ = 	snop  }
0x241: {  	[tilespmem:v6+s2+$0x0] =	vst.idx.msk $0xffff, v4  }
0x242: {  	s19 =	sadd.s32 $0x40, s19;
	v5 =	vor.u32 v3, v5;
	v4 =	vld [tilespmem:s17+$0xA030]  }
0x243: {  	s15 =	sadd.s32 $0x100, s15;
	s17 =	sadd.s32 $0xFFFFFFD0, s19  }
0x244: {  	_ = 	snop  }
0x245: {  	v6 =	vmov s17  }
0x246: {  	v6 =	vshll.u32 v6, $0x2  }
0x247: {  	v6 =	vor.u32 v1, v6  }
0x248: {  	s8 =	sshra.s32 s8, $0x2;
	v6 =	vand.u32 $0x7F38, v6;
	[tilespmem:v5+s2+$0x0] =	vst.idx.msk $0xffff, v4  }
0x249: {  	v4 =	vld [tilespmem:s8+$0x6000];
	v5 =	vor.u32 v0, v6;
	_ =	sdelay $0x4  }
0x24a: {  	[tilespmem:v5+s2+$0x0] =	vst.idx.msk $0xffff, v4  }
0x24b: {  	v5 =	vor.u32 v2, v6;
	v4 =	vld [tilespmem:s8+$0x8000];
	_ =	sdelay $0x4  }
0x24c: {  	[tilespmem:v5+s2+$0x0] =	vst.idx.msk $0xffff, v4  }
0x24d: {  	v5 =	vor.u32 v3, v6;
	v4 =	vld [tilespmem:s8+$0xA000]  }
0x24e: {  	s15 =	sadd.s32 $0xFFFFFFE0, s19  }
0x24f: {  	v58 =	vmov s15  }
0x250: {  	v6 =	vshll.u32 v58, $0x2  }
0x251: {  	v6 =	vor.u32 v1, v6  }
0x252: {  	[tilespmem:v5+s2+$0x0] =	vst.idx.msk $0xffff, v4;
	v4 =	vand.u32 $0x7FFFFF78, v6  }
0x253: {  	v5 =	vld [tilespmem:s8+$0x6010];
	v6 =	vor.u32 v0, v4;
	_ =	sdelay $0x4  }
0x254: {  	[tilespmem:v6+s2+$0x0] =	vst.idx.msk $0xffff, v5  }
0x255: {  	v59 =	vor.u32 v2, v4;
	v5 =	vld [tilespmem:s8+$0x8010];
	_ =	sdelay $0x4  }
0x256: {  	[tilespmem:v59+s2+$0x0] =	vst.idx.msk $0xffff, v5  }
0x257: {  	v4 =	vor.u32 v3, v4;
	v5 =	vld [tilespmem:s8+$0xA010]  }
0x258: {  	s17 =	sadd.s32 $0xFFFFFFF0, s19  }
0x259: {  	v60 =	vmov s17  }
0x25a: {  	v6 =	vshll.u32 v60, $0x2  }
0x25b: {  	v6 =	vor.u32 v1, v6  }
0x25c: {  	[tilespmem:v4+s2+$0x0] =	vst.idx.msk $0xffff, v5;
	v4 =	vand.u32 $0x7FFFFFB8, v6  }
0x25d: {  	v5 =	vld [tilespmem:s8+$0x6020];
	v6 =	vor.u32 v0, v4;
	_ =	sdelay $0x4  }
0x25e: {  	[tilespmem:v6+s2+$0x0] =	vst.idx.msk $0xffff, v5  }
0x25f: {  	v61 =	vor.u32 v2, v4;
	v5 =	vld [tilespmem:s8+$0x8020];
	_ =	sdelay $0x4  }
0x260: {  	[tilespmem:v61+s2+$0x0] =	vst.idx.msk $0xffff, v5  }
0x261: {  	v4 =	vor.u32 v3, v4;
	v5 =	vld [tilespmem:s8+$0xA020];
	_ =	sdelay $0x1  }
0x262: {  	v62 =	vmov s19  }
0x263: {  	v6 =	vshll.u32 v62, $0x2  }
0x264: {  	v6 =	vor.u32 v1, v6  }
0x265: {  	[tilespmem:v4+s2+$0x0] =	vst.idx.msk $0xffff, v5;
	v4 =	vand.u32 $0x7FFFFFF8, v6  }
0x266: {  	v5 =	vld [tilespmem:s8+$0x6030];
	v6 =	vor.u32 v0, v4;
	_ =	sdelay $0x4  }
0x267: {  	[tilespmem:v6+s2+$0x0] =	vst.idx.msk $0xffff, v5  }
0x268: {  	v63 =	vor.u32 v2, v4;
	v5 =	vld [tilespmem:s8+$0x8030];
	_ =	sdelay $0x4  }
0x269: {  	[tilespmem:v63+s2+$0x0] =	vst.idx.msk $0xffff, v5  }
0x26a: {  	v4 =	vor.u32 v3, v4;
	v5 =	vld [tilespmem:s8+$0xA030];
	_ =	sdelay $0x2  }
.Ltmp6:
0x26b: {  	s20 =	sshll.u32 s18, $0xD;
	(pc) =	sbr.rel @p0 .LBB2_9-.Ltmp6, $4  }
0x26c: {  	s8 =	sor.u32 s21, s20  }
0x26d: {  	s18 =	simm.s32 $0x1;
	p1 =	por $0x0, $0x0;
	s8 =	sadd.s32 s3, s8;
	[tilespmem:v4+s2+$0x0] =	vst.idx.msk $0xffff, v5  }
0x26e: {  	[hbm4b:s8+s4] =	stream.linear.scatter [tilespmem:s2], [sflag:$0x4], $0x8000, $0x38;
	[tilespmem:$0x1C000] =	vst v63  }
0x26f: {  	s15 =	smov.u32 s23;
	s17 =	smov.u32 s24;
	s8 =	smov.u32 s22  }
0x270: {  	s8 =	simm.s32 $0x3  }
0x271: {  	_ =	swait.ge [sflag:s8], $0x8000  }
0x272: {  	[sflag:s8] =	ssyncset.done $0x0  }
0x273: {  	s15 =	simm.s32 $0x4;
	[sflag:s8] =	ssyncadd.s32 $0xFFFF8000  }
0x274: {  	_ =	swait.ge [sflag:s15], $0x8000  }
0x275: {  	s26 =	sadd.s32 $0x1, s26;
	s20 =	rddreg [dreg:$0xf]  }
0x276: {  	p0 =	sne.s32 s26, s20  }
.Ltmp7:
0x277: {  	_ = 	snop;
	(pc) =	sbr.rel @p0 .LBB2_1-.Ltmp7, $3  }
0x278: {  	_ =	sdelay $0x1  }
0x279: {  	[sflag:s15] =	ssyncset.done $0x0  }
0x27a: {  	[sflag:s15] =	ssyncadd.s32 $0xFFFF8000  }
0x27b: {  	_ =	sfence.sel $0x180000  }
0x27c: {  	[bflag:$0x0] =	sbarrier.arrive $0xFFFF  }
0x27d: {  	_ =	strace $0x90000047  }
0x27e: {  	s0 =	stileid.u32;
	[bflag:$0x2] =	sbarrier.arrive $0xFFFF  }
0x27f: {  	p0 =	sne.s32 s0, $0x0;
	s0 =	rddreg [dreg:$0x3]  }
0x280: {  	s0 =	sadd.s32 @!p0 $0x100000, s0  }
0x281: {  	[sflag:s0] =	ssyncadd.tile.s32 @!p0 $0x1;
	_ =	shalt  }
.Lfunc_end2:
_tile_overlayer_lowered:
.L_overlay_start_2:
0x282: {  	(tag) =	ssettag $0x2  }
0x283: {  	s0 =	rddreg [dreg:$0x0];
	s2 =	stileid.u32  }
0x284: {  	s1 =	rddreg [dreg:$0x1];
	p0 =	sne.s32 s2, $0x0  }
0x285: {  	s3 =	rddreg [dreg:$0x2];
	[bflag:$0x3] =	sbarrier.arrive $0xFFFF;
	s2 =	simm.s32 @!p0 $0x1C05  }
0x286: {  	[timem:s3], [sflag:s2] =	dma.local @!p0 [hbm:s0], s1  }
0x287: {  	s0 =	simm.s32 @!p0 $0x5  }
0x288: {  	_ =	swait.ge @!p0 [sflag:s0], s1  }
0x289: {  	s1 =	ssub.s32 @!p0 $0x0, s1;
	[sflag:s0] =	ssyncset.done @!p0 $0x0  }
0x28a: {  	[sflag:s0] =	ssyncadd.s32 @!p0 s1  }
0x28b: {  	[bflag:$0x3] =	sbarrier.arrive $0xFFFF  }
0x28c: {  	_ =	shalt  }

// kernel: sparse-core-data-format-call.cloned.1.call-start
scs
called_computation_lowered:
.L_overlay_start_0:
0x0: {  	s2 =	sld [smem:$0x3FD9]  }
0x1: {  	s3 =	sld [smem:$0x3FFE];
	_ =	sdelay $0x1  }
0x2: {  	s1 =	srdreg.scid  }
0x3: {  	s0 =	sand.u32 $0x1, s1  }
0x4: {  	s18 =	sshll.u32 s0, $0xA;
	s2 =	sadd.s32 s3, s2  }
0x5: {  	s2 =	sadd.s32 s2, s18  }
0x6: {  	[smem:$0x3FC6] =	sst s2  }
0x7: {  	_ = 	snop  }
0x8: {  	s2 =	sld [smem:$0x3FD0];
	(tm) =	ssettm $0x1  }
0x9: {  	s19 =	sld [smem:$0x3FFB];
	_ =	sdelay $0x3  }
0xa: {  	_ =	strace s19  }
0xb: {  	s3 =	sld [smem:$0x3FFC];
	_ =	sdelay $0x3  }
0xc: {  	_ =	strace s3  }
0xd: {  	s3 =	sld [smem:$0x3FFD];
	_ =	sdelay $0x3  }
0xe: {  	_ =	strace s3  }
0xf: {  	_ =	strace $0x8FFFFFFF  }
0x10: {  	s20 =	sld [smem:$0x3FDB];
	_ =	sdelay $0x1  }
0x11: {  	s4 =	simm.s32 $_scs_section_size  }
0x12: {  	s5 =	simm.s32 $_size__tile_overlayer_lowered;
	s6 =	simm.s32 $_tile_overlayer_lowered  }
0x13: {  	s23 =	simm.s32 $0x1BFF;
	s22 =	sshll.u32 s6, $0x1;
	s3 =	sadd.s32 s4, s20  }
0x14: {  	s7 =	simm.s32 $0x0;
	s21 =	sshll.u32 s5, $0x1;
	s5 =	sadd.s32 s22, s3  }
0x15: {  	[timem:s7], [sflag:s23] =	dma.local [hbm:s5], s21  }
0x16: {  	_ =	swait.ge [sflag:s23], s21  }
0x17: {  	s4 =	ssub.s32 $0x0, s21;
	[sflag:s23] =	ssyncset.done $0x0  }
0x18: {  	[sflag:s23] =	ssyncadd.s32 s4;
	_ =	sdelay $0x1  }
0x19: {  	s24 =	simm.s32 $0x1B8B  }
0x1a: {  	_ =	swait.ge [sflag:s24], $0x1  }
0x1b: {  	[sflag:s24] =	ssyncset.done $0x0  }
0x1c: {  	s26 =	simm.s32 $0x1B8E;
	s25 =	sld [smem:$0x3FFE];
	[sflag:s24] =	ssyncadd.s32 $0xFFFFFFFF  }
0x1d: {  	s27 =	simm.s32 $execute0_lowered;
	[smem:$0x3FD2] =	sst s26  }
0x1e: {  	s5 =	sshll.u32 s27, $0x1;
	_ =	strace $0x80000049;
	[dreg:$0x1] =	wrdreg $0xFFFFFFFF  }
0x1f: {  	s28 =	simm.s32 $_size_execute0_lowered;
	s3 =	sadd.s32 s3, s5;
	[dreg:$0x0] =	wrdreg $0x0  }
0x20: {  	s5 =	sshll.u32 s28, $0x1;
	[dreg:$0x2] =	wrdreg s3  }
0x21: {  	[dreg:$0x3] =	wrdreg s5  }
0x22: {  	[dreg:$0x4] =	wrdreg $0xC0  }
0x23: {  	_ =	task [dreg:s7], $0x5FFFF  }
0x24: {  	[dreg:$0x1] =	wrdreg $0xFFFFFFFF  }
0x25: {  	[dreg:$0x0] =	wrdreg $0x60  }
0x26: {  	[dreg:$0x2] =	wrdreg s25  }
0x27: {  	[dreg:$0x3] =	wrdreg s2  }
0x28: {  	[dreg:$0x4] =	wrdreg $0x9  }
0x29: {  	_ =	task.clear_ibuf [dreg:s7], $0x5FFFF;
	_ =	strace $0x90000049  }
0x2a: {  	s29 =	simm.s32 $0x9;
	_ =	strace $0x8000004B  }
0x2b: {  	_ =	swait.ge [sflag:s29], $0x1  }
0x2c: {  	[sflag:s29] =	ssyncadd.s32 $0xFFFFFFFF  }
0x2d: {  	_ =	strace $0x9000004B  }
0x2e: {  	_ =	sfence  }
0x2f: {  	s30 =	sld [smem:$0x0];
	_ =	sdelay $0x2  }
0x30: {  	s31 =	sshll.u32 s1, $0xD;
	s1 =	sshrl.u32 s1, $0x2  }
0x31: {  	s3 =	sand.u32 $0x4000, s31;
	s1 =	sadd.s32 s1, s30  }
0x32: {  	s0 =	sor.u32 s3, s0;
	s1 =	sshll.u32 s1, $0x11  }
0x33: {  	s0 =	sor.u32 s1, s0  }
0x34: {  	s0 =	sadd.s32 $0x8F2B, s0  }
0x35: {  	[sflag:s0] =	ssyncadd.remote.s32 $0x1  }
0x36: {  	_ =	sfence.sel $0xFFFF  }
0x37: {  	[dreg:$0x0] =	wrdreg $0xFFFFFFFF;
	(pc) =	sbr.abs _section_cstart, $3  }
0x38: {  	[dreg:$0x1] =	wrdreg $0xFFFFFFFF  }
0x39: {  	_ =	task.clear_ibuf [dreg:s7], $0x2FFFF;
	_ =	strace $0x9FFFFFFF  }
0x3a: {  	(tm) =	ssettm $0x7FFFFFFF  }
0x3b: {  	_ =	shalt  }
tec
execute0_lowered:
.L_overlay_start_1:
0x0: {  	(tag) =	ssettag $0x1  }
0x1: {  	s0 =	srdreg.scid  }
0x2: {  	s1 =	sshll.u32 s0, $0x4  }
0x3: {  	s6 =	rddreg [dreg:$0x0];
	s0 =	stileid.u32;
	s1 =	sand.u32 $0x10, s1  }
0x4: {  	s3 =	rddreg [dreg:$0x1];
	s1 =	sor.u32 s0, s1  }
0x5: {  	s7 =	simm.s32 $0x1;
	s8 =	simm.s32 $0x2;
	s2 =	sshll.u32 s1, $0x7  }
0x6: {  	s10 =	simm.s32 $0x0;
	s9 =	simm.s32 $0x0;
	s5 =	ssub.s32 $0x280000, s2  }
.Ltmp0:
0x7: {  	s6 =	sadd.s32 $0x800, s6;
	s4 =	sand.u32 $0xF80, s5;
	(pc) =	sbr.rel .LBB1_1-.Ltmp0, $4  }
0x8: {  	s1 =	rddreg [dreg:$0x2];
	_ =	strace $0x8000004A;
	p0 =	sne.s32 s4, $0x0  }
0x9: {  	s5 =	sshrl.u32 s5, $0xC;
	s4 =	simm.s32 $0x1;
	s7 =	simm.s32 @!p0 $0x0  }
0xa: {  	[sflag:s4] =	ssyncpa.u1 $0x0;
	p0 =	por $0x0, $0x0;
	s5 =	sadd.s32 s7, s5  }
0xb: {  	[sflag:s8] =	ssyncpa.u1 $0x0;
	s8 =	smov.u32 s2;
	s7 =	sadd.s32 $0x1, s5  }
.LBB1_4:
0xc: {  	[tilespmem:s20+$0xFFFFFFFA ss:$0x81] =	vst.msk $0xff, v4  }
0xd: {  	v4 =	vld.msk [tilespmem:s21+$0xFFFFFFF0], $0xff;
	_ =	sdelay $0x3  }
0xe: {  	[tilespmem:s18+$0xFFFFFFFB ss:$0x81] =	vst.msk $0xff, v3  }
0xf: {  	v3 =	vld.msk [tilespmem:s19+$0xFFFFFFF8], $0xff;
	[tilespmem:s20+$0xFFFFFFFB ss:$0x81] =	vst.msk $0xff, v4  }
0x10: {  	v4 =	vld.msk [tilespmem:s21+$0xFFFFFFF8], $0xff;
	_ =	sdelay $0x3  }
0x11: {  	v5 =	vld.msk [tilespmem:s17+$0x0], $0xff;
	[tilespmem:s18+$0xFFFFFFFC ss:$0x81] =	vst.msk $0xff, v3  }
0x12: {  	v3 =	vld.msk [tilespmem:s19+$0x0], $0xff;
	[tilespmem:s20+$0xFFFFFFFC ss:$0x81] =	vst.msk $0xff, v4  }
0x13: {  	v4 =	vld.msk [tilespmem:s21+$0x0], $0xff;
	_ =	sdelay $0x2  }
0x14: {  	[tilespmem:s16+$0xFFFFFFFD ss:$0x81] =	vst.msk $0xff, v5  }
0x15: {  	v5 =	vld.msk [tilespmem:s17+$0x8], $0xff;
	[tilespmem:s18+$0xFFFFFFFD ss:$0x81] =	vst.msk $0xff, v3  }
0x16: {  	v3 =	vld.msk [tilespmem:s19+$0x8], $0xff;
	[tilespmem:s20+$0xFFFFFFFD ss:$0x81] =	vst.msk $0xff, v4  }
0x17: {  	v4 =	vld.msk [tilespmem:s21+$0x8], $0xff;
	_ =	sdelay $0x1  }
0x18: {  	[tilespmem:s13+$0xFFFFFFFE ss:$0x81] =	vst.msk $0xff, v2  }
0x19: {  	v2 =	vld.msk [tilespmem:s15+$0x10], $0xff;
	[tilespmem:s16+$0xFFFFFFFE ss:$0x81] =	vst.msk $0xff, v5  }
0x1a: {  	v5 =	vld.msk [tilespmem:s17+$0x10], $0xff;
	[tilespmem:s18+$0xFFFFFFFE ss:$0x81] =	vst.msk $0xff, v3  }
0x1b: {  	v3 =	vld.msk [tilespmem:s19+$0x10], $0xff;
	[tilespmem:s20+$0xFFFFFFFE ss:$0x81] =	vst.msk $0xff, v4  }
0x1c: {  	v4 =	vld.msk [tilespmem:s21+$0x10], $0xff  }
0x1d: {  	s23 =	sshll.u32 s10, $0x3;
	[tilespmem:s12+$0xFFFFFFFF ss:$0x81] =	vst.msk $0xff, v1  }
0x1e: {  	s26 =	sand.u32 $0x7F, s10;
	s24 =	sand.u32 $0xFFFFFC00, s23;
	v1 =	vld.msk [tilespmem:s14+$0x18], $0xff;
	[tilespmem:s13+$0xFFFFFFFF ss:$0x81] =	vst.msk $0xff, v2  }
0x1f: {  	s28 =	smulhi.u32 $0xCCCCCCCD, s23;
	s10 =	sor.u32 s26, s24;
	v2 =	vld.msk [tilespmem:s15+$0x18], $0xff;
	[tilespmem:s16+$0xFFFFFFFF ss:$0x81] =	vst.msk $0xff, v5  }
0x20: {  	s27 =	smulhi.u32 $0xCCCCCCCD, s10;
	v61 =	vld.msk [tilespmem:s17+$0x18], $0xff;
	[tilespmem:s18+$0xFFFFFFFF ss:$0x81] =	vst.msk $0xff, v3  }
0x21: {  	v62 =	vld.msk [tilespmem:s19+$0x18], $0xff;
	[tilespmem:s20+$0xFFFFFFFF ss:$0x81] =	vst.msk $0xff, v4  }
0x22: {  	[tilespmem:s11+$0x0 ss:$0x81] =	vst.msk $0xff, v0;
	s30 =	sshrl.u32 s28, $0x15;
	s29 =	sshrl.u32 s27, $0x15;
	v63 =	vld.msk [tilespmem:s21+$0x18], $0xff  }
0x23: {  	s31 =	sand.u32 $0x7, s30;
	[tilespmem:s12+$0x0 ss:$0x81] =	vst.msk $0xff, v1;
	s11 =	smul.u32 $0x280000, s29  }
0x24: {  	s12 =	smul.u32 $0x50000, s31;
	[tilespmem:s13+$0x0 ss:$0x81] =	vst.msk $0xff, v2  }
0x25: {  	s10 =	ssub.s32 s10, s11;
	[tilespmem:s16+$0x0 ss:$0x81] =	vst.msk $0xff, v61  }
0x26: {  	s12 =	sadd.s32 s3, s12;
	s11 =	sshrl.u32 s10, $0x3;
	[tilespmem:s18+$0x0 ss:$0x81] =	vst.msk $0xff, v62  }
0x27: {  	s10 =	sand.u32 $0x7, s10;
	s11 =	sadd.s32 s11, s12;
	[tilespmem:s20+$0x0 ss:$0x81] =	vst.msk $0xff, v63  }
0x28: {  	[hbm4b:s11+s10] =	stream.linear.scatter [tilespmem:s22], [sflag:$0x2], $0x400, $0x20;
	[tilespmem:$0x1010] =	vst v63  }
.LBB1_5:
0x29: {  	s12 =	sadd.s32 $0x1000, s8  }
0x2a: {  	p2 =	sgt.s32 s12, $0x27FFFF  }
0x2b: {  	s12 =	smov.u32 @p2 s2;
	p2 =	sne.s32 s9, s7  }
.Ltmp1:
0x2c: {  	p1 =	slt.u32 s9, $0x2;
	(pc) =	sbr.rel @!p2 .LBB1_6-.Ltmp1, $4  }
0x2d: {  	s11 =	simm.s32 @!p1 $0x2  }
0x2e: {  	s13 =	sadd.s32 $0x1, s9;
	_ =	swait.ge @!p1 [sflag:s11], $0x400  }
0x2f: {  	s10 =	smov.u32 s8;
	p0 =	por !p0, !p0;
	[sflag:s11] =	ssyncset.done @!p1 $0x0  }
0x30: {  	s9 =	smov.u32 s13;
	s8 =	smov.u32 s12;
	[sflag:s11] =	ssyncadd.s32 @!p1 $0xFFFFFC00  }
.LBB1_1:
0x31: {  	p1 =	sge.u32 s9, s5  }
0x32: {  	s11 =	sand.u32 @!p1 $0x1FFFFFF, s8  }
0x33: {  	s12 =	smulhi.u32 @!p1 $0xCCCCCD, s11;
	_ =	sdelay $0x1  }
0x34: {  	s12 =	sshrl.u32 @!p1 s12, $0xD  }
0x35: {  	s12 =	smul.u32 @!p1 $0x280000, s12;
	_ =	sdelay $0x1  }
0x36: {  	s31 =	sadd.s32 $0xFFFFFFFF, s9;
	s13 =	sxor.u32 @!p1 $0xFFFFFFFF, s9;
	s11 =	ssub.s32 @!p1 s11, s12  }
0x37: {  	s14 =	simm.s32 @!p1 $0x80;
	s13 =	sshll.u32 @!p1 s13, $0xA;
	s11 =	sshll.u32 @!p1 s11, $0x4  }
0x38: {  	s12 =	sand.u32 @!p1 $0x400, s13;
	s13 =	simm.s32 @!p1 $0x8;
	s11 =	sadd.s32 @!p1 s6, s11  }
0x39: {  	[tilespmem:s12], [sflag:$0x1] =	stream.strided.gather @!p1 [hbm4b:s11+s13], $0x400, s14, s13, $0x38;
	[tilespmem:$0x1010] =	vst v63  }
0x3a: {  	p1 =	sge.u32 s31, s5  }
.Ltmp2:
0x3b: {  	_ = 	snop;
	(pc) =	sbr.rel @p1 .LBB1_5-.Ltmp2, $1  }
0x3c: {  	_ =	sdelay $0x3  }
0x3d: {  	s11 =	simm.s32 $0x1  }
0x3e: {  	_ =	swait.ge [sflag:s4], $0x400;
	s11 =	simm.s32 @!p0 $0x0  }
0x3f: {  	[sflag:s4] =	ssyncset.done $0x0;
	s12 =	sshll.u32 s11, $0xA  }
0x40: {  	[sflag:s4] =	ssyncadd.s32 $0xFFFFFC00;
	s20 =	sor.u32 $0x20, s12  }
0x41: {  	v0 =	vld.msk [tilespmem:s20+$0xFFFFFFE0], $0xff  }
0x42: {  	s11 =	smul.u32 $0x1020, s11;
	_ =	sdelay $0x1  }
0x43: {  	s11 =	sshrl.u32 s11, $0x2  }
0x44: {  	s11 =	sor.u32 $0x807, s11  }
0x45: {  	[tilespmem:s11+$0xFFFFFFF9 ss:$0x81] =	vst.msk $0xff, v0  }
0x46: {  	v0 =	vld.msk [tilespmem:s20+$0xFFFFFFE8], $0xff  }
0x47: {  	s14 =	sadd.s32 $0x40, s20  }
0x48: {  	v1 =	vld.msk [tilespmem:s14+$0xFFFFFFE0], $0xff;
	_ =	sdelay $0x2  }
0x49: {  	[tilespmem:s11+$0xFFFFFFFA ss:$0x81] =	vst.msk $0xff, v0  }
0x4a: {  	s12 =	sadd.s32 $0x8, s11;
	v0 =	vld.msk [tilespmem:s20+$0xFFFFFFF0], $0xff  }
0x4b: {  	[tilespmem:s12+$0xFFFFFFF9 ss:$0x81] =	vst.msk $0xff, v1  }
0x4c: {  	v1 =	vld.msk [tilespmem:s14+$0xFFFFFFE8], $0xff  }
0x4d: {  	s15 =	sadd.s32 $0x40, s14  }
0x4e: {  	v2 =	vld.msk [tilespmem:s15+$0xFFFFFFE0], $0xff  }
0x4f: {  	[tilespmem:s11+$0xFFFFFFFB ss:$0x81] =	vst.msk $0xff, v0  }
0x50: {  	v0 =	vld.msk [tilespmem:s20+$0xFFFFFFF8], $0xff  }
0x51: {  	[tilespmem:s12+$0xFFFFFFFA ss:$0x81] =	vst.msk $0xff, v1  }
0x52: {  	s13 =	sadd.s32 $0x8, s12;
	v1 =	vld.msk [tilespmem:s14+$0xFFFFFFF0], $0xff  }
0x53: {  	[tilespmem:s13+$0xFFFFFFF9 ss:$0x81] =	vst.msk $0xff, v2  }
0x54: {  	s17 =	sadd.s32 $0x40, s15;
	v2 =	vld.msk [tilespmem:s15+$0xFFFFFFE8], $0xff  }
0x55: {  	[tilespmem:s11+$0xFFFFFFFC ss:$0x81] =	vst.msk $0xff, v0;
	v0 =	vld.msk [tilespmem:s17+$0xFFFFFFE0], $0xff  }
0x56: {  	v3 =	vld.msk [tilespmem:s20+$0x0], $0xff  }
0x57: {  	[tilespmem:s12+$0xFFFFFFFB ss:$0x81] =	vst.msk $0xff, v1  }
0x58: {  	v1 =	vld.msk [tilespmem:s14+$0xFFFFFFF8], $0xff  }
0x59: {  	s16 =	sadd.s32 $0x8, s13;
	[tilespmem:s13+$0xFFFFFFFA ss:$0x81] =	vst.msk $0xff, v2  }
0x5a: {  	v2 =	vld.msk [tilespmem:s15+$0xFFFFFFF0], $0xff;
	[tilespmem:s16+$0xFFFFFFF9 ss:$0x81] =	vst.msk $0xff, v0  }
0x5b: {  	v0 =	vld.msk [tilespmem:s17+$0xFFFFFFE8], $0xff;
	[tilespmem:s11+$0xFFFFFFFD ss:$0x81] =	vst.msk $0xff, v3  }
0x5c: {  	s19 =	sadd.s32 $0x40, s17;
	v3 =	vld.msk [tilespmem:s20+$0x8], $0xff  }
0x5d: {  	[tilespmem:s12+$0xFFFFFFFC ss:$0x81] =	vst.msk $0xff, v1;
	v1 =	vld.msk [tilespmem:s19+$0xFFFFFFE0], $0xff  }
0x5e: {  	v4 =	vld.msk [tilespmem:s14+$0x0], $0xff  }
0x5f: {  	[tilespmem:s13+$0xFFFFFFFB ss:$0x81] =	vst.msk $0xff, v2  }
0x60: {  	v2 =	vld.msk [tilespmem:s15+$0xFFFFFFF8], $0xff;
	[tilespmem:s16+$0xFFFFFFFA ss:$0x81] =	vst.msk $0xff, v0  }
0x61: {  	s18 =	sadd.s32 $0x8, s16;
	v0 =	vld.msk [tilespmem:s17+$0xFFFFFFF0], $0xff;
	[tilespmem:s11+$0xFFFFFFFE ss:$0x81] =	vst.msk $0xff, v3  }
0x62: {  	[tilespmem:s18+$0xFFFFFFF9 ss:$0x81] =	vst.msk $0xff, v1;
	v1 =	vld.msk [tilespmem:s20+$0x10], $0xff  }
0x63: {  	[tilespmem:s12+$0xFFFFFFFD ss:$0x81] =	vst.msk $0xff, v4;
	v3 =	vld.msk [tilespmem:s19+$0xFFFFFFE8], $0xff  }
0x64: {  	s21 =	sadd.s32 $0x40, s19;
	v4 =	vld.msk [tilespmem:s14+$0x8], $0xff  }
0x65: {  	[tilespmem:s13+$0xFFFFFFFC ss:$0x81] =	vst.msk $0xff, v2;
	v2 =	vld.msk [tilespmem:s21+$0xFFFFFFE0], $0xff  }
0x66: {  	v5 =	vld.msk [tilespmem:s15+$0x0], $0xff;
	[tilespmem:s16+$0xFFFFFFFB ss:$0x81] =	vst.msk $0xff, v0  }
0x67: {  	v6 =	vld.msk [tilespmem:s17+$0xFFFFFFF8], $0xff;
	[tilespmem:s11+$0xFFFFFFFF ss:$0x81] =	vst.msk $0xff, v1  }
0x68: {  	s22 =	sand.u32 $0x1, s9;
	[tilespmem:s18+$0xFFFFFFFA ss:$0x81] =	vst.msk $0xff, v3;
	v0 =	vld.msk [tilespmem:s20+$0x18], $0xff  }
0x69: {  	s22 =	smul.u32 $0x1020, s22;
	[tilespmem:s12+$0xFFFFFFFE ss:$0x81] =	vst.msk $0xff, v4;
	v3 =	vld.msk [tilespmem:s19+$0xFFFFFFF0], $0xff;
	s20 =	sadd.s32 $0x8, s18  }
0x6a: {  	v1 =	vld.msk [tilespmem:s14+$0x10], $0xff;
	[tilespmem:s20+$0xFFFFFFF9 ss:$0x81] =	vst.msk $0xff, v2  }
0x6b: {  	s22 =	sshrl.u32 s22, $0x2;
	[tilespmem:s13+$0xFFFFFFFD ss:$0x81] =	vst.msk $0xff, v5;
	v4 =	vld.msk [tilespmem:s21+$0xFFFFFFE8], $0xff  }
0x6c: {  	s23 =	simm.s32 $0x28;
	s22 =	sor.u32 $0x800, s22;
	s24 =	sadd.s32 $0x40, s21;
	v2 =	vld.msk [tilespmem:s15+$0x8], $0xff;
	[tilespmem:s16+$0xFFFFFFFC ss:$0x81] =	vst.msk $0xff, v6  }
.LBB1_3:
0x6d: {  	v5 =	vld.msk [tilespmem:s24+$0xFFFFFFE0], $0xff;
	[tilespmem:s11+$0x0 ss:$0x81] =	vst.msk $0xff, v0;
	s11 =	smov.u32 s12;
	s12 =	smov.u32 s13;
	s13 =	smov.u32 s16  }
0x6e: {  	s23 =	sadd.s32 $0x8, s23;
	s16 =	smov.u32 s18;
	[tilespmem:s18+$0xFFFFFFFB ss:$0x81] =	vst.msk $0xff, v3;
	v6 =	vld.msk [tilespmem:s17+$0x0], $0xff;
	s18 =	smov.u32 s20  }
0x6f: {  	p1 =	slt.u32 s23, $0x78;
	v7 =	vld.msk [tilespmem:s19+$0xFFFFFFF8], $0xff;
	[tilespmem:s11+$0xFFFFFFFF ss:$0x81] =	vst.msk $0xff, v1  }
.Ltmp3:
0x70: {  	[tilespmem:s20+$0xFFFFFFFA ss:$0x81] =	vst.msk $0xff, v4;
	v0 =	vld.msk [tilespmem:s14+$0x18], $0xff;
	s14 =	smov.u32 s15;
	s15 =	smov.u32 s17;
	(pc) =	sbr.rel @p1 .LBB1_3-.Ltmp3, $4  }
0x71: {  	s20 =	sadd.s32 $0x8, s20;
	s17 =	smov.u32 s19;
	s19 =	smov.u32 s21;
	v3 =	vld.msk [tilespmem:s21+$0xFFFFFFF0], $0xff;
	[tilespmem:s12+$0xFFFFFFFE ss:$0x81] =	vst.msk $0xff, v2  }
0x72: {  	s21 =	smov.u32 s24;
	[tilespmem:s20+$0xFFFFFFF9 ss:$0x81] =	vst.msk $0xff, v5;
	v1 =	vld.msk [tilespmem:s14+$0x10], $0xff  }
0x73: {  	v4 =	vld.msk [tilespmem:s24+$0xFFFFFFE8], $0xff;
	[tilespmem:s13+$0xFFFFFFFD ss:$0x81] =	vst.msk $0xff, v6  }
0x74: {  	s24 =	sadd.s32 $0x40, s24;
	[tilespmem:s16+$0xFFFFFFFC ss:$0x81] =	vst.msk $0xff, v7;
	v2 =	vld.msk [tilespmem:s15+$0x8], $0xff  }
.Ltmp4:
0x75: {  	_ = 	snop;
	(pc) =	sbr.rel .LBB1_4-.Ltmp4, $1  }
0x76: {  	_ =	sdelay $0x3  }
.LBB1_6:
0x77: {  	_ =	sfence.sel $0x180000  }
0x78: {  	s2 =	simm.s32 $0x1;
	[bflag:$0x0] =	sbarrier.arrive $0xFFFF  }
0x79: {  	s31 =	simm.s32 $0x2;
	[sflag:s2] =	ssyncpa.u1 $0x1  }
0x7a: {  	[sflag:s31] =	ssyncpa.u1 $0x1  }
0x7b: {  	p0 =	sne.s32 s0, $0x0;
	_ =	strace $0x9000004A  }
0x7c: {  	s0 =	sadd.s32 @!p0 $0x100000, s1;
	[bflag:$0x2] =	sbarrier.arrive $0xFFFF  }
0x7d: {  	[sflag:s0] =	ssyncadd.tile.s32 @!p0 $0x1;
	_ =	shalt  }
.Lfunc_end1:
_tile_overlayer_lowered:
.L_overlay_start_2:
0x7e: {  	(tag) =	ssettag $0x2  }
0x7f: {  	s0 =	rddreg [dreg:$0x0];
	s2 =	stileid.u32  }
0x80: {  	s1 =	rddreg [dreg:$0x1];
	p0 =	sne.s32 s2, $0x0  }
0x81: {  	s3 =	rddreg [dreg:$0x2];
	[bflag:$0x3] =	sbarrier.arrive $0xFFFF;
	s2 =	simm.s32 @!p0 $0x1C01  }
0x82: {  	[timem:s3], [sflag:s2] =	dma.local @!p0 [hbm:s0], s1  }
0x83: {  	s0 =	simm.s32 @!p0 $0x1  }
0x84: {  	_ =	swait.ge @!p0 [sflag:s0], s1  }
0x85: {  	s1 =	ssub.s32 @!p0 $0x0, s1;
	[sflag:s0] =	ssyncset.done @!p0 $0x0  }
0x86: {  	[sflag:s0] =	ssyncadd.s32 @!p0 s1  }
0x87: {  	[bflag:$0x3] =	sbarrier.arrive $0xFFFF  }
0x88: {  	_ =	shalt  }

</sc_bundles>
